<compile_context>
chip_gen: v7x
topology: tpu7x:2x2x1
jax: 0.10.2.dev20260603
libtpu: 0.0.44.dev20260713+nightly
codegen_flags: <defaults>
</compile_context>

<pallas_src>
import functools

import jax
import jax.numpy as jnp
from jax import lax
from jax.experimental import pallas as pl
from jax.experimental.pallas import tpu as pltpu
from jax.experimental.pallas import tpu_sc as plsc

N = 10000
E = 320000
D_IN = 128
D_OUT = 128
H = 8
DH = 16
LOG2E = 1.4426950408889634
CLIP = 5.0 * LOG2E

NTILE = 32
TPC = E // NTILE
C = 40
NCHUNK = TPC // C
GC = 10
GW = GC * C
NP = 10240
RPT = NP // 16
ROW = 136


def _proj_body(h_ref, wq_ref, bq_ref, wkv_ref, bkv_ref, q_ref, kv_ref):
    h = h_ref[...]
    q = jnp.dot(h, wq_ref[...], preferred_element_type=jnp.float32) + bq_ref[...]
    q_ref[...] = q * (1.0 / (DH ** 0.5))
    kv_ref[...] = jnp.dot(h, wkv_ref[...], preferred_element_type=jnp.float32) + bkv_ref[...]


def _proj(h, Qw, Qb, Kw, Kb, Vw, Vb):
    wkv = jnp.concatenate([Kw, Vw], axis=1)
    bkv = jnp.concatenate([Kb, Vb])[None, :]
    bq = Qb[None, :]
    nb = 5
    rb = N // nb
    return pl.pallas_call(
        _proj_body,
        grid=(nb,),
        in_specs=[
            pl.BlockSpec((rb, D_IN), lambda i: (i, 0)),
            pl.BlockSpec((D_IN, D_OUT), lambda i: (0, 0)),
            pl.BlockSpec((1, D_OUT), lambda i: (0, 0)),
            pl.BlockSpec((D_IN, 2 * D_OUT), lambda i: (0, 0)),
            pl.BlockSpec((1, 2 * D_OUT), lambda i: (0, 0)),
        ],
        out_specs=[
            pl.BlockSpec((rb, D_OUT), lambda i: (i, 0)),
            pl.BlockSpec((rb, 2 * D_OUT), lambda i: (i, 0)),
        ],
        out_shape=[
            jax.ShapeDtypeStruct((N, D_OUT), jnp.float32),
            jax.ShapeDtypeStruct((N, 2 * D_OUT), jnp.float32),
        ],
    )(h, Qw, bq, wkv, bkv)


def _edge_body(kv_hbm, q_hbm, ei_hbm, zero_hbm, wv_out, z_out,
               ijb, dsct, kvb, qb, msgb, acc,
               skv0, skv1, sq0, sq1, sm0, sm1):
    cid = lax.axis_index("c")
    sid_ = lax.axis_index("s")
    pltpu.sync_copy(zero_hbm, acc.at[pl.ds(sid_ * RPT, RPT), :])
    plsc.subcore_barrier()

    lanes = lax.iota(jnp.int32, 16)
    mask8 = lanes < 8
    col128 = lanes + 128
    base_t = (cid * 16 + sid_) * TPC
    skv = (skv0, skv1)
    sq = (sq0, sq1)
    sm = (sm0, sm1)

    pltpu.sync_copy(ei_hbm.at[:, pl.ds(base_t, GW)], ijb.at[0])
    pltpu.async_copy(kv_hbm.at[ijb.at[0, 0, pl.ds(0, C)]], kvb.at[0], skv[0])
    pltpu.async_copy(q_hbm.at[ijb.at[0, 1, pl.ds(0, C)]], qb.at[0], sq[0])

    def step(cur, nxt, i):
        @pl.when(i + 1 < NCHUNK)
        def _():
            n1 = i + 1
            g1 = n1 // GC
            o1 = (n1 % GC) * C
            gs1 = g1 % 2

            @pl.when(n1 % GC == 0)
            def _():
                pltpu.sync_copy(ei_hbm.at[:, pl.ds(base_t + g1 * GW, GW)],
                                ijb.at[gs1])

            pltpu.async_copy(kv_hbm.at[ijb.at[gs1, 0, pl.ds(o1, C)]],
                             kvb.at[nxt], skv[nxt])
            pltpu.async_copy(q_hbm.at[ijb.at[gs1, 1, pl.ds(o1, C)]],
                             qb.at[nxt], sq[nxt])

        g0 = i // GC
        o0 = (i % GC) * C
        gs0 = g0 % 2
        pltpu.make_async_copy(kv_hbm.at[ijb.at[gs0, 0, pl.ds(o0, C)]],
                              kvb.at[cur], skv[cur]).wait()
        pltpu.make_async_copy(q_hbm.at[ijb.at[gs0, 1, pl.ds(o0, C)]],
                              qb.at[cur], sq[cur]).wait()
        dsct[cur, pl.ds(0, 16)] = ijb[gs0, 1, pl.ds(o0, 16)]
        dsct[cur, pl.ds(16, 16)] = ijb[gs0, 1, pl.ds(o0 + 16, 16)]
        dsct[cur, pl.ds(24, 16)] = ijb[gs0, 1, pl.ds(o0 + 24, 16)]

        def edge_body(e, c2):
            cums = [plsc.cumsum(kvb[cur, e, pl.ds(16 * h, 16)]
                                * qb[cur, e, pl.ds(16 * h, 16)])
                    for h in range(H)]
            sv = jnp.zeros((16,), jnp.float32)
            for h in range(H):
                sb = jnp.broadcast_to(cums[h][15], (16,))
                sb = jnp.exp(jnp.clip(sb, -5.0, 5.0))
                msgb[cur, e, pl.ds(16 * h, 16)] = (
                    kvb[cur, e, pl.ds(128 + 16 * h, 16)] * sb)
                sv = jnp.where(lanes == h, sb, sv)
            plsc.store_scatter(msgb.at[cur],
                               [jnp.broadcast_to(e, (16,)), col128],
                               sv, mask=mask8)
            return c2

        lax.fori_loop(0, C, edge_body, 0)

        @pl.when(i > 0)
        def _():
            pltpu.make_async_copy(msgb.at[nxt], acc.at[dsct.at[nxt]],
                                  sm[nxt]).wait()
        pltpu.async_copy(msgb.at[cur], acc.at[dsct.at[cur]], sm[cur], add=True)

    def chunk_body(i, carry):
        @pl.when(i % 2 == 0)
        def _():
            step(0, 1, i)

        @pl.when(i % 2 == 1)
        def _():
            step(1, 0, i)

        return carry

    lax.fori_loop(0, NCHUNK, chunk_body, 0)
    last = (NCHUNK - 1) % 2
    pltpu.make_async_copy(msgb.at[last], acc.at[dsct.at[last]],
                          sm[last]).wait()
    plsc.subcore_barrier()
    r0 = sid_ * RPT
    pltpu.sync_copy(acc.at[pl.ds(r0, RPT), pl.ds(0, 128)],
                    wv_out.at[cid, pl.ds(r0, RPT), :])
    pltpu.sync_copy(acc.at[pl.ds(r0, RPT), pl.ds(128, 8)],
                    z_out.at[cid, pl.ds(r0, RPT), :])


def _edge_phase(kv, q, edge_index):
    zero = jnp.zeros((RPT, ROW), dtype=jnp.float32)
    mesh = plsc.VectorSubcoreMesh(core_axis_name="c", subcore_axis_name="s")
    f = pl.kernel(
        _edge_body,
        out_type=(
            jax.ShapeDtypeStruct((2, NP, 128), jnp.float32),
            jax.ShapeDtypeStruct((2, NP, 8), jnp.float32),
        ),
        mesh=mesh,
        compiler_params=pltpu.CompilerParams(
            needs_layout_passes=False, use_tc_tiling_on_sc=False),
        scratch_types=[
            pltpu.VMEM((2, 2, GW), jnp.int32),
            pltpu.VMEM((2, C), jnp.int32),
            pltpu.VMEM((2, C, 256), jnp.float32),
            pltpu.VMEM((2, C, 128), jnp.float32),
            pltpu.VMEM((2, C, ROW), jnp.float32),
            pltpu.VMEM_SHARED((NP, ROW), jnp.float32),
        ] + [pltpu.SemaphoreType.DMA] * 6,
    )
    return f(kv, q, edge_index, zero)


def _post_a_body(wv_ref, z_ref, h_ref, x_ref, st_ref):
    i = pl.program_id(0)
    wv = wv_ref[0] + wv_ref[1]
    z8 = z_ref[0] + z_ref[1]
    rec = jnp.where(z8 > 0.0, 1.0 / jnp.where(z8 > 0.0, z8, 1.0), 0.0)
    rows = lax.broadcasted_iota(jnp.int32, (8, 128), 0)
    cols = lax.broadcasted_iota(jnp.int32, (8, 128), 1)
    expand = jnp.where(cols // 16 == rows, 1.0, 0.0)
    attn = wv * jnp.dot(rec, expand, preferred_element_type=jnp.float32)
    x = h_ref[...] + attn
    x_ref[...] = x

    @pl.when(i == 0)
    def _():
        st_ref[...] = jnp.zeros_like(st_ref)

    st_ref[0, :] += jnp.sum(x, axis=0)
    st_ref[1, :] += jnp.sum(x * x, axis=0)


def _post_b_body(x_ref, st_ref, g1_ref, be1_ref, w1_ref, b1_ref, w2_ref,
                 b2_ref, y_ref, st2_ref):
    i = pl.program_id(0)
    mean = st_ref[0, :] * (1.0 / N)
    var = st_ref[1, :] * (1.0 / N) - mean * mean
    scale = lax.rsqrt(var + 1e-5) * g1_ref[0, :]
    xn = (x_ref[...] - mean) * scale + be1_ref[0, :]
    f = jnp.dot(jax.nn.relu(
        jnp.dot(xn, w1_ref[...], preferred_element_type=jnp.float32) + b1_ref[...]),
        w2_ref[...], preferred_element_type=jnp.float32) + b2_ref[...]
    y = xn + f
    y_ref[...] = y

    @pl.when(i == 0)
    def _():
        st2_ref[...] = jnp.zeros_like(st2_ref)

    st2_ref[0, :] += jnp.sum(y, axis=0)
    st2_ref[1, :] += jnp.sum(y * y, axis=0)


def _post_c_body(y_ref, st_ref, g2_ref, be2_ref, o_ref):
    mean = st_ref[0, :] * (1.0 / N)
    var = st_ref[1, :] * (1.0 / N) - mean * mean
    scale = lax.rsqrt(var + 1e-5) * g2_ref[0, :]
    o_ref[...] = (y_ref[...] - mean) * scale + be2_ref[0, :]


def _post(wv, z, h, gamma1, beta1, W1, b1, W2, b2, gamma2, beta2):
    nb = 5
    rb = N // nb
    full = lambda s: pl.BlockSpec(s, lambda i, _s=s: tuple(0 for _ in _s))
    x, st1 = pl.pallas_call(
        _post_a_body,
        grid=(nb,),
        in_specs=[
            pl.BlockSpec((2, rb, 128), lambda i: (0, i, 0)),
            pl.BlockSpec((2, rb, 8), lambda i: (0, i, 0)),
            pl.BlockSpec((rb, 128), lambda i: (i, 0)),
        ],
        out_specs=[
            pl.BlockSpec((rb, 128), lambda i: (i, 0)),
            pl.BlockSpec((2, 128), lambda i: (0, 0)),
        ],
        out_shape=[
            jax.ShapeDtypeStruct((N, 128), jnp.float32),
            jax.ShapeDtypeStruct((2, 128), jnp.float32),
        ],
    )(wv, z, h)

    y, st2 = pl.pallas_call(
        _post_b_body,
        grid=(nb,),
        in_specs=[
            pl.BlockSpec((rb, 128), lambda i: (i, 0)),
            full((2, 128)),
            full((1, 128)),
            full((1, 128)),
            full((128, 256)),
            full((1, 256)),
            full((256, 128)),
            full((1, 128)),
        ],
        out_specs=[
            pl.BlockSpec((rb, 128), lambda i: (i, 0)),
            pl.BlockSpec((2, 128), lambda i: (0, 0)),
        ],
        out_shape=[
            jax.ShapeDtypeStruct((N, 128), jnp.float32),
            jax.ShapeDtypeStruct((2, 128), jnp.float32),
        ],
    )(x, st1, gamma1[None, :], beta1[None, :], W1, b1[None, :], W2, b2[None, :])

    out = pl.pallas_call(
        _post_c_body,
        grid=(nb,),
        in_specs=[
            pl.BlockSpec((rb, 128), lambda i: (i, 0)),
            full((2, 128)),
            full((1, 128)),
            full((1, 128)),
        ],
        out_specs=pl.BlockSpec((rb, 128), lambda i: (i, 0)),
        out_shape=jax.ShapeDtypeStruct((N, 128), jnp.float32),
    )(y, st2, gamma2[None, :], beta2[None, :])
    return out


@jax.jit
def kernel(h, edge_index, Qw, Qb, Kw, Kb, Vw, Vb, gamma1, beta1, W1, b1, W2,
           b2, gamma2, beta2):
    q, kv = _proj(h, Qw, Qb, Kw, Kb, Vw, Vb)
    wv, z = _edge_phase(kv, q, edge_index)
    return _post(wv, z, h, gamma1, beta1, W1, b1, W2, b2, gamma2, beta2)

# --- scband reference (transcript-rebuilt; emitter-appended) ---
"""Pipeline reference for scband-graph-transformer-layer-28613072126576 (READ-ONLY COPY).

The authoritative reference and input builder live on the scoring server;
editing this copy changes nothing except your own understanding.
"""

import jax, jax.numpy as jnp
import numpy as np

N = 10000
E = 320000
D_IN = 128
D_OUT = 128
H = 8
DH = D_OUT // H  # 16


def setup_inputs(seed: int = 0) -> dict:
    key = jax.random.key(seed)
    ks = jax.random.split(key, 8)
    h = jax.random.normal(ks[0], (N, D_IN), dtype=jnp.float32)
    edge_index = jax.random.randint(ks[1], (2, E), 0, N, dtype=jnp.int32)
    s_in = 1.0 / np.sqrt(D_IN)
    s_ff = 1.0 / np.sqrt(2 * D_OUT)
    Qw = jax.random.normal(ks[2], (D_IN, H * DH), dtype=jnp.float32) * s_in
    Kw = jax.random.normal(ks[3], (D_IN, H * DH), dtype=jnp.float32) * s_in
    Vw = jax.random.normal(ks[4], (D_IN, H * DH), dtype=jnp.float32) * s_in
    Qb = jnp.zeros((H * DH,), dtype=jnp.float32)
    Kb = jnp.zeros((H * DH,), dtype=jnp.float32)
    Vb = jnp.zeros((H * DH,), dtype=jnp.float32)
    W1 = jax.random.normal(ks[5], (D_OUT, 2 * D_OUT), dtype=jnp.float32) * s_in
    b1 = jnp.zeros((2 * D_OUT,), dtype=jnp.float32)
    W2 = jax.random.normal(ks[6], (2 * D_OUT, D_OUT), dtype=jnp.float32) * s_ff
    b2 = jnp.zeros((D_OUT,), dtype=jnp.float32)
    gamma1 = jnp.ones((D_OUT,), dtype=jnp.float32)
    beta1 = jnp.zeros((D_OUT,), dtype=jnp.float32)
    gamma2 = jnp.ones((D_OUT,), dtype=jnp.float32)
    beta2 = jnp.zeros((D_OUT,), dtype=jnp.float32)
    return {"h": h, "edge_index": edge_index, "Qw": Qw, "Qb": Qb, "Kw": Kw, "Kb": Kb,
            "Vw": Vw, "Vb": Vb, "gamma1": gamma1, "beta1": beta1, "W1": W1, "b1": b1,
            "W2": W2, "b2": b2, "gamma2": gamma2, "beta2": beta2}


def reference(h, edge_index, Qw, Qb, Kw, Kb, Vw, Vb, gamma1, beta1, W1, b1, W2, b2, gamma2, beta2):
    src = edge_index[0]
    dst = edge_index[1]
    Qh = (h @ Qw + Qb).reshape(-1, H, DH)
    Kh = (h @ Kw + Kb).reshape(-1, H, DH)
    Vh = (h @ Vw + Vb).reshape(-1, H, DH)
    # edge score: dot(K[src], Q[dst]) per head, then clamped scaled exp
    score = (Kh[src] * Qh[dst]).sum(-1)                      # [E, H]
    score = jnp.exp(jnp.clip(score / np.sqrt(DH), -5.0, 5.0))
    # message passing: wV = sum_e V[src]*score -> dst ; z = sum_e score -> dst
    wV = jax.ops.segment_sum(Vh[src] * score[:, :, None], dst, num_segments=N)  # [N, H, DH]
    z = jax.ops.segment_sum(score, dst, num_segments=N)                         # [N, H]
    z_safe = jnp.where(z == 0, 1.0, z)
    head_out = jnp.where((z == 0)[:, :, None], 0.0, wV / z_safe[:, :, None])    # nan->0 for isolated nodes
    attn = head_out.reshape(-1, D_OUT)
    # residual + BatchNorm1d (training-mode batch stats)
    x = h + attn
    mean = x.mean(0)
    var = ((x - mean) ** 2).mean(0)
    x = (x - mean) / jnp.sqrt(var + 1e-5) * gamma1 + beta1
    # FFN + residual + BatchNorm1d
    x2 = jax.nn.relu(x @ W1 + b1) @ W2 + b2
    x = x + x2
    mean = x.mean(0)
    var = ((x - mean) ** 2).mean(0)
    x = (x - mean) / jnp.sqrt(var + 1e-5) * gamma2 + beta2
    return x

if __name__ == "__main__":
    import jax
    _d = setup_inputs()
    print(jax.jit(kernel)(*tuple(_d.values())))

</pallas_src>

<mosaic_0001>
#map = affine_map<(d0, d1) -> (0, 0)>
#map1 = affine_map<(d0, d1) -> (0, 0, 0)>
module attributes {stable_mosaic.version = 14 : i64} {
  func.func @_edge_body(%arg0: i32, %arg1: i32, %arg2: memref<10000x256xf32, #tpu.memory_space<hbm>>, %arg3: memref<10000x128xf32, #tpu.memory_space<hbm>>, %arg4: memref<2x320000xi32, #tpu.memory_space<hbm>>, %arg5: memref<640x136xf32, #tpu.memory_space<hbm>>, %arg6: memref<2x10240x128xf32, #tpu.memory_space<hbm>>, %arg7: memref<2x10240x8xf32, #tpu.memory_space<hbm>>, %arg8: memref<2x2x400xi32, #tpu.memory_space<vmem>>, %arg9: memref<2x40xi32, #tpu.memory_space<vmem>>, %arg10: memref<2x40x256xf32, #tpu.memory_space<vmem>>, %arg11: memref<2x40x128xf32, #tpu.memory_space<vmem>>, %arg12: memref<2x40x136xf32, #tpu.memory_space<vmem>>, %arg13: memref<10240x136xf32, #tpu.memory_space<vmem_shared>>, %arg14: memref<!tpu.dma_semaphore, #tpu.memory_space<semaphore_mem>>, %arg15: memref<!tpu.dma_semaphore, #tpu.memory_space<semaphore_mem>>, %arg16: memref<!tpu.dma_semaphore, #tpu.memory_space<semaphore_mem>>, %arg17: memref<!tpu.dma_semaphore, #tpu.memory_space<semaphore_mem>>, %arg18: memref<!tpu.dma_semaphore, #tpu.memory_space<semaphore_mem>>, %arg19: memref<!tpu.dma_semaphore, #tpu.memory_space<semaphore_mem>>) attributes {dimension_semantics = [#tpu.dimension_semantics<core_parallel>, #tpu.dimension_semantics<subcore_parallel>], iteration_bounds = array<i64: 2, 16>, scalar_prefetch = 0 : i64, scratch_operands = 12 : i64, tpu.core_type = #tpu.core_type<sc_vector_subcore>, window_params = [{transform_indices = #map}, {transform_indices = #map}, {transform_indices = #map}, {transform_indices = #map}, {transform_indices = #map1}, {transform_indices = #map1}]} {
    %mul3A = arith.constant 640 : i32
    %mul3A_0 = arith.muli %arg1, %mul3A : i32
    "tpu.region"() ({
      %run_scoped3A_54 = tpu.sem_alloc : memref<!tpu.dma_semaphore, #tpu.memory_space<semaphore_mem>>
      %dma_start3A_55 = arith.constant 0 : i32
      %dma_start3A_56 = tpu.memref_slice %arg13[%mul3A_0, %dma_start3A_55] : memref<10240x136xf32, #tpu.memory_space<vmem_shared>> -> memref<640x136xf32, #tpu.memory_space<vmem_shared>>
      tpu.enqueue_dma source(%arg5 : memref<640x136xf32, #tpu.memory_space<hbm>>) target(%dma_start3A_56 : memref<640x136xf32, #tpu.memory_space<vmem_shared>>) target_semaphore(%run_scoped3A_54 : memref<!tpu.dma_semaphore, #tpu.memory_space<semaphore_mem>>)
      %dma_wait3A_57 = arith.constant 0 : i32
      %dma_wait3A_58 = tpu.memref_slice %arg13[%mul3A_0, %dma_wait3A_57] : memref<10240x136xf32, #tpu.memory_space<vmem_shared>> -> memref<640x136xf32, #tpu.memory_space<vmem_shared>>
      tpu.wait_dma2 semaphore(%run_scoped3A_54 : memref<!tpu.dma_semaphore, #tpu.memory_space<semaphore_mem>>) src(%arg5 : memref<640x136xf32, #tpu.memory_space<hbm>>) dst(%dma_wait3A_58 : memref<640x136xf32, #tpu.memory_space<vmem_shared>>)
      tpu.yield
    }) : () -> ()
    %barrier3A = arith.constant 0 : index
    tpu.barrier barrier_id(%barrier3A)
    %iota3A = tpu.iota {dimensions = array<i32: 0>} : vector<16xi32>
    %lt3A = arith.constant 8 : i32
    %lt3A_1 = vector.broadcast %lt3A : i32 to vector<16xi32>
    %lt3A_2 = arith.cmpi slt, %iota3A, %lt3A_1 : vector<16xi32>
    %add3A = arith.constant 128 : i32
    %add3A_3 = vector.broadcast %add3A : i32 to vector<16xi32>
    %add3A_4 = arith.addi %iota3A, %add3A_3 : vector<16xi32>
    %mul3A_5 = arith.constant 16 : i32
    %mul3A_6 = arith.muli %arg0, %mul3A_5 : i32
    %add3A_7 = arith.addi %mul3A_6, %arg1 : i32
    %mul3A_8 = arith.constant 10000 : i32
    %mul3A_9 = arith.muli %add3A_7, %mul3A_8 : i32
    %run_scoped3A = arith.constant 0 : i32
    "tpu.region"() ({
      %run_scoped3A_54 = tpu.sem_alloc : memref<!tpu.dma_semaphore, #tpu.memory_space<semaphore_mem>>
      %dma_start3A_55 = arith.constant 0 : i32
      %dma_start3A_56 = arith.constant 0 : i32
      %dma_start3A_57 = tpu.memref_slice %arg8[%run_scoped3A, %dma_start3A_55, %dma_start3A_56] : memref<2x2x400xi32, #tpu.memory_space<vmem>> -> memref<1x2x400xi32, #tpu.memory_space<vmem>>
      %dma_start3A_58 = tpu.memref_squeeze %dma_start3A_57 : memref<1x2x400xi32, #tpu.memory_space<vmem>> -> memref<2x400xi32, #tpu.memory_space<vmem>>
      %dma_start3A_59 = arith.constant 0 : i32
      %dma_start3A_60 = tpu.memref_slice %arg4[%dma_start3A_59, %mul3A_9] : memref<2x320000xi32, #tpu.memory_space<hbm>> -> memref<2x400xi32, #tpu.memory_space<hbm>>
      %dma_start3A_61 = arith.constant 0 : i32
      %dma_start3A_62 = arith.constant 0 : i32
      %dma_start3A_63 = tpu.memref_slice %arg8[%run_scoped3A, %dma_start3A_61, %dma_start3A_62] : memref<2x2x400xi32, #tpu.memory_space<vmem>> -> memref<1x2x400xi32, #tpu.memory_space<vmem>>
      %dma_start3A_64 = tpu.memref_squeeze %dma_start3A_63 : memref<1x2x400xi32, #tpu.memory_space<vmem>> -> memref<2x400xi32, #tpu.memory_space<vmem>>
      %dma_start3A_65 = arith.constant 0 : i32
      %dma_start3A_66 = tpu.memref_slice %arg4[%dma_start3A_65, %mul3A_9] : memref<2x320000xi32, #tpu.memory_space<hbm>> -> memref<2x400xi32, #tpu.memory_space<hbm>>
      tpu.enqueue_dma source(%dma_start3A_66 : memref<2x400xi32, #tpu.memory_space<hbm>>) target(%dma_start3A_64 : memref<2x400xi32, #tpu.memory_space<vmem>>) target_semaphore(%run_scoped3A_54 : memref<!tpu.dma_semaphore, #tpu.memory_space<semaphore_mem>>)
      %dma_wait3A_67 = arith.constant 0 : i32
      %dma_wait3A_68 = arith.constant 0 : i32
      %dma_wait3A_69 = tpu.memref_slice %arg8[%run_scoped3A, %dma_wait3A_67, %dma_wait3A_68] : memref<2x2x400xi32, #tpu.memory_space<vmem>> -> memref<1x2x400xi32, #tpu.memory_space<vmem>>
      %dma_wait3A_70 = tpu.memref_squeeze %dma_wait3A_69 : memref<1x2x400xi32, #tpu.memory_space<vmem>> -> memref<2x400xi32, #tpu.memory_space<vmem>>
      %dma_wait3A_71 = arith.constant 0 : i32
      %dma_wait3A_72 = tpu.memref_slice %arg4[%dma_wait3A_71, %mul3A_9] : memref<2x320000xi32, #tpu.memory_space<hbm>> -> memref<2x400xi32, #tpu.memory_space<hbm>>
      %dma_wait3A_73 = arith.constant 0 : i32
      %dma_wait3A_74 = arith.constant 0 : i32
      %dma_wait3A_75 = tpu.memref_slice %arg8[%run_scoped3A, %dma_wait3A_73, %dma_wait3A_74] : memref<2x2x400xi32, #tpu.memory_space<vmem>> -> memref<1x2x400xi32, #tpu.memory_space<vmem>>
      %dma_wait3A_76 = tpu.memref_squeeze %dma_wait3A_75 : memref<1x2x400xi32, #tpu.memory_space<vmem>> -> memref<2x400xi32, #tpu.memory_space<vmem>>
      %dma_wait3A_77 = arith.constant 0 : i32
      %dma_wait3A_78 = tpu.memref_slice %arg4[%dma_wait3A_77, %mul3A_9] : memref<2x320000xi32, #tpu.memory_space<hbm>> -> memref<2x400xi32, #tpu.memory_space<hbm>>
      tpu.wait_dma2 semaphore(%run_scoped3A_54 : memref<!tpu.dma_semaphore, #tpu.memory_space<semaphore_mem>>) src(%dma_wait3A_78 : memref<2x400xi32, #tpu.memory_space<hbm>>) dst(%dma_wait3A_76 : memref<2x400xi32, #tpu.memory_space<vmem>>)
      tpu.yield
    }) : () -> ()
    %dma_start3A = arith.constant 0 : i32
    %dma_start3A_10 = arith.constant 0 : i32
    %dma_start3A_11 = arith.constant 0 : i32
    %dma_start3A_12 = arith.constant 0 : i32
    %dma_start3A_13 = arith.constant 0 : i32
    %dma_start3A_14 = tpu.memref_slice %arg10[%dma_start3A_11, %dma_start3A_12, %dma_start3A_13] : memref<2x40x256xf32, #tpu.memory_space<vmem>> -> memref<1x40x256xf32, #tpu.memory_space<vmem>>
    %dma_start3A_15 = tpu.memref_squeeze %dma_start3A_14 : memref<1x40x256xf32, #tpu.memory_space<vmem>> -> memref<40x256xf32, #tpu.memory_space<vmem>>
    %dma_start3A_16 = arith.constant 0 : i32
    %dma_start3A_17 = tpu.memref_slice %arg8[%dma_start3A, %dma_start3A_10, %dma_start3A_16] : memref<2x2x400xi32, #tpu.memory_space<vmem>> -> memref<1x1x40xi32, #tpu.memory_space<vmem>>
    %dma_start3A_18 = tpu.memref_squeeze %dma_start3A_17 : memref<1x1x40xi32, #tpu.memory_space<vmem>> -> memref<40xi32, #tpu.memory_space<vmem>>
    %dma_start3A_19 = arith.constant 0 : i32
    %dma_start3A_20 = arith.constant 0 : i32
    %dma_start3A_21 = tpu.memref_slice %arg2[%dma_start3A_19, %dma_start3A_20] : memref<10000x256xf32, #tpu.memory_space<hbm>> -> memref<10000x256xf32, #tpu.memory_space<hbm>>
    tpu.enqueue_indirect_dma source(%dma_start3A_21 : memref<10000x256xf32, #tpu.memory_space<hbm>>) target(%dma_start3A_15 : memref<40x256xf32, #tpu.memory_space<vmem>>) offsets(%dma_start3A_18 : memref<40xi32, #tpu.memory_space<vmem>>) semaphore(%arg14 : memref<!tpu.dma_semaphore, #tpu.memory_space<semaphore_mem>>)
    %dma_start3A_22 = arith.constant 0 : i32
    %dma_start3A_23 = arith.constant 1 : i32
    %dma_start3A_24 = arith.constant 0 : i32
    %dma_start3A_25 = arith.constant 0 : i32
    %dma_start3A_26 = arith.constant 0 : i32
    %dma_start3A_27 = tpu.memref_slice %arg11[%dma_start3A_24, %dma_start3A_25, %dma_start3A_26] : memref<2x40x128xf32, #tpu.memory_space<vmem>> -> memref<1x40x128xf32, #tpu.memory_space<vmem>>
    %dma_start3A_28 = tpu.memref_squeeze %dma_start3A_27 : memref<1x40x128xf32, #tpu.memory_space<vmem>> -> memref<40x128xf32, #tpu.memory_space<vmem>>
    %dma_start3A_29 = arith.constant 0 : i32
    %dma_start3A_30 = tpu.memref_slice %arg8[%dma_start3A_22, %dma_start3A_23, %dma_start3A_29] : memref<2x2x400xi32, #tpu.memory_space<vmem>> -> memref<1x1x40xi32, #tpu.memory_space<vmem>>
    %dma_start3A_31 = tpu.memref_squeeze %dma_start3A_30 : memref<1x1x40xi32, #tpu.memory_space<vmem>> -> memref<40xi32, #tpu.memory_space<vmem>>
    %dma_start3A_32 = arith.constant 0 : i32
    %dma_start3A_33 = arith.constant 0 : i32
    %dma_start3A_34 = tpu.memref_slice %arg3[%dma_start3A_32, %dma_start3A_33] : memref<10000x128xf32, #tpu.memory_space<hbm>> -> memref<10000x128xf32, #tpu.memory_space<hbm>>
    tpu.enqueue_indirect_dma source(%dma_start3A_34 : memref<10000x128xf32, #tpu.memory_space<hbm>>) target(%dma_start3A_28 : memref<40x128xf32, #tpu.memory_space<vmem>>) offsets(%dma_start3A_31 : memref<40xi32, #tpu.memory_space<vmem>>) semaphore(%arg16 : memref<!tpu.dma_semaphore, #tpu.memory_space<semaphore_mem>>)
    %scan3A = arith.constant 0 : i32
    %scan3A_35 = arith.constant 0 : i32
    %scan3A_36 = arith.constant 250 : i32
    %scan3A_37 = arith.addi %scan3A_35, %scan3A_36 : i32
    %scan3A_38 = arith.constant 1 : i32
    scf.for %scan3A_54 = %scan3A_35 to %scan3A_37 step %scan3A_38  : i32 {
      %jit3A = arith.constant 2 : i32
      %eq3A = arith.constant 0 : i32
      %eq3A_55 = arith.cmpi eq, %jit3A, %eq3A : i32
      %jit3A_56 = arith.constant 1 : i32
      %select_n3A = arith.select %eq3A_55, %jit3A_56, %jit3A : i32
      %rem3A = arith.remsi %scan3A_54, %select_n3A : i32
      %ne3A = arith.constant 0 : i32
      %ne3A_57 = arith.cmpi ne, %rem3A, %ne3A : i32
      %lt3A_58 = arith.constant 0 : i32
      %lt3A_59 = arith.cmpi slt, %rem3A, %lt3A_58 : i32
      %lt3A_60 = arith.constant 0 : i32
      %lt3A_61 = arith.cmpi slt, %select_n3A, %lt3A_60 : i32
      %ne3A_62 = arith.xori %lt3A_59, %lt3A_61 : i1
      %and3A = arith.andi %ne3A_62, %ne3A_57 : i1
      %add3A_63 = arith.addi %rem3A, %select_n3A : i32
      %select_n3A_64 = arith.select %and3A, %add3A_63, %rem3A : i32
      %eq3A_65 = arith.constant 0 : i32
      %eq3A_66 = arith.cmpi eq, %select_n3A_64, %eq3A_65 : i32
      %convert_element_type3A = arith.extui %eq3A_66 : i1 to i32
      %cond3A = arith.constant 0 : i32
      %cond3A_67 = arith.cmpi ne, %convert_element_type3A, %cond3A : i32
      scf.if %cond3A_67 {
        %add3A_89 = arith.constant 1 : i32
        %add3A_90 = arith.addi %scan3A_54, %add3A_89 : i32
        %lt3A_91 = arith.constant 250 : i32
        %lt3A_92 = arith.cmpi slt, %add3A_90, %lt3A_91 : i32
        %convert_element_type3A_93 = arith.extui %lt3A_92 : i1 to i32
        %cond3A_94 = arith.constant 0 : i32
        %cond3A_95 = arith.cmpi ne, %convert_element_type3A_93, %cond3A_94 : i32
        scf.if %cond3A_95 {
          %add3A_224 = arith.constant 1 : i32
          %add3A_225 = arith.addi %scan3A_54, %add3A_224 : i32
          %jit3A_226 = arith.constant 10 : i32
          %div3A_227 = arith.divsi %add3A_225, %jit3A_226 : i32
          %sign3A_228 = arith.constant 0 : i32
          %sign3A_229 = arith.cmpi sgt, %add3A_225, %sign3A_228 : i32
          %sign3A_230 = arith.extui %sign3A_229 : i1 to i32
          %sign3A_231 = arith.constant 0 : i32
          %sign3A_232 = arith.cmpi slt, %add3A_225, %sign3A_231 : i32
          %sign3A_233 = arith.extui %sign3A_232 : i1 to i32
          %sign3A_234 = arith.subi %sign3A_230, %sign3A_233 : i32
          %sign3A_235 = arith.constant 0 : i32
          %sign3A_236 = arith.cmpi sgt, %jit3A_226, %sign3A_235 : i32
          %sign3A_237 = arith.extui %sign3A_236 : i1 to i32
          %sign3A_238 = arith.constant 0 : i32
          %sign3A_239 = arith.cmpi slt, %jit3A_226, %sign3A_238 : i32
          %sign3A_240 = arith.extui %sign3A_239 : i1 to i32
          %sign3A_241 = arith.subi %sign3A_237, %sign3A_240 : i32
          %ne3A_242 = arith.cmpi ne, %sign3A_234, %sign3A_241 : i32
          %rem3A_243 = arith.remsi %add3A_225, %jit3A_226 : i32
          %ne3A_244 = arith.constant 0 : i32
          %ne3A_245 = arith.cmpi ne, %rem3A_243, %ne3A_244 : i32
          %and3A_246 = arith.andi %ne3A_242, %ne3A_245 : i1
          %sub3A_247 = arith.constant 1 : i32
          %sub3A_248 = arith.subi %div3A_227, %sub3A_247 : i32
          %select_n3A_249 = arith.select %and3A_246, %sub3A_248, %div3A_227 : i32
          %jit3A_250 = arith.constant 10 : i32
          %eq3A_251 = arith.constant 0 : i32
          %eq3A_252 = arith.cmpi eq, %jit3A_250, %eq3A_251 : i32
          %jit3A_253 = arith.constant 1 : i32
          %select_n3A_254 = arith.select %eq3A_252, %jit3A_253, %jit3A_250 : i32
          %rem3A_255 = arith.remsi %add3A_225, %select_n3A_254 : i32
          %ne3A_256 = arith.constant 0 : i32
          %ne3A_257 = arith.cmpi ne, %rem3A_255, %ne3A_256 : i32
          %lt3A_258 = arith.constant 0 : i32
          %lt3A_259 = arith.cmpi slt, %rem3A_255, %lt3A_258 : i32
          %lt3A_260 = arith.constant 0 : i32
          %lt3A_261 = arith.cmpi slt, %select_n3A_254, %lt3A_260 : i32
          %ne3A_262 = arith.xori %lt3A_259, %lt3A_261 : i1
          %and3A_263 = arith.andi %ne3A_262, %ne3A_257 : i1
          %add3A_264 = arith.addi %rem3A_255, %select_n3A_254 : i32
          %select_n3A_265 = arith.select %and3A_263, %add3A_264, %rem3A_255 : i32
          %mul3A_266 = arith.constant 40 : i32
          %mul3A_267 = arith.muli %select_n3A_265, %mul3A_266 : i32
          %jit3A_268 = arith.constant 2 : i32
          %eq3A_269 = arith.constant 0 : i32
          %eq3A_270 = arith.cmpi eq, %jit3A_268, %eq3A_269 : i32
          %jit3A_271 = arith.constant 1 : i32
          %select_n3A_272 = arith.select %eq3A_270, %jit3A_271, %jit3A_268 : i32
          %rem3A_273 = arith.remsi %select_n3A_249, %select_n3A_272 : i32
          %ne3A_274 = arith.constant 0 : i32
          %ne3A_275 = arith.cmpi ne, %rem3A_273, %ne3A_274 : i32
          %lt3A_276 = arith.constant 0 : i32
          %lt3A_277 = arith.cmpi slt, %rem3A_273, %lt3A_276 : i32
          %lt3A_278 = arith.constant 0 : i32
          %lt3A_279 = arith.cmpi slt, %select_n3A_272, %lt3A_278 : i32
          %ne3A_280 = arith.xori %lt3A_277, %lt3A_279 : i1
          %and3A_281 = arith.andi %ne3A_280, %ne3A_275 : i1
          %add3A_282 = arith.addi %rem3A_273, %select_n3A_272 : i32
          %select_n3A_283 = arith.select %and3A_281, %add3A_282, %rem3A_273 : i32
          %jit3A_284 = arith.constant 10 : i32
          %eq3A_285 = arith.constant 0 : i32
          %eq3A_286 = arith.cmpi eq, %jit3A_284, %eq3A_285 : i32
          %jit3A_287 = arith.constant 1 : i32
          %select_n3A_288 = arith.select %eq3A_286, %jit3A_287, %jit3A_284 : i32
          %rem3A_289 = arith.remsi %add3A_225, %select_n3A_288 : i32
          %ne3A_290 = arith.constant 0 : i32
          %ne3A_291 = arith.cmpi ne, %rem3A_289, %ne3A_290 : i32
          %lt3A_292 = arith.constant 0 : i32
          %lt3A_293 = arith.cmpi slt, %rem3A_289, %lt3A_292 : i32
          %lt3A_294 = arith.constant 0 : i32
          %lt3A_295 = arith.cmpi slt, %select_n3A_288, %lt3A_294 : i32
          %ne3A_296 = arith.xori %lt3A_293, %lt3A_295 : i1
          %and3A_297 = arith.andi %ne3A_296, %ne3A_291 : i1
          %add3A_298 = arith.addi %rem3A_289, %select_n3A_288 : i32
          %select_n3A_299 = arith.select %and3A_297, %add3A_298, %rem3A_289 : i32
          %eq3A_300 = arith.constant 0 : i32
          %eq3A_301 = arith.cmpi eq, %select_n3A_299, %eq3A_300 : i32
          %convert_element_type3A_302 = arith.extui %eq3A_301 : i1 to i32
          %cond3A_303 = arith.constant 0 : i32
          %cond3A_304 = arith.cmpi ne, %convert_element_type3A_302, %cond3A_303 : i32
          scf.if %cond3A_304 {
            %mul3A_327 = arith.constant 400 : i32
            %mul3A_328 = arith.muli %select_n3A_249, %mul3A_327 : i32
            %add3A_329 = arith.addi %mul3A_9, %mul3A_328 : i32
            "tpu.region"() ({
              %run_scoped3A_330 = tpu.sem_alloc : memref<!tpu.dma_semaphore, #tpu.memory_space<semaphore_mem>>
              %dma_start3A_331 = arith.constant 0 : i32
              %dma_start3A_332 = arith.constant 0 : i32
              %dma_start3A_333 = tpu.memref_slice %arg8[%select_n3A_283, %dma_start3A_331, %dma_start3A_332] : memref<2x2x400xi32, #tpu.memory_space<vmem>> -> memref<1x2x400xi32, #tpu.memory_space<vmem>>
              %dma_start3A_334 = tpu.memref_squeeze %dma_start3A_333 : memref<1x2x400xi32, #tpu.memory_space<vmem>> -> memref<2x400xi32, #tpu.memory_space<vmem>>
              %dma_start3A_335 = arith.constant 0 : i32
              %dma_start3A_336 = tpu.memref_slice %arg4[%dma_start3A_335, %add3A_329] : memref<2x320000xi32, #tpu.memory_space<hbm>> -> memref<2x400xi32, #tpu.memory_space<hbm>>
              %dma_start3A_337 = arith.constant 0 : i32
              %dma_start3A_338 = arith.constant 0 : i32
              %dma_start3A_339 = tpu.memref_slice %arg8[%select_n3A_283, %dma_start3A_337, %dma_start3A_338] : memref<2x2x400xi32, #tpu.memory_space<vmem>> -> memref<1x2x400xi32, #tpu.memory_space<vmem>>
              %dma_start3A_340 = tpu.memref_squeeze %dma_start3A_339 : memref<1x2x400xi32, #tpu.memory_space<vmem>> -> memref<2x400xi32, #tpu.memory_space<vmem>>
              %dma_start3A_341 = arith.constant 0 : i32
              %dma_start3A_342 = tpu.memref_slice %arg4[%dma_start3A_341, %add3A_329] : memref<2x320000xi32, #tpu.memory_space<hbm>> -> memref<2x400xi32, #tpu.memory_space<hbm>>
              tpu.enqueue_dma source(%dma_start3A_342 : memref<2x400xi32, #tpu.memory_space<hbm>>) target(%dma_start3A_340 : memref<2x400xi32, #tpu.memory_space<vmem>>) target_semaphore(%run_scoped3A_330 : memref<!tpu.dma_semaphore, #tpu.memory_space<semaphore_mem>>)
              %dma_wait3A_343 = arith.constant 0 : i32
              %dma_wait3A_344 = arith.constant 0 : i32
              %dma_wait3A_345 = tpu.memref_slice %arg8[%select_n3A_283, %dma_wait3A_343, %dma_wait3A_344] : memref<2x2x400xi32, #tpu.memory_space<vmem>> -> memref<1x2x400xi32, #tpu.memory_space<vmem>>
              %dma_wait3A_346 = tpu.memref_squeeze %dma_wait3A_345 : memref<1x2x400xi32, #tpu.memory_space<vmem>> -> memref<2x400xi32, #tpu.memory_space<vmem>>
              %dma_wait3A_347 = arith.constant 0 : i32
              %dma_wait3A_348 = tpu.memref_slice %arg4[%dma_wait3A_347, %add3A_329] : memref<2x320000xi32, #tpu.memory_space<hbm>> -> memref<2x400xi32, #tpu.memory_space<hbm>>
              %dma_wait3A_349 = arith.constant 0 : i32
              %dma_wait3A_350 = arith.constant 0 : i32
              %dma_wait3A_351 = tpu.memref_slice %arg8[%select_n3A_283, %dma_wait3A_349, %dma_wait3A_350] : memref<2x2x400xi32, #tpu.memory_space<vmem>> -> memref<1x2x400xi32, #tpu.memory_space<vmem>>
              %dma_wait3A_352 = tpu.memref_squeeze %dma_wait3A_351 : memref<1x2x400xi32, #tpu.memory_space<vmem>> -> memref<2x400xi32, #tpu.memory_space<vmem>>
              %dma_wait3A_353 = arith.constant 0 : i32
              %dma_wait3A_354 = tpu.memref_slice %arg4[%dma_wait3A_353, %add3A_329] : memref<2x320000xi32, #tpu.memory_space<hbm>> -> memref<2x400xi32, #tpu.memory_space<hbm>>
              tpu.wait_dma2 semaphore(%run_scoped3A_330 : memref<!tpu.dma_semaphore, #tpu.memory_space<semaphore_mem>>) src(%dma_wait3A_354 : memref<2x400xi32, #tpu.memory_space<hbm>>) dst(%dma_wait3A_352 : memref<2x400xi32, #tpu.memory_space<vmem>>)
              tpu.yield
            }) : () -> ()
          } else {
          }
          %dma_start3A_305 = arith.constant 0 : i32
          %dma_start3A_306 = arith.constant 1 : i32
          %dma_start3A_307 = arith.constant 0 : i32
          %dma_start3A_308 = arith.constant 0 : i32
          %dma_start3A_309 = tpu.memref_slice %arg10[%dma_start3A_306, %dma_start3A_307, %dma_start3A_308] : memref<2x40x256xf32, #tpu.memory_space<vmem>> -> memref<1x40x256xf32, #tpu.memory_space<vmem>>
          %dma_start3A_310 = tpu.memref_squeeze %dma_start3A_309 : memref<1x40x256xf32, #tpu.memory_space<vmem>> -> memref<40x256xf32, #tpu.memory_space<vmem>>
          %dma_start3A_311 = tpu.memref_slice %arg8[%select_n3A_283, %dma_start3A_305, %mul3A_267] : memref<2x2x400xi32, #tpu.memory_space<vmem>> -> memref<1x1x40xi32, #tpu.memory_space<vmem>>
          %dma_start3A_312 = tpu.memref_squeeze %dma_start3A_311 : memref<1x1x40xi32, #tpu.memory_space<vmem>> -> memref<40xi32, #tpu.memory_space<vmem>>
          %dma_start3A_313 = arith.constant 0 : i32
          %dma_start3A_314 = arith.constant 0 : i32
          %dma_start3A_315 = tpu.memref_slice %arg2[%dma_start3A_313, %dma_start3A_314] : memref<10000x256xf32, #tpu.memory_space<hbm>> -> memref<10000x256xf32, #tpu.memory_space<hbm>>
          tpu.enqueue_indirect_dma source(%dma_start3A_315 : memref<10000x256xf32, #tpu.memory_space<hbm>>) target(%dma_start3A_310 : memref<40x256xf32, #tpu.memory_space<vmem>>) offsets(%dma_start3A_312 : memref<40xi32, #tpu.memory_space<vmem>>) semaphore(%arg15 : memref<!tpu.dma_semaphore, #tpu.memory_space<semaphore_mem>>)
          %dma_start3A_316 = arith.constant 1 : i32
          %dma_start3A_317 = arith.constant 1 : i32
          %dma_start3A_318 = arith.constant 0 : i32
          %dma_start3A_319 = arith.constant 0 : i32
          %dma_start3A_320 = tpu.memref_slice %arg11[%dma_start3A_317, %dma_start3A_318, %dma_start3A_319] : memref<2x40x128xf32, #tpu.memory_space<vmem>> -> memref<1x40x128xf32, #tpu.memory_space<vmem>>
          %dma_start3A_321 = tpu.memref_squeeze %dma_start3A_320 : memref<1x40x128xf32, #tpu.memory_space<vmem>> -> memref<40x128xf32, #tpu.memory_space<vmem>>
          %dma_start3A_322 = tpu.memref_slice %arg8[%select_n3A_283, %dma_start3A_316, %mul3A_267] : memref<2x2x400xi32, #tpu.memory_space<vmem>> -> memref<1x1x40xi32, #tpu.memory_space<vmem>>
          %dma_start3A_323 = tpu.memref_squeeze %dma_start3A_322 : memref<1x1x40xi32, #tpu.memory_space<vmem>> -> memref<40xi32, #tpu.memory_space<vmem>>
          %dma_start3A_324 = arith.constant 0 : i32
          %dma_start3A_325 = arith.constant 0 : i32
          %dma_start3A_326 = tpu.memref_slice %arg3[%dma_start3A_324, %dma_start3A_325] : memref<10000x128xf32, #tpu.memory_space<hbm>> -> memref<10000x128xf32, #tpu.memory_space<hbm>>
          tpu.enqueue_indirect_dma source(%dma_start3A_326 : memref<10000x128xf32, #tpu.memory_space<hbm>>) target(%dma_start3A_321 : memref<40x128xf32, #tpu.memory_space<vmem>>) offsets(%dma_start3A_323 : memref<40xi32, #tpu.memory_space<vmem>>) semaphore(%arg17 : memref<!tpu.dma_semaphore, #tpu.memory_space<semaphore_mem>>)
        } else {
        }
        %jit3A_96 = arith.constant 10 : i32
        %div3A = arith.divsi %scan3A_54, %jit3A_96 : i32
        %sign3A = arith.constant 0 : i32
        %sign3A_97 = arith.cmpi sgt, %scan3A_54, %sign3A : i32
        %sign3A_98 = arith.extui %sign3A_97 : i1 to i32
        %sign3A_99 = arith.constant 0 : i32
        %sign3A_100 = arith.cmpi slt, %scan3A_54, %sign3A_99 : i32
        %sign3A_101 = arith.extui %sign3A_100 : i1 to i32
        %sign3A_102 = arith.subi %sign3A_98, %sign3A_101 : i32
        %sign3A_103 = arith.constant 0 : i32
        %sign3A_104 = arith.cmpi sgt, %jit3A_96, %sign3A_103 : i32
        %sign3A_105 = arith.extui %sign3A_104 : i1 to i32
        %sign3A_106 = arith.constant 0 : i32
        %sign3A_107 = arith.cmpi slt, %jit3A_96, %sign3A_106 : i32
        %sign3A_108 = arith.extui %sign3A_107 : i1 to i32
        %sign3A_109 = arith.subi %sign3A_105, %sign3A_108 : i32
        %ne3A_110 = arith.cmpi ne, %sign3A_102, %sign3A_109 : i32
        %rem3A_111 = arith.remsi %scan3A_54, %jit3A_96 : i32
        %ne3A_112 = arith.constant 0 : i32
        %ne3A_113 = arith.cmpi ne, %rem3A_111, %ne3A_112 : i32
        %and3A_114 = arith.andi %ne3A_110, %ne3A_113 : i1
        %sub3A = arith.constant 1 : i32
        %sub3A_115 = arith.subi %div3A, %sub3A : i32
        %select_n3A_116 = arith.select %and3A_114, %sub3A_115, %div3A : i32
        %jit3A_117 = arith.constant 10 : i32
        %eq3A_118 = arith.constant 0 : i32
        %eq3A_119 = arith.cmpi eq, %jit3A_117, %eq3A_118 : i32
        %jit3A_120 = arith.constant 1 : i32
        %select_n3A_121 = arith.select %eq3A_119, %jit3A_120, %jit3A_117 : i32
        %rem3A_122 = arith.remsi %scan3A_54, %select_n3A_121 : i32
        %ne3A_123 = arith.constant 0 : i32
        %ne3A_124 = arith.cmpi ne, %rem3A_122, %ne3A_123 : i32
        %lt3A_125 = arith.constant 0 : i32
        %lt3A_126 = arith.cmpi slt, %rem3A_122, %lt3A_125 : i32
        %lt3A_127 = arith.constant 0 : i32
        %lt3A_128 = arith.cmpi slt, %select_n3A_121, %lt3A_127 : i32
        %ne3A_129 = arith.xori %lt3A_126, %lt3A_128 : i1
        %and3A_130 = arith.andi %ne3A_129, %ne3A_124 : i1
        %add3A_131 = arith.addi %rem3A_122, %select_n3A_121 : i32
        %select_n3A_132 = arith.select %and3A_130, %add3A_131, %rem3A_122 : i32
        %mul3A_133 = arith.constant 40 : i32
        %mul3A_134 = arith.muli %select_n3A_132, %mul3A_133 : i32
        %jit3A_135 = arith.constant 2 : i32
        %eq3A_136 = arith.constant 0 : i32
        %eq3A_137 = arith.cmpi eq, %jit3A_135, %eq3A_136 : i32
        %jit3A_138 = arith.constant 1 : i32
        %select_n3A_139 = arith.select %eq3A_137, %jit3A_138, %jit3A_135 : i32
        %rem3A_140 = arith.remsi %select_n3A_116, %select_n3A_139 : i32
        %ne3A_141 = arith.constant 0 : i32
        %ne3A_142 = arith.cmpi ne, %rem3A_140, %ne3A_141 : i32
        %lt3A_143 = arith.constant 0 : i32
        %lt3A_144 = arith.cmpi slt, %rem3A_140, %lt3A_143 : i32
        %lt3A_145 = arith.constant 0 : i32
        %lt3A_146 = arith.cmpi slt, %select_n3A_139, %lt3A_145 : i32
        %ne3A_147 = arith.xori %lt3A_144, %lt3A_146 : i1
        %and3A_148 = arith.andi %ne3A_147, %ne3A_142 : i1
        %add3A_149 = arith.addi %rem3A_140, %select_n3A_139 : i32
        %select_n3A_150 = arith.select %and3A_148, %add3A_149, %rem3A_140 : i32
        %dma_wait3A_151 = arith.constant 0 : i32
        %dma_wait3A_152 = arith.constant 0 : i32
        %dma_wait3A_153 = arith.constant 0 : i32
        %dma_wait3A_154 = arith.constant 0 : i32
        %dma_wait3A_155 = tpu.memref_slice %arg10[%dma_wait3A_152, %dma_wait3A_153, %dma_wait3A_154] : memref<2x40x256xf32, #tpu.memory_space<vmem>> -> memref<1x40x256xf32, #tpu.memory_space<vmem>>
        %dma_wait3A_156 = tpu.memref_squeeze %dma_wait3A_155 : memref<1x40x256xf32, #tpu.memory_space<vmem>> -> memref<40x256xf32, #tpu.memory_space<vmem>>
        %dma_wait3A_157 = tpu.memref_slice %arg8[%select_n3A_150, %dma_wait3A_151, %mul3A_134] : memref<2x2x400xi32, #tpu.memory_space<vmem>> -> memref<1x1x40xi32, #tpu.memory_space<vmem>>
        %dma_wait3A_158 = tpu.memref_squeeze %dma_wait3A_157 : memref<1x1x40xi32, #tpu.memory_space<vmem>> -> memref<40xi32, #tpu.memory_space<vmem>>
        %dma_wait3A_159 = arith.constant 0 : i32
        %dma_wait3A_160 = arith.constant 0 : i32
        %dma_wait3A_161 = tpu.memref_slice %arg2[%dma_wait3A_159, %dma_wait3A_160] : memref<10000x256xf32, #tpu.memory_space<hbm>> -> memref<10000x256xf32, #tpu.memory_space<hbm>>
        tpu.wait_indirect_dma semaphore(%arg14 : memref<!tpu.dma_semaphore, #tpu.memory_space<semaphore_mem>>) src(%dma_wait3A_161 : memref<10000x256xf32, #tpu.memory_space<hbm>>) dst(%dma_wait3A_156 : memref<40x256xf32, #tpu.memory_space<vmem>>)
        %dma_wait3A_162 = arith.constant 1 : i32
        %dma_wait3A_163 = arith.constant 0 : i32
        %dma_wait3A_164 = arith.constant 0 : i32
        %dma_wait3A_165 = arith.constant 0 : i32
        %dma_wait3A_166 = tpu.memref_slice %arg11[%dma_wait3A_163, %dma_wait3A_164, %dma_wait3A_165] : memref<2x40x128xf32, #tpu.memory_space<vmem>> -> memref<1x40x128xf32, #tpu.memory_space<vmem>>
        %dma_wait3A_167 = tpu.memref_squeeze %dma_wait3A_166 : memref<1x40x128xf32, #tpu.memory_space<vmem>> -> memref<40x128xf32, #tpu.memory_space<vmem>>
        %dma_wait3A_168 = tpu.memref_slice %arg8[%select_n3A_150, %dma_wait3A_162, %mul3A_134] : memref<2x2x400xi32, #tpu.memory_space<vmem>> -> memref<1x1x40xi32, #tpu.memory_space<vmem>>
        %dma_wait3A_169 = tpu.memref_squeeze %dma_wait3A_168 : memref<1x1x40xi32, #tpu.memory_space<vmem>> -> memref<40xi32, #tpu.memory_space<vmem>>
        %dma_wait3A_170 = arith.constant 0 : i32
        %dma_wait3A_171 = arith.constant 0 : i32
        %dma_wait3A_172 = tpu.memref_slice %arg3[%dma_wait3A_170, %dma_wait3A_171] : memref<10000x128xf32, #tpu.memory_space<hbm>> -> memref<10000x128xf32, #tpu.memory_space<hbm>>
        tpu.wait_indirect_dma semaphore(%arg16 : memref<!tpu.dma_semaphore, #tpu.memory_space<semaphore_mem>>) src(%dma_wait3A_172 : memref<10000x128xf32, #tpu.memory_space<hbm>>) dst(%dma_wait3A_167 : memref<40x128xf32, #tpu.memory_space<vmem>>)
        %get3A = arith.constant 1 : i32
        %get3A_173 = arith.index_cast %select_n3A_150 : i32 to index
        %get3A_174 = arith.index_cast %get3A : i32 to index
        %get3A_175 = arith.index_cast %mul3A_134 : i32 to index
        %get3A_176 = tpu.vector_load %arg8[%get3A_173, %get3A_174, %get3A_175] {strides = array<i32>} : memref<2x2x400xi32, #tpu.memory_space<vmem>>, vector<16xi32>,
        %swap3A = arith.constant 0 : i32
        %swap3A_177 = arith.index_cast %swap3A : i32 to index
        %swap3A_178 = arith.constant 0 : index
        %swap3A_179 = tpu.vector_load %arg9[%swap3A_177, %swap3A_178] {strides = array<i32>} : memref<2x40xi32, #tpu.memory_space<vmem>>, vector<16xi32>,
        tpu.vector_store %arg9[%swap3A_177, %swap3A_178], %get3A_176 {strides = array<i32>} : memref<2x40xi32, #tpu.memory_space<vmem>>, vector<16xi32>,
        %add3A_180 = arith.constant 16 : i32
        %add3A_181 = arith.addi %mul3A_134, %add3A_180 : i32
        %get3A_182 = arith.constant 1 : i32
        %get3A_183 = arith.index_cast %select_n3A_150 : i32 to index
        %get3A_184 = arith.index_cast %get3A_182 : i32 to index
        %get3A_185 = arith.index_cast %add3A_181 : i32 to index
        %get3A_186 = tpu.vector_load %arg8[%get3A_183, %get3A_184, %get3A_185] {strides = array<i32>} : memref<2x2x400xi32, #tpu.memory_space<vmem>>, vector<16xi32>,
        %swap3A_187 = arith.constant 0 : i32
        %swap3A_188 = arith.index_cast %swap3A_187 : i32 to index
        %swap3A_189 = arith.constant 16 : index
        %swap3A_190 = tpu.vector_load %arg9[%swap3A_188, %swap3A_189] {strides = array<i32>} : memref<2x40xi32, #tpu.memory_space<vmem>>, vector<16xi32>,
        tpu.vector_store %arg9[%swap3A_188, %swap3A_189], %get3A_186 {strides = array<i32>} : memref<2x40xi32, #tpu.memory_space<vmem>>, vector<16xi32>,
        %add3A_191 = arith.constant 24 : i32
        %add3A_192 = arith.addi %mul3A_134, %add3A_191 : i32
        %get3A_193 = arith.constant 1 : i32
        %get3A_194 = arith.index_cast %select_n3A_150 : i32 to index
        %get3A_195 = arith.index_cast %get3A_193 : i32 to index
        %get3A_196 = arith.index_cast %add3A_192 : i32 to index
        %get3A_197 = tpu.vector_load %arg8[%get3A_194, %get3A_195, %get3A_196] {strides = array<i32>} : memref<2x2x400xi32, #tpu.memory_space<vmem>>, vector<16xi32>,
        %swap3A_198 = arith.constant 0 : i32
        %swap3A_199 = arith.index_cast %swap3A_198 : i32 to index
        %swap3A_200 = arith.constant 24 : index
        %swap3A_201 = tpu.vector_load %arg9[%swap3A_199, %swap3A_200] {strides = array<i32>} : memref<2x40xi32, #tpu.memory_space<vmem>>, vector<16xi32>,
        tpu.vector_store %arg9[%swap3A_199, %swap3A_200], %get3A_197 {strides = array<i32>} : memref<2x40xi32, #tpu.memory_space<vmem>>, vector<16xi32>,
        %scan3A_202 = arith.constant 0 : i32
        %scan3A_203 = arith.constant 0 : i32
        %scan3A_204 = arith.constant 40 : i32
        %scan3A_205 = arith.addi %scan3A_203, %scan3A_204 : i32
        %scan3A_206 = arith.constant 1 : i32
        scf.for %scan3A_224 = %scan3A_203 to %scan3A_205 step %scan3A_206  : i32 {
          %get3A_225 = arith.constant 0 : i32
          %get3A_226 = arith.index_cast %get3A_225 : i32 to index
          %get3A_227 = arith.index_cast %scan3A_224 : i32 to index
          %get3A_228 = arith.constant 0 : index
          %get3A_229 = tpu.vector_load %arg10[%get3A_226, %get3A_227, %get3A_228] {strides = array<i32>} : memref<2x40x256xf32, #tpu.memory_space<vmem>>, vector<16xf32>,
          %get3A_230 = arith.constant 0 : i32
          %get3A_231 = arith.index_cast %get3A_230 : i32 to index
          %get3A_232 = arith.index_cast %scan3A_224 : i32 to index
          %get3A_233 = arith.constant 0 : index
          %get3A_234 = tpu.vector_load %arg11[%get3A_231, %get3A_232, %get3A_233] {strides = array<i32>} : memref<2x40x128xf32, #tpu.memory_space<vmem>>, vector<16xf32>,
          %mul3A_235 = arith.mulf %get3A_229, %get3A_234 : vector<16xf32>
          %broadcast_in_dim3A = arith.constant true
          %broadcast_in_dim3A_236 = vector.broadcast %broadcast_in_dim3A : i1 to vector<16xi1>
          %masked_cumsum3A = tpu.scan <sum>, %mul3A_235 masked %broadcast_in_dim3A_236 : vector<16xf32>, vector<16xi1> -> vector<16xf32>
          %get3A_237 = arith.constant 0 : i32
          %get3A_238 = arith.index_cast %get3A_237 : i32 to index
          %get3A_239 = arith.index_cast %scan3A_224 : i32 to index
          %get3A_240 = arith.constant 16 : index
          %get3A_241 = tpu.vector_load %arg10[%get3A_238, %get3A_239, %get3A_240] {strides = array<i32>} : memref<2x40x256xf32, #tpu.memory_space<vmem>>, vector<16xf32>,
          %get3A_242 = arith.constant 0 : i32
          %get3A_243 = arith.index_cast %get3A_242 : i32 to index
          %get3A_244 = arith.index_cast %scan3A_224 : i32 to index
          %get3A_245 = arith.constant 16 : index
          %get3A_246 = tpu.vector_load %arg11[%get3A_243, %get3A_244, %get3A_245] {strides = array<i32>} : memref<2x40x128xf32, #tpu.memory_space<vmem>>, vector<16xf32>,
          %mul3A_247 = arith.mulf %get3A_241, %get3A_246 : vector<16xf32>
          %broadcast_in_dim3A_248 = arith.constant true
          %broadcast_in_dim3A_249 = vector.broadcast %broadcast_in_dim3A_248 : i1 to vector<16xi1>
          %masked_cumsum3A_250 = tpu.scan <sum>, %mul3A_247 masked %broadcast_in_dim3A_249 : vector<16xf32>, vector<16xi1> -> vector<16xf32>
          %get3A_251 = arith.constant 0 : i32
          %get3A_252 = arith.index_cast %get3A_251 : i32 to index
          %get3A_253 = arith.index_cast %scan3A_224 : i32 to index
          %get3A_254 = arith.constant 32 : index
          %get3A_255 = tpu.vector_load %arg10[%get3A_252, %get3A_253, %get3A_254] {strides = array<i32>} : memref<2x40x256xf32, #tpu.memory_space<vmem>>, vector<16xf32>,
          %get3A_256 = arith.constant 0 : i32
          %get3A_257 = arith.index_cast %get3A_256 : i32 to index
          %get3A_258 = arith.index_cast %scan3A_224 : i32 to index
          %get3A_259 = arith.constant 32 : index
          %get3A_260 = tpu.vector_load %arg11[%get3A_257, %get3A_258, %get3A_259] {strides = array<i32>} : memref<2x40x128xf32, #tpu.memory_space<vmem>>, vector<16xf32>,
          %mul3A_261 = arith.mulf %get3A_255, %get3A_260 : vector<16xf32>
          %broadcast_in_dim3A_262 = arith.constant true
          %broadcast_in_dim3A_263 = vector.broadcast %broadcast_in_dim3A_262 : i1 to vector<16xi1>
          %masked_cumsum3A_264 = tpu.scan <sum>, %mul3A_261 masked %broadcast_in_dim3A_263 : vector<16xf32>, vector<16xi1> -> vector<16xf32>
          %get3A_265 = arith.constant 0 : i32
          %get3A_266 = arith.index_cast %get3A_265 : i32 to index
          %get3A_267 = arith.index_cast %scan3A_224 : i32 to index
          %get3A_268 = arith.constant 48 : index
          %get3A_269 = tpu.vector_load %arg10[%get3A_266, %get3A_267, %get3A_268] {strides = array<i32>} : memref<2x40x256xf32, #tpu.memory_space<vmem>>, vector<16xf32>,
          %get3A_270 = arith.constant 0 : i32
          %get3A_271 = arith.index_cast %get3A_270 : i32 to index
          %get3A_272 = arith.index_cast %scan3A_224 : i32 to index
          %get3A_273 = arith.constant 48 : index
          %get3A_274 = tpu.vector_load %arg11[%get3A_271, %get3A_272, %get3A_273] {strides = array<i32>} : memref<2x40x128xf32, #tpu.memory_space<vmem>>, vector<16xf32>,
          %mul3A_275 = arith.mulf %get3A_269, %get3A_274 : vector<16xf32>
          %broadcast_in_dim3A_276 = arith.constant true
          %broadcast_in_dim3A_277 = vector.broadcast %broadcast_in_dim3A_276 : i1 to vector<16xi1>
          %masked_cumsum3A_278 = tpu.scan <sum>, %mul3A_275 masked %broadcast_in_dim3A_277 : vector<16xf32>, vector<16xi1> -> vector<16xf32>
          %get3A_279 = arith.constant 0 : i32
          %get3A_280 = arith.index_cast %get3A_279 : i32 to index
          %get3A_281 = arith.index_cast %scan3A_224 : i32 to index
          %get3A_282 = arith.constant 64 : index
          %get3A_283 = tpu.vector_load %arg10[%get3A_280, %get3A_281, %get3A_282] {strides = array<i32>} : memref<2x40x256xf32, #tpu.memory_space<vmem>>, vector<16xf32>,
          %get3A_284 = arith.constant 0 : i32
          %get3A_285 = arith.index_cast %get3A_284 : i32 to index
          %get3A_286 = arith.index_cast %scan3A_224 : i32 to index
          %get3A_287 = arith.constant 64 : index
          %get3A_288 = tpu.vector_load %arg11[%get3A_285, %get3A_286, %get3A_287] {strides = array<i32>} : memref<2x40x128xf32, #tpu.memory_space<vmem>>, vector<16xf32>,
          %mul3A_289 = arith.mulf %get3A_283, %get3A_288 : vector<16xf32>
          %broadcast_in_dim3A_290 = arith.constant true
          %broadcast_in_dim3A_291 = vector.broadcast %broadcast_in_dim3A_290 : i1 to vector<16xi1>
          %masked_cumsum3A_292 = tpu.scan <sum>, %mul3A_289 masked %broadcast_in_dim3A_291 : vector<16xf32>, vector<16xi1> -> vector<16xf32>
          %get3A_293 = arith.constant 0 : i32
          %get3A_294 = arith.index_cast %get3A_293 : i32 to index
          %get3A_295 = arith.index_cast %scan3A_224 : i32 to index
          %get3A_296 = arith.constant 80 : index
          %get3A_297 = tpu.vector_load %arg10[%get3A_294, %get3A_295, %get3A_296] {strides = array<i32>} : memref<2x40x256xf32, #tpu.memory_space<vmem>>, vector<16xf32>,
          %get3A_298 = arith.constant 0 : i32
          %get3A_299 = arith.index_cast %get3A_298 : i32 to index
          %get3A_300 = arith.index_cast %scan3A_224 : i32 to index
          %get3A_301 = arith.constant 80 : index
          %get3A_302 = tpu.vector_load %arg11[%get3A_299, %get3A_300, %get3A_301] {strides = array<i32>} : memref<2x40x128xf32, #tpu.memory_space<vmem>>, vector<16xf32>,
          %mul3A_303 = arith.mulf %get3A_297, %get3A_302 : vector<16xf32>
          %broadcast_in_dim3A_304 = arith.constant true
          %broadcast_in_dim3A_305 = vector.broadcast %broadcast_in_dim3A_304 : i1 to vector<16xi1>
          %masked_cumsum3A_306 = tpu.scan <sum>, %mul3A_303 masked %broadcast_in_dim3A_305 : vector<16xf32>, vector<16xi1> -> vector<16xf32>
          %get3A_307 = arith.constant 0 : i32
          %get3A_308 = arith.index_cast %get3A_307 : i32 to index
          %get3A_309 = arith.index_cast %scan3A_224 : i32 to index
          %get3A_310 = arith.constant 96 : index
          %get3A_311 = tpu.vector_load %arg10[%get3A_308, %get3A_309, %get3A_310] {strides = array<i32>} : memref<2x40x256xf32, #tpu.memory_space<vmem>>, vector<16xf32>,
          %get3A_312 = arith.constant 0 : i32
          %get3A_313 = arith.index_cast %get3A_312 : i32 to index
          %get3A_314 = arith.index_cast %scan3A_224 : i32 to index
          %get3A_315 = arith.constant 96 : index
          %get3A_316 = tpu.vector_load %arg11[%get3A_313, %get3A_314, %get3A_315] {strides = array<i32>} : memref<2x40x128xf32, #tpu.memory_space<vmem>>, vector<16xf32>,
          %mul3A_317 = arith.mulf %get3A_311, %get3A_316 : vector<16xf32>
          %broadcast_in_dim3A_318 = arith.constant true
          %broadcast_in_dim3A_319 = vector.broadcast %broadcast_in_dim3A_318 : i1 to vector<16xi1>
          %masked_cumsum3A_320 = tpu.scan <sum>, %mul3A_317 masked %broadcast_in_dim3A_319 : vector<16xf32>, vector<16xi1> -> vector<16xf32>
          %get3A_321 = arith.constant 0 : i32
          %get3A_322 = arith.index_cast %get3A_321 : i32 to index
          %get3A_323 = arith.index_cast %scan3A_224 : i32 to index
          %get3A_324 = arith.constant 112 : index
          %get3A_325 = tpu.vector_load %arg10[%get3A_322, %get3A_323, %get3A_324] {strides = array<i32>} : memref<2x40x256xf32, #tpu.memory_space<vmem>>, vector<16xf32>,
          %get3A_326 = arith.constant 0 : i32
          %get3A_327 = arith.index_cast %get3A_326 : i32 to index
          %get3A_328 = arith.index_cast %scan3A_224 : i32 to index
          %get3A_329 = arith.constant 112 : index
          %get3A_330 = tpu.vector_load %arg11[%get3A_327, %get3A_328, %get3A_329] {strides = array<i32>} : memref<2x40x128xf32, #tpu.memory_space<vmem>>, vector<16xf32>,
          %mul3A_331 = arith.mulf %get3A_325, %get3A_330 : vector<16xf32>
          %broadcast_in_dim3A_332 = arith.constant true
          %broadcast_in_dim3A_333 = vector.broadcast %broadcast_in_dim3A_332 : i1 to vector<16xi1>
          %masked_cumsum3A_334 = tpu.scan <sum>, %mul3A_331 masked %broadcast_in_dim3A_333 : vector<16xf32>, vector<16xi1> -> vector<16xf32>
          %broadcast_in_dim3A_335 = arith.constant 0.000000e+00 : f32
          %broadcast_in_dim3A_336 = vector.broadcast %broadcast_in_dim3A_335 : f32 to vector<16xf32>
          %slice3A = vector.extract_strided_slice %masked_cumsum3A {offsets = [15], sizes = [1], strides = [1]} : vector<16xf32> to vector<1xf32>
          %squeeze3A = vector.extract %slice3A[0] : f32 from vector<1xf32>
          %broadcast_in_dim3A_337 = vector.broadcast %squeeze3A : f32 to vector<16xf32>
          %jit3A_338 = arith.constant -5.000000e+00 : f32
          %jit3A_339 = arith.constant 5.000000e+00 : f32
          %max3A = vector.broadcast %jit3A_338 : f32 to vector<16xf32>
          %max3A_340 = arith.maximumf %max3A, %broadcast_in_dim3A_337 : vector<16xf32>
          %min3A = vector.broadcast %jit3A_339 : f32 to vector<16xf32>
          %min3A_341 = arith.minimumf %min3A, %max3A_340 : vector<16xf32>
          %exp3A = math.exp %min3A_341 : vector<16xf32>
          %get3A_342 = arith.constant 0 : i32
          %get3A_343 = arith.index_cast %get3A_342 : i32 to index
          %get3A_344 = arith.index_cast %scan3A_224 : i32 to index
          %get3A_345 = arith.constant 128 : index
          %get3A_346 = tpu.vector_load %arg10[%get3A_343, %get3A_344, %get3A_345] {strides = array<i32>} : memref<2x40x256xf32, #tpu.memory_space<vmem>>, vector<16xf32>,
          %mul3A_347 = arith.mulf %get3A_346, %exp3A : vector<16xf32>
          %swap3A_348 = arith.constant 0 : i32
          %swap3A_349 = arith.index_cast %swap3A_348 : i32 to index
          %swap3A_350 = arith.index_cast %scan3A_224 : i32 to index
          %swap3A_351 = arith.constant 0 : index
          %swap3A_352 = tpu.vector_load %arg12[%swap3A_349, %swap3A_350, %swap3A_351] {strides = array<i32>} : memref<2x40x136xf32, #tpu.memory_space<vmem>>, vector<16xf32>,
          tpu.vector_store %arg12[%swap3A_349, %swap3A_350, %swap3A_351], %mul3A_347 {strides = array<i32>} : memref<2x40x136xf32, #tpu.memory_space<vmem>>, vector<16xf32>,
          %eq3A_353 = arith.constant 0 : i32
          %eq3A_354 = vector.broadcast %eq3A_353 : i32 to vector<16xi32>
          %eq3A_355 = arith.cmpi eq, %iota3A, %eq3A_354 : vector<16xi32>
          %select_n3A_356 = arith.select %eq3A_355, %exp3A, %broadcast_in_dim3A_336 : vector<16xi1>, vector<16xf32>
          %slice3A_357 = vector.extract_strided_slice %masked_cumsum3A_250 {offsets = [15], sizes = [1], strides = [1]} : vector<16xf32> to vector<1xf32>
          %squeeze3A_358 = vector.extract %slice3A_357[0] : f32 from vector<1xf32>
          %broadcast_in_dim3A_359 = vector.broadcast %squeeze3A_358 : f32 to vector<16xf32>
          %jit3A_360 = arith.constant -5.000000e+00 : f32
          %jit3A_361 = arith.constant 5.000000e+00 : f32
          %max3A_362 = vector.broadcast %jit3A_360 : f32 to vector<16xf32>
          %max3A_363 = arith.maximumf %max3A_362, %broadcast_in_dim3A_359 : vector<16xf32>
          %min3A_364 = vector.broadcast %jit3A_361 : f32 to vector<16xf32>
          %min3A_365 = arith.minimumf %min3A_364, %max3A_363 : vector<16xf32>
          %exp3A_366 = math.exp %min3A_365 : vector<16xf32>
          %get3A_367 = arith.constant 0 : i32
          %get3A_368 = arith.index_cast %get3A_367 : i32 to index
          %get3A_369 = arith.index_cast %scan3A_224 : i32 to index
          %get3A_370 = arith.constant 144 : index
          %get3A_371 = tpu.vector_load %arg10[%get3A_368, %get3A_369, %get3A_370] {strides = array<i32>} : memref<2x40x256xf32, #tpu.memory_space<vmem>>, vector<16xf32>,
          %mul3A_372 = arith.mulf %get3A_371, %exp3A_366 : vector<16xf32>
          %swap3A_373 = arith.constant 0 : i32
          %swap3A_374 = arith.index_cast %swap3A_373 : i32 to index
          %swap3A_375 = arith.index_cast %scan3A_224 : i32 to index
          %swap3A_376 = arith.constant 16 : index
          %swap3A_377 = tpu.vector_load %arg12[%swap3A_374, %swap3A_375, %swap3A_376] {strides = array<i32>} : memref<2x40x136xf32, #tpu.memory_space<vmem>>, vector<16xf32>,
          tpu.vector_store %arg12[%swap3A_374, %swap3A_375, %swap3A_376], %mul3A_372 {strides = array<i32>} : memref<2x40x136xf32, #tpu.memory_space<vmem>>, vector<16xf32>,
          %eq3A_378 = arith.constant 1 : i32
          %eq3A_379 = vector.broadcast %eq3A_378 : i32 to vector<16xi32>
          %eq3A_380 = arith.cmpi eq, %iota3A, %eq3A_379 : vector<16xi32>
          %select_n3A_381 = arith.select %eq3A_380, %exp3A_366, %select_n3A_356 : vector<16xi1>, vector<16xf32>
          %slice3A_382 = vector.extract_strided_slice %masked_cumsum3A_264 {offsets = [15], sizes = [1], strides = [1]} : vector<16xf32> to vector<1xf32>
          %squeeze3A_383 = vector.extract %slice3A_382[0] : f32 from vector<1xf32>
          %broadcast_in_dim3A_384 = vector.broadcast %squeeze3A_383 : f32 to vector<16xf32>
          %jit3A_385 = arith.constant -5.000000e+00 : f32
          %jit3A_386 = arith.constant 5.000000e+00 : f32
          %max3A_387 = vector.broadcast %jit3A_385 : f32 to vector<16xf32>
          %max3A_388 = arith.maximumf %max3A_387, %broadcast_in_dim3A_384 : vector<16xf32>
          %min3A_389 = vector.broadcast %jit3A_386 : f32 to vector<16xf32>
          %min3A_390 = arith.minimumf %min3A_389, %max3A_388 : vector<16xf32>
          %exp3A_391 = math.exp %min3A_390 : vector<16xf32>
          %get3A_392 = arith.constant 0 : i32
          %get3A_393 = arith.index_cast %get3A_392 : i32 to index
          %get3A_394 = arith.index_cast %scan3A_224 : i32 to index
          %get3A_395 = arith.constant 160 : index
          %get3A_396 = tpu.vector_load %arg10[%get3A_393, %get3A_394, %get3A_395] {strides = array<i32>} : memref<2x40x256xf32, #tpu.memory_space<vmem>>, vector<16xf32>,
          %mul3A_397 = arith.mulf %get3A_396, %exp3A_391 : vector<16xf32>
          %swap3A_398 = arith.constant 0 : i32
          %swap3A_399 = arith.index_cast %swap3A_398 : i32 to index
          %swap3A_400 = arith.index_cast %scan3A_224 : i32 to index
          %swap3A_401 = arith.constant 32 : index
          %swap3A_402 = tpu.vector_load %arg12[%swap3A_399, %swap3A_400, %swap3A_401] {strides = array<i32>} : memref<2x40x136xf32, #tpu.memory_space<vmem>>, vector<16xf32>,
          tpu.vector_store %arg12[%swap3A_399, %swap3A_400, %swap3A_401], %mul3A_397 {strides = array<i32>} : memref<2x40x136xf32, #tpu.memory_space<vmem>>, vector<16xf32>,
          %eq3A_403 = arith.constant 2 : i32
          %eq3A_404 = vector.broadcast %eq3A_403 : i32 to vector<16xi32>
          %eq3A_405 = arith.cmpi eq, %iota3A, %eq3A_404 : vector<16xi32>
          %select_n3A_406 = arith.select %eq3A_405, %exp3A_391, %select_n3A_381 : vector<16xi1>, vector<16xf32>
          %slice3A_407 = vector.extract_strided_slice %masked_cumsum3A_278 {offsets = [15], sizes = [1], strides = [1]} : vector<16xf32> to vector<1xf32>
          %squeeze3A_408 = vector.extract %slice3A_407[0] : f32 from vector<1xf32>
          %broadcast_in_dim3A_409 = vector.broadcast %squeeze3A_408 : f32 to vector<16xf32>
          %jit3A_410 = arith.constant -5.000000e+00 : f32
          %jit3A_411 = arith.constant 5.000000e+00 : f32
          %max3A_412 = vector.broadcast %jit3A_410 : f32 to vector<16xf32>
          %max3A_413 = arith.maximumf %max3A_412, %broadcast_in_dim3A_409 : vector<16xf32>
          %min3A_414 = vector.broadcast %jit3A_411 : f32 to vector<16xf32>
          %min3A_415 = arith.minimumf %min3A_414, %max3A_413 : vector<16xf32>
          %exp3A_416 = math.exp %min3A_415 : vector<16xf32>
          %get3A_417 = arith.constant 0 : i32
          %get3A_418 = arith.index_cast %get3A_417 : i32 to index
          %get3A_419 = arith.index_cast %scan3A_224 : i32 to index
          %get3A_420 = arith.constant 176 : index
          %get3A_421 = tpu.vector_load %arg10[%get3A_418, %get3A_419, %get3A_420] {strides = array<i32>} : memref<2x40x256xf32, #tpu.memory_space<vmem>>, vector<16xf32>,
          %mul3A_422 = arith.mulf %get3A_421, %exp3A_416 : vector<16xf32>
          %swap3A_423 = arith.constant 0 : i32
          %swap3A_424 = arith.index_cast %swap3A_423 : i32 to index
          %swap3A_425 = arith.index_cast %scan3A_224 : i32 to index
          %swap3A_426 = arith.constant 48 : index
          %swap3A_427 = tpu.vector_load %arg12[%swap3A_424, %swap3A_425, %swap3A_426] {strides = array<i32>} : memref<2x40x136xf32, #tpu.memory_space<vmem>>, vector<16xf32>,
          tpu.vector_store %arg12[%swap3A_424, %swap3A_425, %swap3A_426], %mul3A_422 {strides = array<i32>} : memref<2x40x136xf32, #tpu.memory_space<vmem>>, vector<16xf32>,
          %eq3A_428 = arith.constant 3 : i32
          %eq3A_429 = vector.broadcast %eq3A_428 : i32 to vector<16xi32>
          %eq3A_430 = arith.cmpi eq, %iota3A, %eq3A_429 : vector<16xi32>
          %select_n3A_431 = arith.select %eq3A_430, %exp3A_416, %select_n3A_406 : vector<16xi1>, vector<16xf32>
          %slice3A_432 = vector.extract_strided_slice %masked_cumsum3A_292 {offsets = [15], sizes = [1], strides = [1]} : vector<16xf32> to vector<1xf32>
          %squeeze3A_433 = vector.extract %slice3A_432[0] : f32 from vector<1xf32>
          %broadcast_in_dim3A_434 = vector.broadcast %squeeze3A_433 : f32 to vector<16xf32>
          %jit3A_435 = arith.constant -5.000000e+00 : f32
          %jit3A_436 = arith.constant 5.000000e+00 : f32
          %max3A_437 = vector.broadcast %jit3A_435 : f32 to vector<16xf32>
          %max3A_438 = arith.maximumf %max3A_437, %broadcast_in_dim3A_434 : vector<16xf32>
          %min3A_439 = vector.broadcast %jit3A_436 : f32 to vector<16xf32>
          %min3A_440 = arith.minimumf %min3A_439, %max3A_438 : vector<16xf32>
          %exp3A_441 = math.exp %min3A_440 : vector<16xf32>
          %get3A_442 = arith.constant 0 : i32
          %get3A_443 = arith.index_cast %get3A_442 : i32 to index
          %get3A_444 = arith.index_cast %scan3A_224 : i32 to index
          %get3A_445 = arith.constant 192 : index
          %get3A_446 = tpu.vector_load %arg10[%get3A_443, %get3A_444, %get3A_445] {strides = array<i32>} : memref<2x40x256xf32, #tpu.memory_space<vmem>>, vector<16xf32>,
          %mul3A_447 = arith.mulf %get3A_446, %exp3A_441 : vector<16xf32>
          %swap3A_448 = arith.constant 0 : i32
          %swap3A_449 = arith.index_cast %swap3A_448 : i32 to index
          %swap3A_450 = arith.index_cast %scan3A_224 : i32 to index
          %swap3A_451 = arith.constant 64 : index
          %swap3A_452 = tpu.vector_load %arg12[%swap3A_449, %swap3A_450, %swap3A_451] {strides = array<i32>} : memref<2x40x136xf32, #tpu.memory_space<vmem>>, vector<16xf32>,
          tpu.vector_store %arg12[%swap3A_449, %swap3A_450, %swap3A_451], %mul3A_447 {strides = array<i32>} : memref<2x40x136xf32, #tpu.memory_space<vmem>>, vector<16xf32>,
          %eq3A_453 = arith.constant 4 : i32
          %eq3A_454 = vector.broadcast %eq3A_453 : i32 to vector<16xi32>
          %eq3A_455 = arith.cmpi eq, %iota3A, %eq3A_454 : vector<16xi32>
          %select_n3A_456 = arith.select %eq3A_455, %exp3A_441, %select_n3A_431 : vector<16xi1>, vector<16xf32>
          %slice3A_457 = vector.extract_strided_slice %masked_cumsum3A_306 {offsets = [15], sizes = [1], strides = [1]} : vector<16xf32> to vector<1xf32>
          %squeeze3A_458 = vector.extract %slice3A_457[0] : f32 from vector<1xf32>
          %broadcast_in_dim3A_459 = vector.broadcast %squeeze3A_458 : f32 to vector<16xf32>
          %jit3A_460 = arith.constant -5.000000e+00 : f32
          %jit3A_461 = arith.constant 5.000000e+00 : f32
          %max3A_462 = vector.broadcast %jit3A_460 : f32 to vector<16xf32>
          %max3A_463 = arith.maximumf %max3A_462, %broadcast_in_dim3A_459 : vector<16xf32>
          %min3A_464 = vector.broadcast %jit3A_461 : f32 to vector<16xf32>
          %min3A_465 = arith.minimumf %min3A_464, %max3A_463 : vector<16xf32>
          %exp3A_466 = math.exp %min3A_465 : vector<16xf32>
          %get3A_467 = arith.constant 0 : i32
          %get3A_468 = arith.index_cast %get3A_467 : i32 to index
          %get3A_469 = arith.index_cast %scan3A_224 : i32 to index
          %get3A_470 = arith.constant 208 : index
          %get3A_471 = tpu.vector_load %arg10[%get3A_468, %get3A_469, %get3A_470] {strides = array<i32>} : memref<2x40x256xf32, #tpu.memory_space<vmem>>, vector<16xf32>,
          %mul3A_472 = arith.mulf %get3A_471, %exp3A_466 : vector<16xf32>
          %swap3A_473 = arith.constant 0 : i32
          %swap3A_474 = arith.index_cast %swap3A_473 : i32 to index
          %swap3A_475 = arith.index_cast %scan3A_224 : i32 to index
          %swap3A_476 = arith.constant 80 : index
          %swap3A_477 = tpu.vector_load %arg12[%swap3A_474, %swap3A_475, %swap3A_476] {strides = array<i32>} : memref<2x40x136xf32, #tpu.memory_space<vmem>>, vector<16xf32>,
          tpu.vector_store %arg12[%swap3A_474, %swap3A_475, %swap3A_476], %mul3A_472 {strides = array<i32>} : memref<2x40x136xf32, #tpu.memory_space<vmem>>, vector<16xf32>,
          %eq3A_478 = arith.constant 5 : i32
          %eq3A_479 = vector.broadcast %eq3A_478 : i32 to vector<16xi32>
          %eq3A_480 = arith.cmpi eq, %iota3A, %eq3A_479 : vector<16xi32>
          %select_n3A_481 = arith.select %eq3A_480, %exp3A_466, %select_n3A_456 : vector<16xi1>, vector<16xf32>
          %slice3A_482 = vector.extract_strided_slice %masked_cumsum3A_320 {offsets = [15], sizes = [1], strides = [1]} : vector<16xf32> to vector<1xf32>
          %squeeze3A_483 = vector.extract %slice3A_482[0] : f32 from vector<1xf32>
          %broadcast_in_dim3A_484 = vector.broadcast %squeeze3A_483 : f32 to vector<16xf32>
          %jit3A_485 = arith.constant -5.000000e+00 : f32
          %jit3A_486 = arith.constant 5.000000e+00 : f32
          %max3A_487 = vector.broadcast %jit3A_485 : f32 to vector<16xf32>
          %max3A_488 = arith.maximumf %max3A_487, %broadcast_in_dim3A_484 : vector<16xf32>
          %min3A_489 = vector.broadcast %jit3A_486 : f32 to vector<16xf32>
          %min3A_490 = arith.minimumf %min3A_489, %max3A_488 : vector<16xf32>
          %exp3A_491 = math.exp %min3A_490 : vector<16xf32>
          %get3A_492 = arith.constant 0 : i32
          %get3A_493 = arith.index_cast %get3A_492 : i32 to index
          %get3A_494 = arith.index_cast %scan3A_224 : i32 to index
          %get3A_495 = arith.constant 224 : index
          %get3A_496 = tpu.vector_load %arg10[%get3A_493, %get3A_494, %get3A_495] {strides = array<i32>} : memref<2x40x256xf32, #tpu.memory_space<vmem>>, vector<16xf32>,
          %mul3A_497 = arith.mulf %get3A_496, %exp3A_491 : vector<16xf32>
          %swap3A_498 = arith.constant 0 : i32
          %swap3A_499 = arith.index_cast %swap3A_498 : i32 to index
          %swap3A_500 = arith.index_cast %scan3A_224 : i32 to index
          %swap3A_501 = arith.constant 96 : index
          %swap3A_502 = tpu.vector_load %arg12[%swap3A_499, %swap3A_500, %swap3A_501] {strides = array<i32>} : memref<2x40x136xf32, #tpu.memory_space<vmem>>, vector<16xf32>,
          tpu.vector_store %arg12[%swap3A_499, %swap3A_500, %swap3A_501], %mul3A_497 {strides = array<i32>} : memref<2x40x136xf32, #tpu.memory_space<vmem>>, vector<16xf32>,
          %eq3A_503 = arith.constant 6 : i32
          %eq3A_504 = vector.broadcast %eq3A_503 : i32 to vector<16xi32>
          %eq3A_505 = arith.cmpi eq, %iota3A, %eq3A_504 : vector<16xi32>
          %select_n3A_506 = arith.select %eq3A_505, %exp3A_491, %select_n3A_481 : vector<16xi1>, vector<16xf32>
          %slice3A_507 = vector.extract_strided_slice %masked_cumsum3A_334 {offsets = [15], sizes = [1], strides = [1]} : vector<16xf32> to vector<1xf32>
          %squeeze3A_508 = vector.extract %slice3A_507[0] : f32 from vector<1xf32>
          %broadcast_in_dim3A_509 = vector.broadcast %squeeze3A_508 : f32 to vector<16xf32>
          %jit3A_510 = arith.constant -5.000000e+00 : f32
          %jit3A_511 = arith.constant 5.000000e+00 : f32
          %max3A_512 = vector.broadcast %jit3A_510 : f32 to vector<16xf32>
          %max3A_513 = arith.maximumf %max3A_512, %broadcast_in_dim3A_509 : vector<16xf32>
          %min3A_514 = vector.broadcast %jit3A_511 : f32 to vector<16xf32>
          %min3A_515 = arith.minimumf %min3A_514, %max3A_513 : vector<16xf32>
          %exp3A_516 = math.exp %min3A_515 : vector<16xf32>
          %get3A_517 = arith.constant 0 : i32
          %get3A_518 = arith.index_cast %get3A_517 : i32 to index
          %get3A_519 = arith.index_cast %scan3A_224 : i32 to index
          %get3A_520 = arith.constant 240 : index
          %get3A_521 = tpu.vector_load %arg10[%get3A_518, %get3A_519, %get3A_520] {strides = array<i32>} : memref<2x40x256xf32, #tpu.memory_space<vmem>>, vector<16xf32>,
          %mul3A_522 = arith.mulf %get3A_521, %exp3A_516 : vector<16xf32>
          %swap3A_523 = arith.constant 0 : i32
          %swap3A_524 = arith.index_cast %swap3A_523 : i32 to index
          %swap3A_525 = arith.index_cast %scan3A_224 : i32 to index
          %swap3A_526 = arith.constant 112 : index
          %swap3A_527 = tpu.vector_load %arg12[%swap3A_524, %swap3A_525, %swap3A_526] {strides = array<i32>} : memref<2x40x136xf32, #tpu.memory_space<vmem>>, vector<16xf32>,
          tpu.vector_store %arg12[%swap3A_524, %swap3A_525, %swap3A_526], %mul3A_522 {strides = array<i32>} : memref<2x40x136xf32, #tpu.memory_space<vmem>>, vector<16xf32>,
          %eq3A_528 = arith.constant 7 : i32
          %eq3A_529 = vector.broadcast %eq3A_528 : i32 to vector<16xi32>
          %eq3A_530 = arith.cmpi eq, %iota3A, %eq3A_529 : vector<16xi32>
          %select_n3A_531 = arith.select %eq3A_530, %exp3A_516, %select_n3A_506 : vector<16xi1>, vector<16xf32>
          %broadcast_in_dim3A_532 = vector.broadcast %scan3A_224 : i32 to vector<16xi32>
          %scatter3A = arith.constant 0 : i32
          %scatter3A_533 = arith.constant 0 : i32
          %scatter3A_534 = arith.constant 0 : i32
          %scatter3A_535 = tpu.memref_slice %arg12[%scatter3A, %scatter3A_533, %scatter3A_534] : memref<2x40x136xf32, #tpu.memory_space<vmem>> -> memref<1x40x136xf32, #tpu.memory_space<vmem>>
          %scatter3A_536 = tpu.memref_squeeze %scatter3A_535 : memref<1x40x136xf32, #tpu.memory_space<vmem>> -> memref<40x136xf32, #tpu.memory_space<vmem>>
          tpu.vector_store_idx %scatter3A_536[%broadcast_in_dim3A_532, %add3A_4], %select_n3A_531 masked %lt3A_2 : memref<40x136xf32, #tpu.memory_space<vmem>>[vector<16xi32>, vector<16xi32>], vector<16xf32>, vector<16xi1>
        }
        %scan3A_207 = arith.constant 40 : i32
        %gt3A = arith.constant 0 : i32
        %gt3A_208 = arith.cmpi sgt, %scan3A_54, %gt3A : i32
        %convert_element_type3A_209 = arith.extui %gt3A_208 : i1 to i32
        %cond3A_210 = arith.constant 0 : i32
        %cond3A_211 = arith.cmpi ne, %convert_element_type3A_209, %cond3A_210 : i32
        scf.if %cond3A_211 {
          %dma_wait3A_224 = arith.constant 1 : i32
          %dma_wait3A_225 = arith.constant 1 : i32
          %dma_wait3A_226 = arith.constant 0 : i32
          %dma_wait3A_227 = arith.constant 0 : i32
          %dma_wait3A_228 = tpu.memref_slice %arg12[%dma_wait3A_224, %dma_wait3A_226, %dma_wait3A_227] : memref<2x40x136xf32, #tpu.memory_space<vmem>> -> memref<1x40x136xf32, #tpu.memory_space<vmem>>
          %dma_wait3A_229 = tpu.memref_squeeze %dma_wait3A_228 : memref<1x40x136xf32, #tpu.memory_space<vmem>> -> memref<40x136xf32, #tpu.memory_space<vmem>>
          %dma_wait3A_230 = arith.constant 0 : i32
          %dma_wait3A_231 = tpu.memref_slice %arg9[%dma_wait3A_225, %dma_wait3A_230] : memref<2x40xi32, #tpu.memory_space<vmem>> -> memref<1x40xi32, #tpu.memory_space<vmem>>
          %dma_wait3A_232 = tpu.memref_squeeze %dma_wait3A_231 : memref<1x40xi32, #tpu.memory_space<vmem>> -> memref<40xi32, #tpu.memory_space<vmem>>
          %dma_wait3A_233 = arith.constant 0 : i32
          %dma_wait3A_234 = arith.constant 0 : i32
          %dma_wait3A_235 = tpu.memref_slice %arg13[%dma_wait3A_233, %dma_wait3A_234] : memref<10240x136xf32, #tpu.memory_space<vmem_shared>> -> memref<10240x136xf32, #tpu.memory_space<vmem_shared>>
          tpu.wait_indirect_dma semaphore(%arg19 : memref<!tpu.dma_semaphore, #tpu.memory_space<semaphore_mem>>) src(%dma_wait3A_229 : memref<40x136xf32, #tpu.memory_space<vmem>>) dst(%dma_wait3A_235 : memref<10240x136xf32, #tpu.memory_space<vmem_shared>>)
        } else {
        }
        %dma_start3A_212 = arith.constant 0 : i32
        %dma_start3A_213 = arith.constant 0 : i32
        %dma_start3A_214 = arith.constant 0 : i32
        %dma_start3A_215 = arith.constant 0 : i32
        %dma_start3A_216 = tpu.memref_slice %arg12[%dma_start3A_212, %dma_start3A_214, %dma_start3A_215] : memref<2x40x136xf32, #tpu.memory_space<vmem>> -> memref<1x40x136xf32, #tpu.memory_space<vmem>>
        %dma_start3A_217 = tpu.memref_squeeze %dma_start3A_216 : memref<1x40x136xf32, #tpu.memory_space<vmem>> -> memref<40x136xf32, #tpu.memory_space<vmem>>
        %dma_start3A_218 = arith.constant 0 : i32
        %dma_start3A_219 = tpu.memref_slice %arg9[%dma_start3A_213, %dma_start3A_218] : memref<2x40xi32, #tpu.memory_space<vmem>> -> memref<1x40xi32, #tpu.memory_space<vmem>>
        %dma_start3A_220 = tpu.memref_squeeze %dma_start3A_219 : memref<1x40xi32, #tpu.memory_space<vmem>> -> memref<40xi32, #tpu.memory_space<vmem>>
        %dma_start3A_221 = arith.constant 0 : i32
        %dma_start3A_222 = arith.constant 0 : i32
        %dma_start3A_223 = tpu.memref_slice %arg13[%dma_start3A_221, %dma_start3A_222] : memref<10240x136xf32, #tpu.memory_space<vmem_shared>> -> memref<10240x136xf32, #tpu.memory_space<vmem_shared>>
        tpu.enqueue_indirect_dma source(%dma_start3A_217 : memref<40x136xf32, #tpu.memory_space<vmem>>) target(%dma_start3A_223 : memref<10240x136xf32, #tpu.memory_space<vmem_shared>>) offsets(%dma_start3A_220 : memref<40xi32, #tpu.memory_space<vmem>>) semaphore(%arg18 : memref<!tpu.dma_semaphore, #tpu.memory_space<semaphore_mem>>) {add = true}
      } else {
      }
      %jit3A_68 = arith.constant 2 : i32
      %eq3A_69 = arith.constant 0 : i32
      %eq3A_70 = arith.cmpi eq, %jit3A_68, %eq3A_69 : i32
      %jit3A_71 = arith.constant 1 : i32
      %select_n3A_72 = arith.select %eq3A_70, %jit3A_71, %jit3A_68 : i32
      %rem3A_73 = arith.remsi %scan3A_54, %select_n3A_72 : i32
      %ne3A_74 = arith.constant 0 : i32
      %ne3A_75 = arith.cmpi ne, %rem3A_73, %ne3A_74 : i32
      %lt3A_76 = arith.constant 0 : i32
      %lt3A_77 = arith.cmpi slt, %rem3A_73, %lt3A_76 : i32
      %lt3A_78 = arith.constant 0 : i32
      %lt3A_79 = arith.cmpi slt, %select_n3A_72, %lt3A_78 : i32
      %ne3A_80 = arith.xori %lt3A_77, %lt3A_79 : i1
      %and3A_81 = arith.andi %ne3A_80, %ne3A_75 : i1
      %add3A_82 = arith.addi %rem3A_73, %select_n3A_72 : i32
      %select_n3A_83 = arith.select %and3A_81, %add3A_82, %rem3A_73 : i32
      %eq3A_84 = arith.constant 1 : i32
      %eq3A_85 = arith.cmpi eq, %select_n3A_83, %eq3A_84 : i32
      %convert_element_type3A_86 = arith.extui %eq3A_85 : i1 to i32
      %cond3A_87 = arith.constant 0 : i32
      %cond3A_88 = arith.cmpi ne, %convert_element_type3A_86, %cond3A_87 : i32
      scf.if %cond3A_88 {
        %add3A_89 = arith.constant 1 : i32
        %add3A_90 = arith.addi %scan3A_54, %add3A_89 : i32
        %lt3A_91 = arith.constant 250 : i32
        %lt3A_92 = arith.cmpi slt, %add3A_90, %lt3A_91 : i32
        %convert_element_type3A_93 = arith.extui %lt3A_92 : i1 to i32
        %cond3A_94 = arith.constant 0 : i32
        %cond3A_95 = arith.cmpi ne, %convert_element_type3A_93, %cond3A_94 : i32
        scf.if %cond3A_95 {
          %add3A_224 = arith.constant 1 : i32
          %add3A_225 = arith.addi %scan3A_54, %add3A_224 : i32
          %jit3A_226 = arith.constant 10 : i32
          %div3A_227 = arith.divsi %add3A_225, %jit3A_226 : i32
          %sign3A_228 = arith.constant 0 : i32
          %sign3A_229 = arith.cmpi sgt, %add3A_225, %sign3A_228 : i32
          %sign3A_230 = arith.extui %sign3A_229 : i1 to i32
          %sign3A_231 = arith.constant 0 : i32
          %sign3A_232 = arith.cmpi slt, %add3A_225, %sign3A_231 : i32
          %sign3A_233 = arith.extui %sign3A_232 : i1 to i32
          %sign3A_234 = arith.subi %sign3A_230, %sign3A_233 : i32
          %sign3A_235 = arith.constant 0 : i32
          %sign3A_236 = arith.cmpi sgt, %jit3A_226, %sign3A_235 : i32
          %sign3A_237 = arith.extui %sign3A_236 : i1 to i32
          %sign3A_238 = arith.constant 0 : i32
          %sign3A_239 = arith.cmpi slt, %jit3A_226, %sign3A_238 : i32
          %sign3A_240 = arith.extui %sign3A_239 : i1 to i32
          %sign3A_241 = arith.subi %sign3A_237, %sign3A_240 : i32
          %ne3A_242 = arith.cmpi ne, %sign3A_234, %sign3A_241 : i32
          %rem3A_243 = arith.remsi %add3A_225, %jit3A_226 : i32
          %ne3A_244 = arith.constant 0 : i32
          %ne3A_245 = arith.cmpi ne, %rem3A_243, %ne3A_244 : i32
          %and3A_246 = arith.andi %ne3A_242, %ne3A_245 : i1
          %sub3A_247 = arith.constant 1 : i32
          %sub3A_248 = arith.subi %div3A_227, %sub3A_247 : i32
          %select_n3A_249 = arith.select %and3A_246, %sub3A_248, %div3A_227 : i32
          %jit3A_250 = arith.constant 10 : i32
          %eq3A_251 = arith.constant 0 : i32
          %eq3A_252 = arith.cmpi eq, %jit3A_250, %eq3A_251 : i32
          %jit3A_253 = arith.constant 1 : i32
          %select_n3A_254 = arith.select %eq3A_252, %jit3A_253, %jit3A_250 : i32
          %rem3A_255 = arith.remsi %add3A_225, %select_n3A_254 : i32
          %ne3A_256 = arith.constant 0 : i32
          %ne3A_257 = arith.cmpi ne, %rem3A_255, %ne3A_256 : i32
          %lt3A_258 = arith.constant 0 : i32
          %lt3A_259 = arith.cmpi slt, %rem3A_255, %lt3A_258 : i32
          %lt3A_260 = arith.constant 0 : i32
          %lt3A_261 = arith.cmpi slt, %select_n3A_254, %lt3A_260 : i32
          %ne3A_262 = arith.xori %lt3A_259, %lt3A_261 : i1
          %and3A_263 = arith.andi %ne3A_262, %ne3A_257 : i1
          %add3A_264 = arith.addi %rem3A_255, %select_n3A_254 : i32
          %select_n3A_265 = arith.select %and3A_263, %add3A_264, %rem3A_255 : i32
          %mul3A_266 = arith.constant 40 : i32
          %mul3A_267 = arith.muli %select_n3A_265, %mul3A_266 : i32
          %jit3A_268 = arith.constant 2 : i32
          %eq3A_269 = arith.constant 0 : i32
          %eq3A_270 = arith.cmpi eq, %jit3A_268, %eq3A_269 : i32
          %jit3A_271 = arith.constant 1 : i32
          %select_n3A_272 = arith.select %eq3A_270, %jit3A_271, %jit3A_268 : i32
          %rem3A_273 = arith.remsi %select_n3A_249, %select_n3A_272 : i32
          %ne3A_274 = arith.constant 0 : i32
          %ne3A_275 = arith.cmpi ne, %rem3A_273, %ne3A_274 : i32
          %lt3A_276 = arith.constant 0 : i32
          %lt3A_277 = arith.cmpi slt, %rem3A_273, %lt3A_276 : i32
          %lt3A_278 = arith.constant 0 : i32
          %lt3A_279 = arith.cmpi slt, %select_n3A_272, %lt3A_278 : i32
          %ne3A_280 = arith.xori %lt3A_277, %lt3A_279 : i1
          %and3A_281 = arith.andi %ne3A_280, %ne3A_275 : i1
          %add3A_282 = arith.addi %rem3A_273, %select_n3A_272 : i32
          %select_n3A_283 = arith.select %and3A_281, %add3A_282, %rem3A_273 : i32
          %jit3A_284 = arith.constant 10 : i32
          %eq3A_285 = arith.constant 0 : i32
          %eq3A_286 = arith.cmpi eq, %jit3A_284, %eq3A_285 : i32
          %jit3A_287 = arith.constant 1 : i32
          %select_n3A_288 = arith.select %eq3A_286, %jit3A_287, %jit3A_284 : i32
          %rem3A_289 = arith.remsi %add3A_225, %select_n3A_288 : i32
          %ne3A_290 = arith.constant 0 : i32
          %ne3A_291 = arith.cmpi ne, %rem3A_289, %ne3A_290 : i32
          %lt3A_292 = arith.constant 0 : i32
          %lt3A_293 = arith.cmpi slt, %rem3A_289, %lt3A_292 : i32
          %lt3A_294 = arith.constant 0 : i32
          %lt3A_295 = arith.cmpi slt, %select_n3A_288, %lt3A_294 : i32
          %ne3A_296 = arith.xori %lt3A_293, %lt3A_295 : i1
          %and3A_297 = arith.andi %ne3A_296, %ne3A_291 : i1
          %add3A_298 = arith.addi %rem3A_289, %select_n3A_288 : i32
          %select_n3A_299 = arith.select %and3A_297, %add3A_298, %rem3A_289 : i32
          %eq3A_300 = arith.constant 0 : i32
          %eq3A_301 = arith.cmpi eq, %select_n3A_299, %eq3A_300 : i32
          %convert_element_type3A_302 = arith.extui %eq3A_301 : i1 to i32
          %cond3A_303 = arith.constant 0 : i32
          %cond3A_304 = arith.cmpi ne, %convert_element_type3A_302, %cond3A_303 : i32
          scf.if %cond3A_304 {
            %mul3A_327 = arith.constant 400 : i32
            %mul3A_328 = arith.muli %select_n3A_249, %mul3A_327 : i32
            %add3A_329 = arith.addi %mul3A_9, %mul3A_328 : i32
            "tpu.region"() ({
              %run_scoped3A_330 = tpu.sem_alloc : memref<!tpu.dma_semaphore, #tpu.memory_space<semaphore_mem>>
              %dma_start3A_331 = arith.constant 0 : i32
              %dma_start3A_332 = arith.constant 0 : i32
              %dma_start3A_333 = tpu.memref_slice %arg8[%select_n3A_283, %dma_start3A_331, %dma_start3A_332] : memref<2x2x400xi32, #tpu.memory_space<vmem>> -> memref<1x2x400xi32, #tpu.memory_space<vmem>>
              %dma_start3A_334 = tpu.memref_squeeze %dma_start3A_333 : memref<1x2x400xi32, #tpu.memory_space<vmem>> -> memref<2x400xi32, #tpu.memory_space<vmem>>
              %dma_start3A_335 = arith.constant 0 : i32
              %dma_start3A_336 = tpu.memref_slice %arg4[%dma_start3A_335, %add3A_329] : memref<2x320000xi32, #tpu.memory_space<hbm>> -> memref<2x400xi32, #tpu.memory_space<hbm>>
              %dma_start3A_337 = arith.constant 0 : i32
              %dma_start3A_338 = arith.constant 0 : i32
              %dma_start3A_339 = tpu.memref_slice %arg8[%select_n3A_283, %dma_start3A_337, %dma_start3A_338] : memref<2x2x400xi32, #tpu.memory_space<vmem>> -> memref<1x2x400xi32, #tpu.memory_space<vmem>>
              %dma_start3A_340 = tpu.memref_squeeze %dma_start3A_339 : memref<1x2x400xi32, #tpu.memory_space<vmem>> -> memref<2x400xi32, #tpu.memory_space<vmem>>
              %dma_start3A_341 = arith.constant 0 : i32
              %dma_start3A_342 = tpu.memref_slice %arg4[%dma_start3A_341, %add3A_329] : memref<2x320000xi32, #tpu.memory_space<hbm>> -> memref<2x400xi32, #tpu.memory_space<hbm>>
              tpu.enqueue_dma source(%dma_start3A_342 : memref<2x400xi32, #tpu.memory_space<hbm>>) target(%dma_start3A_340 : memref<2x400xi32, #tpu.memory_space<vmem>>) target_semaphore(%run_scoped3A_330 : memref<!tpu.dma_semaphore, #tpu.memory_space<semaphore_mem>>)
              %dma_wait3A_343 = arith.constant 0 : i32
              %dma_wait3A_344 = arith.constant 0 : i32
              %dma_wait3A_345 = tpu.memref_slice %arg8[%select_n3A_283, %dma_wait3A_343, %dma_wait3A_344] : memref<2x2x400xi32, #tpu.memory_space<vmem>> -> memref<1x2x400xi32, #tpu.memory_space<vmem>>
              %dma_wait3A_346 = tpu.memref_squeeze %dma_wait3A_345 : memref<1x2x400xi32, #tpu.memory_space<vmem>> -> memref<2x400xi32, #tpu.memory_space<vmem>>
              %dma_wait3A_347 = arith.constant 0 : i32
              %dma_wait3A_348 = tpu.memref_slice %arg4[%dma_wait3A_347, %add3A_329] : memref<2x320000xi32, #tpu.memory_space<hbm>> -> memref<2x400xi32, #tpu.memory_space<hbm>>
              %dma_wait3A_349 = arith.constant 0 : i32
              %dma_wait3A_350 = arith.constant 0 : i32
              %dma_wait3A_351 = tpu.memref_slice %arg8[%select_n3A_283, %dma_wait3A_349, %dma_wait3A_350] : memref<2x2x400xi32, #tpu.memory_space<vmem>> -> memref<1x2x400xi32, #tpu.memory_space<vmem>>
              %dma_wait3A_352 = tpu.memref_squeeze %dma_wait3A_351 : memref<1x2x400xi32, #tpu.memory_space<vmem>> -> memref<2x400xi32, #tpu.memory_space<vmem>>
              %dma_wait3A_353 = arith.constant 0 : i32
              %dma_wait3A_354 = tpu.memref_slice %arg4[%dma_wait3A_353, %add3A_329] : memref<2x320000xi32, #tpu.memory_space<hbm>> -> memref<2x400xi32, #tpu.memory_space<hbm>>
              tpu.wait_dma2 semaphore(%run_scoped3A_330 : memref<!tpu.dma_semaphore, #tpu.memory_space<semaphore_mem>>) src(%dma_wait3A_354 : memref<2x400xi32, #tpu.memory_space<hbm>>) dst(%dma_wait3A_352 : memref<2x400xi32, #tpu.memory_space<vmem>>)
              tpu.yield
            }) : () -> ()
          } else {
          }
          %dma_start3A_305 = arith.constant 0 : i32
          %dma_start3A_306 = arith.constant 0 : i32
          %dma_start3A_307 = arith.constant 0 : i32
          %dma_start3A_308 = arith.constant 0 : i32
          %dma_start3A_309 = tpu.memref_slice %arg10[%dma_start3A_306, %dma_start3A_307, %dma_start3A_308] : memref<2x40x256xf32, #tpu.memory_space<vmem>> -> memref<1x40x256xf32, #tpu.memory_space<vmem>>
          %dma_start3A_310 = tpu.memref_squeeze %dma_start3A_309 : memref<1x40x256xf32, #tpu.memory_space<vmem>> -> memref<40x256xf32, #tpu.memory_space<vmem>>
          %dma_start3A_311 = tpu.memref_slice %arg8[%select_n3A_283, %dma_start3A_305, %mul3A_267] : memref<2x2x400xi32, #tpu.memory_space<vmem>> -> memref<1x1x40xi32, #tpu.memory_space<vmem>>
          %dma_start3A_312 = tpu.memref_squeeze %dma_start3A_311 : memref<1x1x40xi32, #tpu.memory_space<vmem>> -> memref<40xi32, #tpu.memory_space<vmem>>
          %dma_start3A_313 = arith.constant 0 : i32
          %dma_start3A_314 = arith.constant 0 : i32
          %dma_start3A_315 = tpu.memref_slice %arg2[%dma_start3A_313, %dma_start3A_314] : memref<10000x256xf32, #tpu.memory_space<hbm>> -> memref<10000x256xf32, #tpu.memory_space<hbm>>
          tpu.enqueue_indirect_dma source(%dma_start3A_315 : memref<10000x256xf32, #tpu.memory_space<hbm>>) target(%dma_start3A_310 : memref<40x256xf32, #tpu.memory_space<vmem>>) offsets(%dma_start3A_312 : memref<40xi32, #tpu.memory_space<vmem>>) semaphore(%arg14 : memref<!tpu.dma_semaphore, #tpu.memory_space<semaphore_mem>>)
          %dma_start3A_316 = arith.constant 1 : i32
          %dma_start3A_317 = arith.constant 0 : i32
          %dma_start3A_318 = arith.constant 0 : i32
          %dma_start3A_319 = arith.constant 0 : i32
          %dma_start3A_320 = tpu.memref_slice %arg11[%dma_start3A_317, %dma_start3A_318, %dma_start3A_319] : memref<2x40x128xf32, #tpu.memory_space<vmem>> -> memref<1x40x128xf32, #tpu.memory_space<vmem>>
          %dma_start3A_321 = tpu.memref_squeeze %dma_start3A_320 : memref<1x40x128xf32, #tpu.memory_space<vmem>> -> memref<40x128xf32, #tpu.memory_space<vmem>>
          %dma_start3A_322 = tpu.memref_slice %arg8[%select_n3A_283, %dma_start3A_316, %mul3A_267] : memref<2x2x400xi32, #tpu.memory_space<vmem>> -> memref<1x1x40xi32, #tpu.memory_space<vmem>>
          %dma_start3A_323 = tpu.memref_squeeze %dma_start3A_322 : memref<1x1x40xi32, #tpu.memory_space<vmem>> -> memref<40xi32, #tpu.memory_space<vmem>>
          %dma_start3A_324 = arith.constant 0 : i32
          %dma_start3A_325 = arith.constant 0 : i32
          %dma_start3A_326 = tpu.memref_slice %arg3[%dma_start3A_324, %dma_start3A_325] : memref<10000x128xf32, #tpu.memory_space<hbm>> -> memref<10000x128xf32, #tpu.memory_space<hbm>>
          tpu.enqueue_indirect_dma source(%dma_start3A_326 : memref<10000x128xf32, #tpu.memory_space<hbm>>) target(%dma_start3A_321 : memref<40x128xf32, #tpu.memory_space<vmem>>) offsets(%dma_start3A_323 : memref<40xi32, #tpu.memory_space<vmem>>) semaphore(%arg16 : memref<!tpu.dma_semaphore, #tpu.memory_space<semaphore_mem>>)
        } else {
        }
        %jit3A_96 = arith.constant 10 : i32
        %div3A = arith.divsi %scan3A_54, %jit3A_96 : i32
        %sign3A = arith.constant 0 : i32
        %sign3A_97 = arith.cmpi sgt, %scan3A_54, %sign3A : i32
        %sign3A_98 = arith.extui %sign3A_97 : i1 to i32
        %sign3A_99 = arith.constant 0 : i32
        %sign3A_100 = arith.cmpi slt, %scan3A_54, %sign3A_99 : i32
        %sign3A_101 = arith.extui %sign3A_100 : i1 to i32
        %sign3A_102 = arith.subi %sign3A_98, %sign3A_101 : i32
        %sign3A_103 = arith.constant 0 : i32
        %sign3A_104 = arith.cmpi sgt, %jit3A_96, %sign3A_103 : i32
        %sign3A_105 = arith.extui %sign3A_104 : i1 to i32
        %sign3A_106 = arith.constant 0 : i32
        %sign3A_107 = arith.cmpi slt, %jit3A_96, %sign3A_106 : i32
        %sign3A_108 = arith.extui %sign3A_107 : i1 to i32
        %sign3A_109 = arith.subi %sign3A_105, %sign3A_108 : i32
        %ne3A_110 = arith.cmpi ne, %sign3A_102, %sign3A_109 : i32
        %rem3A_111 = arith.remsi %scan3A_54, %jit3A_96 : i32
        %ne3A_112 = arith.constant 0 : i32
        %ne3A_113 = arith.cmpi ne, %rem3A_111, %ne3A_112 : i32
        %and3A_114 = arith.andi %ne3A_110, %ne3A_113 : i1
        %sub3A = arith.constant 1 : i32
        %sub3A_115 = arith.subi %div3A, %sub3A : i32
        %select_n3A_116 = arith.select %and3A_114, %sub3A_115, %div3A : i32
        %jit3A_117 = arith.constant 10 : i32
        %eq3A_118 = arith.constant 0 : i32
        %eq3A_119 = arith.cmpi eq, %jit3A_117, %eq3A_118 : i32
        %jit3A_120 = arith.constant 1 : i32
        %select_n3A_121 = arith.select %eq3A_119, %jit3A_120, %jit3A_117 : i32
        %rem3A_122 = arith.remsi %scan3A_54, %select_n3A_121 : i32
        %ne3A_123 = arith.constant 0 : i32
        %ne3A_124 = arith.cmpi ne, %rem3A_122, %ne3A_123 : i32
        %lt3A_125 = arith.constant 0 : i32
        %lt3A_126 = arith.cmpi slt, %rem3A_122, %lt3A_125 : i32
        %lt3A_127 = arith.constant 0 : i32
        %lt3A_128 = arith.cmpi slt, %select_n3A_121, %lt3A_127 : i32
        %ne3A_129 = arith.xori %lt3A_126, %lt3A_128 : i1
        %and3A_130 = arith.andi %ne3A_129, %ne3A_124 : i1
        %add3A_131 = arith.addi %rem3A_122, %select_n3A_121 : i32
        %select_n3A_132 = arith.select %and3A_130, %add3A_131, %rem3A_122 : i32
        %mul3A_133 = arith.constant 40 : i32
        %mul3A_134 = arith.muli %select_n3A_132, %mul3A_133 : i32
        %jit3A_135 = arith.constant 2 : i32
        %eq3A_136 = arith.constant 0 : i32
        %eq3A_137 = arith.cmpi eq, %jit3A_135, %eq3A_136 : i32
        %jit3A_138 = arith.constant 1 : i32
        %select_n3A_139 = arith.select %eq3A_137, %jit3A_138, %jit3A_135 : i32
        %rem3A_140 = arith.remsi %select_n3A_116, %select_n3A_139 : i32
        %ne3A_141 = arith.constant 0 : i32
        %ne3A_142 = arith.cmpi ne, %rem3A_140, %ne3A_141 : i32
        %lt3A_143 = arith.constant 0 : i32
        %lt3A_144 = arith.cmpi slt, %rem3A_140, %lt3A_143 : i32
        %lt3A_145 = arith.constant 0 : i32
        %lt3A_146 = arith.cmpi slt, %select_n3A_139, %lt3A_145 : i32
        %ne3A_147 = arith.xori %lt3A_144, %lt3A_146 : i1
        %and3A_148 = arith.andi %ne3A_147, %ne3A_142 : i1
        %add3A_149 = arith.addi %rem3A_140, %select_n3A_139 : i32
        %select_n3A_150 = arith.select %and3A_148, %add3A_149, %rem3A_140 : i32
        %dma_wait3A_151 = arith.constant 0 : i32
        %dma_wait3A_152 = arith.constant 1 : i32
        %dma_wait3A_153 = arith.constant 0 : i32
        %dma_wait3A_154 = arith.constant 0 : i32
        %dma_wait3A_155 = tpu.memref_slice %arg10[%dma_wait3A_152, %dma_wait3A_153, %dma_wait3A_154] : memref<2x40x256xf32, #tpu.memory_space<vmem>> -> memref<1x40x256xf32, #tpu.memory_space<vmem>>
        %dma_wait3A_156 = tpu.memref_squeeze %dma_wait3A_155 : memref<1x40x256xf32, #tpu.memory_space<vmem>> -> memref<40x256xf32, #tpu.memory_space<vmem>>
        %dma_wait3A_157 = tpu.memref_slice %arg8[%select_n3A_150, %dma_wait3A_151, %mul3A_134] : memref<2x2x400xi32, #tpu.memory_space<vmem>> -> memref<1x1x40xi32, #tpu.memory_space<vmem>>
        %dma_wait3A_158 = tpu.memref_squeeze %dma_wait3A_157 : memref<1x1x40xi32, #tpu.memory_space<vmem>> -> memref<40xi32, #tpu.memory_space<vmem>>
        %dma_wait3A_159 = arith.constant 0 : i32
        %dma_wait3A_160 = arith.constant 0 : i32
        %dma_wait3A_161 = tpu.memref_slice %arg2[%dma_wait3A_159, %dma_wait3A_160] : memref<10000x256xf32, #tpu.memory_space<hbm>> -> memref<10000x256xf32, #tpu.memory_space<hbm>>
        tpu.wait_indirect_dma semaphore(%arg15 : memref<!tpu.dma_semaphore, #tpu.memory_space<semaphore_mem>>) src(%dma_wait3A_161 : memref<10000x256xf32, #tpu.memory_space<hbm>>) dst(%dma_wait3A_156 : memref<40x256xf32, #tpu.memory_space<vmem>>)
        %dma_wait3A_162 = arith.constant 1 : i32
        %dma_wait3A_163 = arith.constant 1 : i32
        %dma_wait3A_164 = arith.constant 0 : i32
        %dma_wait3A_165 = arith.constant 0 : i32
        %dma_wait3A_166 = tpu.memref_slice %arg11[%dma_wait3A_163, %dma_wait3A_164, %dma_wait3A_165] : memref<2x40x128xf32, #tpu.memory_space<vmem>> -> memref<1x40x128xf32, #tpu.memory_space<vmem>>
        %dma_wait3A_167 = tpu.memref_squeeze %dma_wait3A_166 : memref<1x40x128xf32, #tpu.memory_space<vmem>> -> memref<40x128xf32, #tpu.memory_space<vmem>>
        %dma_wait3A_168 = tpu.memref_slice %arg8[%select_n3A_150, %dma_wait3A_162, %mul3A_134] : memref<2x2x400xi32, #tpu.memory_space<vmem>> -> memref<1x1x40xi32, #tpu.memory_space<vmem>>
        %dma_wait3A_169 = tpu.memref_squeeze %dma_wait3A_168 : memref<1x1x40xi32, #tpu.memory_space<vmem>> -> memref<40xi32, #tpu.memory_space<vmem>>
        %dma_wait3A_170 = arith.constant 0 : i32
        %dma_wait3A_171 = arith.constant 0 : i32
        %dma_wait3A_172 = tpu.memref_slice %arg3[%dma_wait3A_170, %dma_wait3A_171] : memref<10000x128xf32, #tpu.memory_space<hbm>> -> memref<10000x128xf32, #tpu.memory_space<hbm>>
        tpu.wait_indirect_dma semaphore(%arg17 : memref<!tpu.dma_semaphore, #tpu.memory_space<semaphore_mem>>) src(%dma_wait3A_172 : memref<10000x128xf32, #tpu.memory_space<hbm>>) dst(%dma_wait3A_167 : memref<40x128xf32, #tpu.memory_space<vmem>>)
        %get3A = arith.constant 1 : i32
        %get3A_173 = arith.index_cast %select_n3A_150 : i32 to index
        %get3A_174 = arith.index_cast %get3A : i32 to index
        %get3A_175 = arith.index_cast %mul3A_134 : i32 to index
        %get3A_176 = tpu.vector_load %arg8[%get3A_173, %get3A_174, %get3A_175] {strides = array<i32>} : memref<2x2x400xi32, #tpu.memory_space<vmem>>, vector<16xi32>,
        %swap3A = arith.constant 1 : i32
        %swap3A_177 = arith.index_cast %swap3A : i32 to index
        %swap3A_178 = arith.constant 0 : index
        %swap3A_179 = tpu.vector_load %arg9[%swap3A_177, %swap3A_178] {strides = array<i32>} : memref<2x40xi32, #tpu.memory_space<vmem>>, vector<16xi32>,
        tpu.vector_store %arg9[%swap3A_177, %swap3A_178], %get3A_176 {strides = array<i32>} : memref<2x40xi32, #tpu.memory_space<vmem>>, vector<16xi32>,
        %add3A_180 = arith.constant 16 : i32
        %add3A_181 = arith.addi %mul3A_134, %add3A_180 : i32
        %get3A_182 = arith.constant 1 : i32
        %get3A_183 = arith.index_cast %select_n3A_150 : i32 to index
        %get3A_184 = arith.index_cast %get3A_182 : i32 to index
        %get3A_185 = arith.index_cast %add3A_181 : i32 to index
        %get3A_186 = tpu.vector_load %arg8[%get3A_183, %get3A_184, %get3A_185] {strides = array<i32>} : memref<2x2x400xi32, #tpu.memory_space<vmem>>, vector<16xi32>,
        %swap3A_187 = arith.constant 1 : i32
        %swap3A_188 = arith.index_cast %swap3A_187 : i32 to index
        %swap3A_189 = arith.constant 16 : index
        %swap3A_190 = tpu.vector_load %arg9[%swap3A_188, %swap3A_189] {strides = array<i32>} : memref<2x40xi32, #tpu.memory_space<vmem>>, vector<16xi32>,
        tpu.vector_store %arg9[%swap3A_188, %swap3A_189], %get3A_186 {strides = array<i32>} : memref<2x40xi32, #tpu.memory_space<vmem>>, vector<16xi32>,
        %add3A_191 = arith.constant 24 : i32
        %add3A_192 = arith.addi %mul3A_134, %add3A_191 : i32
        %get3A_193 = arith.constant 1 : i32
        %get3A_194 = arith.index_cast %select_n3A_150 : i32 to index
        %get3A_195 = arith.index_cast %get3A_193 : i32 to index
        %get3A_196 = arith.index_cast %add3A_192 : i32 to index
        %get3A_197 = tpu.vector_load %arg8[%get3A_194, %get3A_195, %get3A_196] {strides = array<i32>} : memref<2x2x400xi32, #tpu.memory_space<vmem>>, vector<16xi32>,
        %swap3A_198 = arith.constant 1 : i32
        %swap3A_199 = arith.index_cast %swap3A_198 : i32 to index
        %swap3A_200 = arith.constant 24 : index
        %swap3A_201 = tpu.vector_load %arg9[%swap3A_199, %swap3A_200] {strides = array<i32>} : memref<2x40xi32, #tpu.memory_space<vmem>>, vector<16xi32>,
        tpu.vector_store %arg9[%swap3A_199, %swap3A_200], %get3A_197 {strides = array<i32>} : memref<2x40xi32, #tpu.memory_space<vmem>>, vector<16xi32>,
        %scan3A_202 = arith.constant 0 : i32
        %scan3A_203 = arith.constant 0 : i32
        %scan3A_204 = arith.constant 40 : i32
        %scan3A_205 = arith.addi %scan3A_203, %scan3A_204 : i32
        %scan3A_206 = arith.constant 1 : i32
        scf.for %scan3A_224 = %scan3A_203 to %scan3A_205 step %scan3A_206  : i32 {
          %get3A_225 = arith.constant 1 : i32
          %get3A_226 = arith.index_cast %get3A_225 : i32 to index
          %get3A_227 = arith.index_cast %scan3A_224 : i32 to index
          %get3A_228 = arith.constant 0 : index
          %get3A_229 = tpu.vector_load %arg10[%get3A_226, %get3A_227, %get3A_228] {strides = array<i32>} : memref<2x40x256xf32, #tpu.memory_space<vmem>>, vector<16xf32>,
          %get3A_230 = arith.constant 1 : i32
          %get3A_231 = arith.index_cast %get3A_230 : i32 to index
          %get3A_232 = arith.index_cast %scan3A_224 : i32 to index
          %get3A_233 = arith.constant 0 : index
          %get3A_234 = tpu.vector_load %arg11[%get3A_231, %get3A_232, %get3A_233] {strides = array<i32>} : memref<2x40x128xf32, #tpu.memory_space<vmem>>, vector<16xf32>,
          %mul3A_235 = arith.mulf %get3A_229, %get3A_234 : vector<16xf32>
          %broadcast_in_dim3A = arith.constant true
          %broadcast_in_dim3A_236 = vector.broadcast %broadcast_in_dim3A : i1 to vector<16xi1>
          %masked_cumsum3A = tpu.scan <sum>, %mul3A_235 masked %broadcast_in_dim3A_236 : vector<16xf32>, vector<16xi1> -> vector<16xf32>
          %get3A_237 = arith.constant 1 : i32
          %get3A_238 = arith.index_cast %get3A_237 : i32 to index
          %get3A_239 = arith.index_cast %scan3A_224 : i32 to index
          %get3A_240 = arith.constant 16 : index
          %get3A_241 = tpu.vector_load %arg10[%get3A_238, %get3A_239, %get3A_240] {strides = array<i32>} : memref<2x40x256xf32, #tpu.memory_space<vmem>>, vector<16xf32>,
          %get3A_242 = arith.constant 1 : i32
          %get3A_243 = arith.index_cast %get3A_242 : i32 to index
          %get3A_244 = arith.index_cast %scan3A_224 : i32 to index
          %get3A_245 = arith.constant 16 : index
          %get3A_246 = tpu.vector_load %arg11[%get3A_243, %get3A_244, %get3A_245] {strides = array<i32>} : memref<2x40x128xf32, #tpu.memory_space<vmem>>, vector<16xf32>,
          %mul3A_247 = arith.mulf %get3A_241, %get3A_246 : vector<16xf32>
          %broadcast_in_dim3A_248 = arith.constant true
          %broadcast_in_dim3A_249 = vector.broadcast %broadcast_in_dim3A_248 : i1 to vector<16xi1>
          %masked_cumsum3A_250 = tpu.scan <sum>, %mul3A_247 masked %broadcast_in_dim3A_249 : vector<16xf32>, vector<16xi1> -> vector<16xf32>
          %get3A_251 = arith.constant 1 : i32
          %get3A_252 = arith.index_cast %get3A_251 : i32 to index
          %get3A_253 = arith.index_cast %scan3A_224 : i32 to index
          %get3A_254 = arith.constant 32 : index
          %get3A_255 = tpu.vector_load %arg10[%get3A_252, %get3A_253, %get3A_254] {strides = array<i32>} : memref<2x40x256xf32, #tpu.memory_space<vmem>>, vector<16xf32>,
          %get3A_256 = arith.constant 1 : i32
          %get3A_257 = arith.index_cast %get3A_256 : i32 to index
          %get3A_258 = arith.index_cast %scan3A_224 : i32 to index
          %get3A_259 = arith.constant 32 : index
          %get3A_260 = tpu.vector_load %arg11[%get3A_257, %get3A_258, %get3A_259] {strides = array<i32>} : memref<2x40x128xf32, #tpu.memory_space<vmem>>, vector<16xf32>,
          %mul3A_261 = arith.mulf %get3A_255, %get3A_260 : vector<16xf32>
          %broadcast_in_dim3A_262 = arith.constant true
          %broadcast_in_dim3A_263 = vector.broadcast %broadcast_in_dim3A_262 : i1 to vector<16xi1>
          %masked_cumsum3A_264 = tpu.scan <sum>, %mul3A_261 masked %broadcast_in_dim3A_263 : vector<16xf32>, vector<16xi1> -> vector<16xf32>
          %get3A_265 = arith.constant 1 : i32
          %get3A_266 = arith.index_cast %get3A_265 : i32 to index
          %get3A_267 = arith.index_cast %scan3A_224 : i32 to index
          %get3A_268 = arith.constant 48 : index
          %get3A_269 = tpu.vector_load %arg10[%get3A_266, %get3A_267, %get3A_268] {strides = array<i32>} : memref<2x40x256xf32, #tpu.memory_space<vmem>>, vector<16xf32>,
          %get3A_270 = arith.constant 1 : i32
          %get3A_271 = arith.index_cast %get3A_270 : i32 to index
          %get3A_272 = arith.index_cast %scan3A_224 : i32 to index
          %get3A_273 = arith.constant 48 : index
          %get3A_274 = tpu.vector_load %arg11[%get3A_271, %get3A_272, %get3A_273] {strides = array<i32>} : memref<2x40x128xf32, #tpu.memory_space<vmem>>, vector<16xf32>,
          %mul3A_275 = arith.mulf %get3A_269, %get3A_274 : vector<16xf32>
          %broadcast_in_dim3A_276 = arith.constant true
          %broadcast_in_dim3A_277 = vector.broadcast %broadcast_in_dim3A_276 : i1 to vector<16xi1>
          %masked_cumsum3A_278 = tpu.scan <sum>, %mul3A_275 masked %broadcast_in_dim3A_277 : vector<16xf32>, vector<16xi1> -> vector<16xf32>
          %get3A_279 = arith.constant 1 : i32
          %get3A_280 = arith.index_cast %get3A_279 : i32 to index
          %get3A_281 = arith.index_cast %scan3A_224 : i32 to index
          %get3A_282 = arith.constant 64 : index
          %get3A_283 = tpu.vector_load %arg10[%get3A_280, %get3A_281, %get3A_282] {strides = array<i32>} : memref<2x40x256xf32, #tpu.memory_space<vmem>>, vector<16xf32>,
          %get3A_284 = arith.constant 1 : i32
          %get3A_285 = arith.index_cast %get3A_284 : i32 to index
          %get3A_286 = arith.index_cast %scan3A_224 : i32 to index
          %get3A_287 = arith.constant 64 : index
          %get3A_288 = tpu.vector_load %arg11[%get3A_285, %get3A_286, %get3A_287] {strides = array<i32>} : memref<2x40x128xf32, #tpu.memory_space<vmem>>, vector<16xf32>,
          %mul3A_289 = arith.mulf %get3A_283, %get3A_288 : vector<16xf32>
          %broadcast_in_dim3A_290 = arith.constant true
          %broadcast_in_dim3A_291 = vector.broadcast %broadcast_in_dim3A_290 : i1 to vector<16xi1>
          %masked_cumsum3A_292 = tpu.scan <sum>, %mul3A_289 masked %broadcast_in_dim3A_291 : vector<16xf32>, vector<16xi1> -> vector<16xf32>
          %get3A_293 = arith.constant 1 : i32
          %get3A_294 = arith.index_cast %get3A_293 : i32 to index
          %get3A_295 = arith.index_cast %scan3A_224 : i32 to index
          %get3A_296 = arith.constant 80 : index
          %get3A_297 = tpu.vector_load %arg10[%get3A_294, %get3A_295, %get3A_296] {strides = array<i32>} : memref<2x40x256xf32, #tpu.memory_space<vmem>>, vector<16xf32>,
          %get3A_298 = arith.constant 1 : i32
          %get3A_299 = arith.index_cast %get3A_298 : i32 to index
          %get3A_300 = arith.index_cast %scan3A_224 : i32 to index
          %get3A_301 = arith.constant 80 : index
          %get3A_302 = tpu.vector_load %arg11[%get3A_299, %get3A_300, %get3A_301] {strides = array<i32>} : memref<2x40x128xf32, #tpu.memory_space<vmem>>, vector<16xf32>,
          %mul3A_303 = arith.mulf %get3A_297, %get3A_302 : vector<16xf32>
          %broadcast_in_dim3A_304 = arith.constant true
          %broadcast_in_dim3A_305 = vector.broadcast %broadcast_in_dim3A_304 : i1 to vector<16xi1>
          %masked_cumsum3A_306 = tpu.scan <sum>, %mul3A_303 masked %broadcast_in_dim3A_305 : vector<16xf32>, vector<16xi1> -> vector<16xf32>
          %get3A_307 = arith.constant 1 : i32
          %get3A_308 = arith.index_cast %get3A_307 : i32 to index
          %get3A_309 = arith.index_cast %scan3A_224 : i32 to index
          %get3A_310 = arith.constant 96 : index
          %get3A_311 = tpu.vector_load %arg10[%get3A_308, %get3A_309, %get3A_310] {strides = array<i32>} : memref<2x40x256xf32, #tpu.memory_space<vmem>>, vector<16xf32>,
          %get3A_312 = arith.constant 1 : i32
          %get3A_313 = arith.index_cast %get3A_312 : i32 to index
          %get3A_314 = arith.index_cast %scan3A_224 : i32 to index
          %get3A_315 = arith.constant 96 : index
          %get3A_316 = tpu.vector_load %arg11[%get3A_313, %get3A_314, %get3A_315] {strides = array<i32>} : memref<2x40x128xf32, #tpu.memory_space<vmem>>, vector<16xf32>,
          %mul3A_317 = arith.mulf %get3A_311, %get3A_316 : vector<16xf32>
          %broadcast_in_dim3A_318 = arith.constant true
          %broadcast_in_dim3A_319 = vector.broadcast %broadcast_in_dim3A_318 : i1 to vector<16xi1>
          %masked_cumsum3A_320 = tpu.scan <sum>, %mul3A_317 masked %broadcast_in_dim3A_319 : vector<16xf32>, vector<16xi1> -> vector<16xf32>
          %get3A_321 = arith.constant 1 : i32
          %get3A_322 = arith.index_cast %get3A_321 : i32 to index
          %get3A_323 = arith.index_cast %scan3A_224 : i32 to index
          %get3A_324 = arith.constant 112 : index
          %get3A_325 = tpu.vector_load %arg10[%get3A_322, %get3A_323, %get3A_324] {strides = array<i32>} : memref<2x40x256xf32, #tpu.memory_space<vmem>>, vector<16xf32>,
          %get3A_326 = arith.constant 1 : i32
          %get3A_327 = arith.index_cast %get3A_326 : i32 to index
          %get3A_328 = arith.index_cast %scan3A_224 : i32 to index
          %get3A_329 = arith.constant 112 : index
          %get3A_330 = tpu.vector_load %arg11[%get3A_327, %get3A_328, %get3A_329] {strides = array<i32>} : memref<2x40x128xf32, #tpu.memory_space<vmem>>, vector<16xf32>,
          %mul3A_331 = arith.mulf %get3A_325, %get3A_330 : vector<16xf32>
          %broadcast_in_dim3A_332 = arith.constant true
          %broadcast_in_dim3A_333 = vector.broadcast %broadcast_in_dim3A_332 : i1 to vector<16xi1>
          %masked_cumsum3A_334 = tpu.scan <sum>, %mul3A_331 masked %broadcast_in_dim3A_333 : vector<16xf32>, vector<16xi1> -> vector<16xf32>
          %broadcast_in_dim3A_335 = arith.constant 0.000000e+00 : f32
          %broadcast_in_dim3A_336 = vector.broadcast %broadcast_in_dim3A_335 : f32 to vector<16xf32>
          %slice3A = vector.extract_strided_slice %masked_cumsum3A {offsets = [15], sizes = [1], strides = [1]} : vector<16xf32> to vector<1xf32>
          %squeeze3A = vector.extract %slice3A[0] : f32 from vector<1xf32>
          %broadcast_in_dim3A_337 = vector.broadcast %squeeze3A : f32 to vector<16xf32>
          %jit3A_338 = arith.constant -5.000000e+00 : f32
          %jit3A_339 = arith.constant 5.000000e+00 : f32
          %max3A = vector.broadcast %jit3A_338 : f32 to vector<16xf32>
          %max3A_340 = arith.maximumf %max3A, %broadcast_in_dim3A_337 : vector<16xf32>
          %min3A = vector.broadcast %jit3A_339 : f32 to vector<16xf32>
          %min3A_341 = arith.minimumf %min3A, %max3A_340 : vector<16xf32>
          %exp3A = math.exp %min3A_341 : vector<16xf32>
          %get3A_342 = arith.constant 1 : i32
          %get3A_343 = arith.index_cast %get3A_342 : i32 to index
          %get3A_344 = arith.index_cast %scan3A_224 : i32 to index
          %get3A_345 = arith.constant 128 : index
          %get3A_346 = tpu.vector_load %arg10[%get3A_343, %get3A_344, %get3A_345] {strides = array<i32>} : memref<2x40x256xf32, #tpu.memory_space<vmem>>, vector<16xf32>,
          %mul3A_347 = arith.mulf %get3A_346, %exp3A : vector<16xf32>
          %swap3A_348 = arith.constant 1 : i32
          %swap3A_349 = arith.index_cast %swap3A_348 : i32 to index
          %swap3A_350 = arith.index_cast %scan3A_224 : i32 to index
          %swap3A_351 = arith.constant 0 : index
          %swap3A_352 = tpu.vector_load %arg12[%swap3A_349, %swap3A_350, %swap3A_351] {strides = array<i32>} : memref<2x40x136xf32, #tpu.memory_space<vmem>>, vector<16xf32>,
          tpu.vector_store %arg12[%swap3A_349, %swap3A_350, %swap3A_351], %mul3A_347 {strides = array<i32>} : memref<2x40x136xf32, #tpu.memory_space<vmem>>, vector<16xf32>,
          %eq3A_353 = arith.constant 0 : i32
          %eq3A_354 = vector.broadcast %eq3A_353 : i32 to vector<16xi32>
          %eq3A_355 = arith.cmpi eq, %iota3A, %eq3A_354 : vector<16xi32>
          %select_n3A_356 = arith.select %eq3A_355, %exp3A, %broadcast_in_dim3A_336 : vector<16xi1>, vector<16xf32>
          %slice3A_357 = vector.extract_strided_slice %masked_cumsum3A_250 {offsets = [15], sizes = [1], strides = [1]} : vector<16xf32> to vector<1xf32>
          %squeeze3A_358 = vector.extract %slice3A_357[0] : f32 from vector<1xf32>
          %broadcast_in_dim3A_359 = vector.broadcast %squeeze3A_358 : f32 to vector<16xf32>
          %jit3A_360 = arith.constant -5.000000e+00 : f32
          %jit3A_361 = arith.constant 5.000000e+00 : f32
          %max3A_362 = vector.broadcast %jit3A_360 : f32 to vector<16xf32>
          %max3A_363 = arith.maximumf %max3A_362, %broadcast_in_dim3A_359 : vector<16xf32>
          %min3A_364 = vector.broadcast %jit3A_361 : f32 to vector<16xf32>
          %min3A_365 = arith.minimumf %min3A_364, %max3A_363 : vector<16xf32>
          %exp3A_366 = math.exp %min3A_365 : vector<16xf32>
          %get3A_367 = arith.constant 1 : i32
          %get3A_368 = arith.index_cast %get3A_367 : i32 to index
          %get3A_369 = arith.index_cast %scan3A_224 : i32 to index
          %get3A_370 = arith.constant 144 : index
          %get3A_371 = tpu.vector_load %arg10[%get3A_368, %get3A_369, %get3A_370] {strides = array<i32>} : memref<2x40x256xf32, #tpu.memory_space<vmem>>, vector<16xf32>,
          %mul3A_372 = arith.mulf %get3A_371, %exp3A_366 : vector<16xf32>
          %swap3A_373 = arith.constant 1 : i32
          %swap3A_374 = arith.index_cast %swap3A_373 : i32 to index
          %swap3A_375 = arith.index_cast %scan3A_224 : i32 to index
          %swap3A_376 = arith.constant 16 : index
          %swap3A_377 = tpu.vector_load %arg12[%swap3A_374, %swap3A_375, %swap3A_376] {strides = array<i32>} : memref<2x40x136xf32, #tpu.memory_space<vmem>>, vector<16xf32>,
          tpu.vector_store %arg12[%swap3A_374, %swap3A_375, %swap3A_376], %mul3A_372 {strides = array<i32>} : memref<2x40x136xf32, #tpu.memory_space<vmem>>, vector<16xf32>,
          %eq3A_378 = arith.constant 1 : i32
          %eq3A_379 = vector.broadcast %eq3A_378 : i32 to vector<16xi32>
          %eq3A_380 = arith.cmpi eq, %iota3A, %eq3A_379 : vector<16xi32>
          %select_n3A_381 = arith.select %eq3A_380, %exp3A_366, %select_n3A_356 : vector<16xi1>, vector<16xf32>
          %slice3A_382 = vector.extract_strided_slice %masked_cumsum3A_264 {offsets = [15], sizes = [1], strides = [1]} : vector<16xf32> to vector<1xf32>
          %squeeze3A_383 = vector.extract %slice3A_382[0] : f32 from vector<1xf32>
          %broadcast_in_dim3A_384 = vector.broadcast %squeeze3A_383 : f32 to vector<16xf32>
          %jit3A_385 = arith.constant -5.000000e+00 : f32
          %jit3A_386 = arith.constant 5.000000e+00 : f32
          %max3A_387 = vector.broadcast %jit3A_385 : f32 to vector<16xf32>
          %max3A_388 = arith.maximumf %max3A_387, %broadcast_in_dim3A_384 : vector<16xf32>
          %min3A_389 = vector.broadcast %jit3A_386 : f32 to vector<16xf32>
          %min3A_390 = arith.minimumf %min3A_389, %max3A_388 : vector<16xf32>
          %exp3A_391 = math.exp %min3A_390 : vector<16xf32>
          %get3A_392 = arith.constant 1 : i32
          %get3A_393 = arith.index_cast %get3A_392 : i32 to index
          %get3A_394 = arith.index_cast %scan3A_224 : i32 to index
          %get3A_395 = arith.constant 160 : index
          %get3A_396 = tpu.vector_load %arg10[%get3A_393, %get3A_394, %get3A_395] {strides = array<i32>} : memref<2x40x256xf32, #tpu.memory_space<vmem>>, vector<16xf32>,
          %mul3A_397 = arith.mulf %get3A_396, %exp3A_391 : vector<16xf32>
          %swap3A_398 = arith.constant 1 : i32
          %swap3A_399 = arith.index_cast %swap3A_398 : i32 to index
          %swap3A_400 = arith.index_cast %scan3A_224 : i32 to index
          %swap3A_401 = arith.constant 32 : index
          %swap3A_402 = tpu.vector_load %arg12[%swap3A_399, %swap3A_400, %swap3A_401] {strides = array<i32>} : memref<2x40x136xf32, #tpu.memory_space<vmem>>, vector<16xf32>,
          tpu.vector_store %arg12[%swap3A_399, %swap3A_400, %swap3A_401], %mul3A_397 {strides = array<i32>} : memref<2x40x136xf32, #tpu.memory_space<vmem>>, vector<16xf32>,
          %eq3A_403 = arith.constant 2 : i32
          %eq3A_404 = vector.broadcast %eq3A_403 : i32 to vector<16xi32>
          %eq3A_405 = arith.cmpi eq, %iota3A, %eq3A_404 : vector<16xi32>
          %select_n3A_406 = arith.select %eq3A_405, %exp3A_391, %select_n3A_381 : vector<16xi1>, vector<16xf32>
          %slice3A_407 = vector.extract_strided_slice %masked_cumsum3A_278 {offsets = [15], sizes = [1], strides = [1]} : vector<16xf32> to vector<1xf32>
          %squeeze3A_408 = vector.extract %slice3A_407[0] : f32 from vector<1xf32>
          %broadcast_in_dim3A_409 = vector.broadcast %squeeze3A_408 : f32 to vector<16xf32>
          %jit3A_410 = arith.constant -5.000000e+00 : f32
          %jit3A_411 = arith.constant 5.000000e+00 : f32
          %max3A_412 = vector.broadcast %jit3A_410 : f32 to vector<16xf32>
          %max3A_413 = arith.maximumf %max3A_412, %broadcast_in_dim3A_409 : vector<16xf32>
          %min3A_414 = vector.broadcast %jit3A_411 : f32 to vector<16xf32>
          %min3A_415 = arith.minimumf %min3A_414, %max3A_413 : vector<16xf32>
          %exp3A_416 = math.exp %min3A_415 : vector<16xf32>
          %get3A_417 = arith.constant 1 : i32
          %get3A_418 = arith.index_cast %get3A_417 : i32 to index
          %get3A_419 = arith.index_cast %scan3A_224 : i32 to index
          %get3A_420 = arith.constant 176 : index
          %get3A_421 = tpu.vector_load %arg10[%get3A_418, %get3A_419, %get3A_420] {strides = array<i32>} : memref<2x40x256xf32, #tpu.memory_space<vmem>>, vector<16xf32>,
          %mul3A_422 = arith.mulf %get3A_421, %exp3A_416 : vector<16xf32>
          %swap3A_423 = arith.constant 1 : i32
          %swap3A_424 = arith.index_cast %swap3A_423 : i32 to index
          %swap3A_425 = arith.index_cast %scan3A_224 : i32 to index
          %swap3A_426 = arith.constant 48 : index
          %swap3A_427 = tpu.vector_load %arg12[%swap3A_424, %swap3A_425, %swap3A_426] {strides = array<i32>} : memref<2x40x136xf32, #tpu.memory_space<vmem>>, vector<16xf32>,
          tpu.vector_store %arg12[%swap3A_424, %swap3A_425, %swap3A_426], %mul3A_422 {strides = array<i32>} : memref<2x40x136xf32, #tpu.memory_space<vmem>>, vector<16xf32>,
          %eq3A_428 = arith.constant 3 : i32
          %eq3A_429 = vector.broadcast %eq3A_428 : i32 to vector<16xi32>
          %eq3A_430 = arith.cmpi eq, %iota3A, %eq3A_429 : vector<16xi32>
          %select_n3A_431 = arith.select %eq3A_430, %exp3A_416, %select_n3A_406 : vector<16xi1>, vector<16xf32>
          %slice3A_432 = vector.extract_strided_slice %masked_cumsum3A_292 {offsets = [15], sizes = [1], strides = [1]} : vector<16xf32> to vector<1xf32>
          %squeeze3A_433 = vector.extract %slice3A_432[0] : f32 from vector<1xf32>
          %broadcast_in_dim3A_434 = vector.broadcast %squeeze3A_433 : f32 to vector<16xf32>
          %jit3A_435 = arith.constant -5.000000e+00 : f32
          %jit3A_436 = arith.constant 5.000000e+00 : f32
          %max3A_437 = vector.broadcast %jit3A_435 : f32 to vector<16xf32>
          %max3A_438 = arith.maximumf %max3A_437, %broadcast_in_dim3A_434 : vector<16xf32>
          %min3A_439 = vector.broadcast %jit3A_436 : f32 to vector<16xf32>
          %min3A_440 = arith.minimumf %min3A_439, %max3A_438 : vector<16xf32>
          %exp3A_441 = math.exp %min3A_440 : vector<16xf32>
          %get3A_442 = arith.constant 1 : i32
          %get3A_443 = arith.index_cast %get3A_442 : i32 to index
          %get3A_444 = arith.index_cast %scan3A_224 : i32 to index
          %get3A_445 = arith.constant 192 : index
          %get3A_446 = tpu.vector_load %arg10[%get3A_443, %get3A_444, %get3A_445] {strides = array<i32>} : memref<2x40x256xf32, #tpu.memory_space<vmem>>, vector<16xf32>,
          %mul3A_447 = arith.mulf %get3A_446, %exp3A_441 : vector<16xf32>
          %swap3A_448 = arith.constant 1 : i32
          %swap3A_449 = arith.index_cast %swap3A_448 : i32 to index
          %swap3A_450 = arith.index_cast %scan3A_224 : i32 to index
          %swap3A_451 = arith.constant 64 : index
          %swap3A_452 = tpu.vector_load %arg12[%swap3A_449, %swap3A_450, %swap3A_451] {strides = array<i32>} : memref<2x40x136xf32, #tpu.memory_space<vmem>>, vector<16xf32>,
          tpu.vector_store %arg12[%swap3A_449, %swap3A_450, %swap3A_451], %mul3A_447 {strides = array<i32>} : memref<2x40x136xf32, #tpu.memory_space<vmem>>, vector<16xf32>,
          %eq3A_453 = arith.constant 4 : i32
          %eq3A_454 = vector.broadcast %eq3A_453 : i32 to vector<16xi32>
          %eq3A_455 = arith.cmpi eq, %iota3A, %eq3A_454 : vector<16xi32>
          %select_n3A_456 = arith.select %eq3A_455, %exp3A_441, %select_n3A_431 : vector<16xi1>, vector<16xf32>
          %slice3A_457 = vector.extract_strided_slice %masked_cumsum3A_306 {offsets = [15], sizes = [1], strides = [1]} : vector<16xf32> to vector<1xf32>
          %squeeze3A_458 = vector.extract %slice3A_457[0] : f32 from vector<1xf32>
          %broadcast_in_dim3A_459 = vector.broadcast %squeeze3A_458 : f32 to vector<16xf32>
          %jit3A_460 = arith.constant -5.000000e+00 : f32
          %jit3A_461 = arith.constant 5.000000e+00 : f32
          %max3A_462 = vector.broadcast %jit3A_460 : f32 to vector<16xf32>
          %max3A_463 = arith.maximumf %max3A_462, %broadcast_in_dim3A_459 : vector<16xf32>
          %min3A_464 = vector.broadcast %jit3A_461 : f32 to vector<16xf32>
          %min3A_465 = arith.minimumf %min3A_464, %max3A_463 : vector<16xf32>
          %exp3A_466 = math.exp %min3A_465 : vector<16xf32>
          %get3A_467 = arith.constant 1 : i32
          %get3A_468 = arith.index_cast %get3A_467 : i32 to index
          %get3A_469 = arith.index_cast %scan3A_224 : i32 to index
          %get3A_470 = arith.constant 208 : index
          %get3A_471 = tpu.vector_load %arg10[%get3A_468, %get3A_469, %get3A_470] {strides = array<i32>} : memref<2x40x256xf32, #tpu.memory_space<vmem>>, vector<16xf32>,
          %mul3A_472 = arith.mulf %get3A_471, %exp3A_466 : vector<16xf32>
          %swap3A_473 = arith.constant 1 : i32
          %swap3A_474 = arith.index_cast %swap3A_473 : i32 to index
          %swap3A_475 = arith.index_cast %scan3A_224 : i32 to index
          %swap3A_476 = arith.constant 80 : index
          %swap3A_477 = tpu.vector_load %arg12[%swap3A_474, %swap3A_475, %swap3A_476] {strides = array<i32>} : memref<2x40x136xf32, #tpu.memory_space<vmem>>, vector<16xf32>,
          tpu.vector_store %arg12[%swap3A_474, %swap3A_475, %swap3A_476], %mul3A_472 {strides = array<i32>} : memref<2x40x136xf32, #tpu.memory_space<vmem>>, vector<16xf32>,
          %eq3A_478 = arith.constant 5 : i32
          %eq3A_479 = vector.broadcast %eq3A_478 : i32 to vector<16xi32>
          %eq3A_480 = arith.cmpi eq, %iota3A, %eq3A_479 : vector<16xi32>
          %select_n3A_481 = arith.select %eq3A_480, %exp3A_466, %select_n3A_456 : vector<16xi1>, vector<16xf32>
          %slice3A_482 = vector.extract_strided_slice %masked_cumsum3A_320 {offsets = [15], sizes = [1], strides = [1]} : vector<16xf32> to vector<1xf32>
          %squeeze3A_483 = vector.extract %slice3A_482[0] : f32 from vector<1xf32>
          %broadcast_in_dim3A_484 = vector.broadcast %squeeze3A_483 : f32 to vector<16xf32>
          %jit3A_485 = arith.constant -5.000000e+00 : f32
          %jit3A_486 = arith.constant 5.000000e+00 : f32
          %max3A_487 = vector.broadcast %jit3A_485 : f32 to vector<16xf32>
          %max3A_488 = arith.maximumf %max3A_487, %broadcast_in_dim3A_484 : vector<16xf32>
          %min3A_489 = vector.broadcast %jit3A_486 : f32 to vector<16xf32>
          %min3A_490 = arith.minimumf %min3A_489, %max3A_488 : vector<16xf32>
          %exp3A_491 = math.exp %min3A_490 : vector<16xf32>
          %get3A_492 = arith.constant 1 : i32
          %get3A_493 = arith.index_cast %get3A_492 : i32 to index
          %get3A_494 = arith.index_cast %scan3A_224 : i32 to index
          %get3A_495 = arith.constant 224 : index
          %get3A_496 = tpu.vector_load %arg10[%get3A_493, %get3A_494, %get3A_495] {strides = array<i32>} : memref<2x40x256xf32, #tpu.memory_space<vmem>>, vector<16xf32>,
          %mul3A_497 = arith.mulf %get3A_496, %exp3A_491 : vector<16xf32>
          %swap3A_498 = arith.constant 1 : i32
          %swap3A_499 = arith.index_cast %swap3A_498 : i32 to index
          %swap3A_500 = arith.index_cast %scan3A_224 : i32 to index
          %swap3A_501 = arith.constant 96 : index
          %swap3A_502 = tpu.vector_load %arg12[%swap3A_499, %swap3A_500, %swap3A_501] {strides = array<i32>} : memref<2x40x136xf32, #tpu.memory_space<vmem>>, vector<16xf32>,
          tpu.vector_store %arg12[%swap3A_499, %swap3A_500, %swap3A_501], %mul3A_497 {strides = array<i32>} : memref<2x40x136xf32, #tpu.memory_space<vmem>>, vector<16xf32>,
          %eq3A_503 = arith.constant 6 : i32
          %eq3A_504 = vector.broadcast %eq3A_503 : i32 to vector<16xi32>
          %eq3A_505 = arith.cmpi eq, %iota3A, %eq3A_504 : vector<16xi32>
          %select_n3A_506 = arith.select %eq3A_505, %exp3A_491, %select_n3A_481 : vector<16xi1>, vector<16xf32>
          %slice3A_507 = vector.extract_strided_slice %masked_cumsum3A_334 {offsets = [15], sizes = [1], strides = [1]} : vector<16xf32> to vector<1xf32>
          %squeeze3A_508 = vector.extract %slice3A_507[0] : f32 from vector<1xf32>
          %broadcast_in_dim3A_509 = vector.broadcast %squeeze3A_508 : f32 to vector<16xf32>
          %jit3A_510 = arith.constant -5.000000e+00 : f32
          %jit3A_511 = arith.constant 5.000000e+00 : f32
          %max3A_512 = vector.broadcast %jit3A_510 : f32 to vector<16xf32>
          %max3A_513 = arith.maximumf %max3A_512, %broadcast_in_dim3A_509 : vector<16xf32>
          %min3A_514 = vector.broadcast %jit3A_511 : f32 to vector<16xf32>
          %min3A_515 = arith.minimumf %min3A_514, %max3A_513 : vector<16xf32>
          %exp3A_516 = math.exp %min3A_515 : vector<16xf32>
          %get3A_517 = arith.constant 1 : i32
          %get3A_518 = arith.index_cast %get3A_517 : i32 to index
          %get3A_519 = arith.index_cast %scan3A_224 : i32 to index
          %get3A_520 = arith.constant 240 : index
          %get3A_521 = tpu.vector_load %arg10[%get3A_518, %get3A_519, %get3A_520] {strides = array<i32>} : memref<2x40x256xf32, #tpu.memory_space<vmem>>, vector<16xf32>,
          %mul3A_522 = arith.mulf %get3A_521, %exp3A_516 : vector<16xf32>
          %swap3A_523 = arith.constant 1 : i32
          %swap3A_524 = arith.index_cast %swap3A_523 : i32 to index
          %swap3A_525 = arith.index_cast %scan3A_224 : i32 to index
          %swap3A_526 = arith.constant 112 : index
          %swap3A_527 = tpu.vector_load %arg12[%swap3A_524, %swap3A_525, %swap3A_526] {strides = array<i32>} : memref<2x40x136xf32, #tpu.memory_space<vmem>>, vector<16xf32>,
          tpu.vector_store %arg12[%swap3A_524, %swap3A_525, %swap3A_526], %mul3A_522 {strides = array<i32>} : memref<2x40x136xf32, #tpu.memory_space<vmem>>, vector<16xf32>,
          %eq3A_528 = arith.constant 7 : i32
          %eq3A_529 = vector.broadcast %eq3A_528 : i32 to vector<16xi32>
          %eq3A_530 = arith.cmpi eq, %iota3A, %eq3A_529 : vector<16xi32>
          %select_n3A_531 = arith.select %eq3A_530, %exp3A_516, %select_n3A_506 : vector<16xi1>, vector<16xf32>
          %broadcast_in_dim3A_532 = vector.broadcast %scan3A_224 : i32 to vector<16xi32>
          %scatter3A = arith.constant 1 : i32
          %scatter3A_533 = arith.constant 0 : i32
          %scatter3A_534 = arith.constant 0 : i32
          %scatter3A_535 = tpu.memref_slice %arg12[%scatter3A, %scatter3A_533, %scatter3A_534] : memref<2x40x136xf32, #tpu.memory_space<vmem>> -> memref<1x40x136xf32, #tpu.memory_space<vmem>>
          %scatter3A_536 = tpu.memref_squeeze %scatter3A_535 : memref<1x40x136xf32, #tpu.memory_space<vmem>> -> memref<40x136xf32, #tpu.memory_space<vmem>>
          tpu.vector_store_idx %scatter3A_536[%broadcast_in_dim3A_532, %add3A_4], %select_n3A_531 masked %lt3A_2 : memref<40x136xf32, #tpu.memory_space<vmem>>[vector<16xi32>, vector<16xi32>], vector<16xf32>, vector<16xi1>
        }
        %scan3A_207 = arith.constant 40 : i32
        %gt3A = arith.constant 0 : i32
        %gt3A_208 = arith.cmpi sgt, %scan3A_54, %gt3A : i32
        %convert_element_type3A_209 = arith.extui %gt3A_208 : i1 to i32
        %cond3A_210 = arith.constant 0 : i32
        %cond3A_211 = arith.cmpi ne, %convert_element_type3A_209, %cond3A_210 : i32
        scf.if %cond3A_211 {
          %dma_wait3A_224 = arith.constant 0 : i32
          %dma_wait3A_225 = arith.constant 0 : i32
          %dma_wait3A_226 = arith.constant 0 : i32
          %dma_wait3A_227 = arith.constant 0 : i32
          %dma_wait3A_228 = tpu.memref_slice %arg12[%dma_wait3A_224, %dma_wait3A_226, %dma_wait3A_227] : memref<2x40x136xf32, #tpu.memory_space<vmem>> -> memref<1x40x136xf32, #tpu.memory_space<vmem>>
          %dma_wait3A_229 = tpu.memref_squeeze %dma_wait3A_228 : memref<1x40x136xf32, #tpu.memory_space<vmem>> -> memref<40x136xf32, #tpu.memory_space<vmem>>
          %dma_wait3A_230 = arith.constant 0 : i32
          %dma_wait3A_231 = tpu.memref_slice %arg9[%dma_wait3A_225, %dma_wait3A_230] : memref<2x40xi32, #tpu.memory_space<vmem>> -> memref<1x40xi32, #tpu.memory_space<vmem>>
          %dma_wait3A_232 = tpu.memref_squeeze %dma_wait3A_231 : memref<1x40xi32, #tpu.memory_space<vmem>> -> memref<40xi32, #tpu.memory_space<vmem>>
          %dma_wait3A_233 = arith.constant 0 : i32
          %dma_wait3A_234 = arith.constant 0 : i32
          %dma_wait3A_235 = tpu.memref_slice %arg13[%dma_wait3A_233, %dma_wait3A_234] : memref<10240x136xf32, #tpu.memory_space<vmem_shared>> -> memref<10240x136xf32, #tpu.memory_space<vmem_shared>>
          tpu.wait_indirect_dma semaphore(%arg18 : memref<!tpu.dma_semaphore, #tpu.memory_space<semaphore_mem>>) src(%dma_wait3A_229 : memref<40x136xf32, #tpu.memory_space<vmem>>) dst(%dma_wait3A_235 : memref<10240x136xf32, #tpu.memory_space<vmem_shared>>)
        } else {
        }
        %dma_start3A_212 = arith.constant 1 : i32
        %dma_start3A_213 = arith.constant 1 : i32
        %dma_start3A_214 = arith.constant 0 : i32
        %dma_start3A_215 = arith.constant 0 : i32
        %dma_start3A_216 = tpu.memref_slice %arg12[%dma_start3A_212, %dma_start3A_214, %dma_start3A_215] : memref<2x40x136xf32, #tpu.memory_space<vmem>> -> memref<1x40x136xf32, #tpu.memory_space<vmem>>
        %dma_start3A_217 = tpu.memref_squeeze %dma_start3A_216 : memref<1x40x136xf32, #tpu.memory_space<vmem>> -> memref<40x136xf32, #tpu.memory_space<vmem>>
        %dma_start3A_218 = arith.constant 0 : i32
        %dma_start3A_219 = tpu.memref_slice %arg9[%dma_start3A_213, %dma_start3A_218] : memref<2x40xi32, #tpu.memory_space<vmem>> -> memref<1x40xi32, #tpu.memory_space<vmem>>
        %dma_start3A_220 = tpu.memref_squeeze %dma_start3A_219 : memref<1x40xi32, #tpu.memory_space<vmem>> -> memref<40xi32, #tpu.memory_space<vmem>>
        %dma_start3A_221 = arith.constant 0 : i32
        %dma_start3A_222 = arith.constant 0 : i32
        %dma_start3A_223 = tpu.memref_slice %arg13[%dma_start3A_221, %dma_start3A_222] : memref<10240x136xf32, #tpu.memory_space<vmem_shared>> -> memref<10240x136xf32, #tpu.memory_space<vmem_shared>>
        tpu.enqueue_indirect_dma source(%dma_start3A_217 : memref<40x136xf32, #tpu.memory_space<vmem>>) target(%dma_start3A_223 : memref<10240x136xf32, #tpu.memory_space<vmem_shared>>) offsets(%dma_start3A_220 : memref<40xi32, #tpu.memory_space<vmem>>) semaphore(%arg19 : memref<!tpu.dma_semaphore, #tpu.memory_space<semaphore_mem>>) {add = true}
      } else {
      }
    }
    %scan3A_39 = arith.constant 250 : i32
    %dma_wait3A = arith.constant 1 : i32
    %dma_wait3A_40 = arith.constant 1 : i32
    %dma_wait3A_41 = arith.constant 0 : i32
    %dma_wait3A_42 = arith.constant 0 : i32
    %dma_wait3A_43 = tpu.memref_slice %arg12[%dma_wait3A, %dma_wait3A_41, %dma_wait3A_42] : memref<2x40x136xf32, #tpu.memory_space<vmem>> -> memref<1x40x136xf32, #tpu.memory_space<vmem>>
    %dma_wait3A_44 = tpu.memref_squeeze %dma_wait3A_43 : memref<1x40x136xf32, #tpu.memory_space<vmem>> -> memref<40x136xf32, #tpu.memory_space<vmem>>
    %dma_wait3A_45 = arith.constant 0 : i32
    %dma_wait3A_46 = tpu.memref_slice %arg9[%dma_wait3A_40, %dma_wait3A_45] : memref<2x40xi32, #tpu.memory_space<vmem>> -> memref<1x40xi32, #tpu.memory_space<vmem>>
    %dma_wait3A_47 = tpu.memref_squeeze %dma_wait3A_46 : memref<1x40xi32, #tpu.memory_space<vmem>> -> memref<40xi32, #tpu.memory_space<vmem>>
    %dma_wait3A_48 = arith.constant 0 : i32
    %dma_wait3A_49 = arith.constant 0 : i32
    %dma_wait3A_50 = tpu.memref_slice %arg13[%dma_wait3A_48, %dma_wait3A_49] : memref<10240x136xf32, #tpu.memory_space<vmem_shared>> -> memref<10240x136xf32, #tpu.memory_space<vmem_shared>>
    tpu.wait_indirect_dma semaphore(%arg19 : memref<!tpu.dma_semaphore, #tpu.memory_space<semaphore_mem>>) src(%dma_wait3A_44 : memref<40x136xf32, #tpu.memory_space<vmem>>) dst(%dma_wait3A_50 : memref<10240x136xf32, #tpu.memory_space<vmem_shared>>)
    %barrier3A_51 = arith.constant 0 : index
    tpu.barrier barrier_id(%barrier3A_51)
    %mul3A_52 = arith.constant 640 : i32
    %mul3A_53 = arith.muli %arg1, %mul3A_52 : i32
    "tpu.region"() ({
      %run_scoped3A_54 = tpu.sem_alloc : memref<!tpu.dma_semaphore, #tpu.memory_space<semaphore_mem>>
      %dma_start3A_55 = arith.constant 0 : i32
      %dma_start3A_56 = tpu.memref_slice %arg6[%arg0, %mul3A_53, %dma_start3A_55] : memref<2x10240x128xf32, #tpu.memory_space<hbm>> -> memref<1x640x128xf32, #tpu.memory_space<hbm>>
      %dma_start3A_57 = tpu.memref_squeeze %dma_start3A_56 : memref<1x640x128xf32, #tpu.memory_space<hbm>> -> memref<640x128xf32, #tpu.memory_space<hbm>>
      %dma_start3A_58 = arith.constant 0 : i32
      %dma_start3A_59 = tpu.memref_slice %arg13[%mul3A_53, %dma_start3A_58] : memref<10240x136xf32, #tpu.memory_space<vmem_shared>> -> memref<640x128xf32, #tpu.memory_space<vmem_shared>>
      tpu.enqueue_dma source(%dma_start3A_59 : memref<640x128xf32, #tpu.memory_space<vmem_shared>>) target(%dma_start3A_57 : memref<640x128xf32, #tpu.memory_space<hbm>>) target_semaphore(%run_scoped3A_54 : memref<!tpu.dma_semaphore, #tpu.memory_space<semaphore_mem>>)
      %dma_wait3A_60 = arith.constant 0 : i32
      %dma_wait3A_61 = tpu.memref_slice %arg6[%arg0, %mul3A_53, %dma_wait3A_60] : memref<2x10240x128xf32, #tpu.memory_space<hbm>> -> memref<1x640x128xf32, #tpu.memory_space<hbm>>
      %dma_wait3A_62 = tpu.memref_squeeze %dma_wait3A_61 : memref<1x640x128xf32, #tpu.memory_space<hbm>> -> memref<640x128xf32, #tpu.memory_space<hbm>>
      %dma_wait3A_63 = arith.constant 0 : i32
      %dma_wait3A_64 = tpu.memref_slice %arg13[%mul3A_53, %dma_wait3A_63] : memref<10240x136xf32, #tpu.memory_space<vmem_shared>> -> memref<640x128xf32, #tpu.memory_space<vmem_shared>>
      tpu.wait_dma2 semaphore(%run_scoped3A_54 : memref<!tpu.dma_semaphore, #tpu.memory_space<semaphore_mem>>) src(%dma_wait3A_64 : memref<640x128xf32, #tpu.memory_space<vmem_shared>>) dst(%dma_wait3A_62 : memref<640x128xf32, #tpu.memory_space<hbm>>)
      tpu.yield
    }) : () -> ()
    "tpu.region"() ({
      %run_scoped3A_54 = tpu.sem_alloc : memref<!tpu.dma_semaphore, #tpu.memory_space<semaphore_mem>>
      %dma_start3A_55 = arith.constant 0 : i32
      %dma_start3A_56 = tpu.memref_slice %arg7[%arg0, %mul3A_53, %dma_start3A_55] : memref<2x10240x8xf32, #tpu.memory_space<hbm>> -> memref<1x640x8xf32, #tpu.memory_space<hbm>>
      %dma_start3A_57 = tpu.memref_squeeze %dma_start3A_56 : memref<1x640x8xf32, #tpu.memory_space<hbm>> -> memref<640x8xf32, #tpu.memory_space<hbm>>
      %dma_start3A_58 = arith.constant 128 : i32
      %dma_start3A_59 = tpu.memref_slice %arg13[%mul3A_53, %dma_start3A_58] : memref<10240x136xf32, #tpu.memory_space<vmem_shared>> -> memref<640x8xf32, #tpu.memory_space<vmem_shared>>
      tpu.enqueue_dma source(%dma_start3A_59 : memref<640x8xf32, #tpu.memory_space<vmem_shared>>) target(%dma_start3A_57 : memref<640x8xf32, #tpu.memory_space<hbm>>) target_semaphore(%run_scoped3A_54 : memref<!tpu.dma_semaphore, #tpu.memory_space<semaphore_mem>>)
      %dma_wait3A_60 = arith.constant 0 : i32
      %dma_wait3A_61 = tpu.memref_slice %arg7[%arg0, %mul3A_53, %dma_wait3A_60] : memref<2x10240x8xf32, #tpu.memory_space<hbm>> -> memref<1x640x8xf32, #tpu.memory_space<hbm>>
      %dma_wait3A_62 = tpu.memref_squeeze %dma_wait3A_61 : memref<1x640x8xf32, #tpu.memory_space<hbm>> -> memref<640x8xf32, #tpu.memory_space<hbm>>
      %dma_wait3A_63 = arith.constant 128 : i32
      %dma_wait3A_64 = tpu.memref_slice %arg13[%mul3A_53, %dma_wait3A_63] : memref<10240x136xf32, #tpu.memory_space<vmem_shared>> -> memref<640x8xf32, #tpu.memory_space<vmem_shared>>
      tpu.wait_dma2 semaphore(%run_scoped3A_54 : memref<!tpu.dma_semaphore, #tpu.memory_space<semaphore_mem>>) src(%dma_wait3A_64 : memref<640x8xf32, #tpu.memory_space<vmem_shared>>) dst(%dma_wait3A_62 : memref<640x8xf32, #tpu.memory_space<hbm>>)
      tpu.yield
    }) : () -> ()
    return
  }
}

module attributes {stable_mosaic.version = 14 : i64} {
  func.func @_proj_body(%arg0: i32, %arg1: memref<2000x128xf32, #tpu.memory_space<vmem>>, %arg2: memref<128x128xf32, #tpu.memory_space<vmem>>, %arg3: memref<1x128xf32, #tpu.memory_space<vmem>>, %arg4: memref<128x256xf32, #tpu.memory_space<vmem>>, %arg5: memref<1x256xf32, #tpu.memory_space<vmem>>, %arg6: memref<2000x128xf32, #tpu.memory_space<vmem>>, %arg7: memref<2000x256xf32, #tpu.memory_space<vmem>>) attributes {dimension_semantics = [#tpu.dimension_semantics<arbitrary>], iteration_bounds = array<i64: 5>, scalar_prefetch = 0 : i64, scratch_operands = 0 : i64, tpu.core_type = #tpu.core_type<tc>, window_params = [{transform_indices = @transform_0, window_bounds = array<i64: 2000, 128>}, {pipeline_mode = #tpu.pipeline_mode<synchronous>, transform_indices = @transform_1, window_bounds = array<i64: 128, 128>}, {pipeline_mode = #tpu.pipeline_mode<synchronous>, transform_indices = @transform_2, window_bounds = array<i64: 1, 128>}, {pipeline_mode = #tpu.pipeline_mode<synchronous>, transform_indices = @transform_3, window_bounds = array<i64: 128, 256>}, {pipeline_mode = #tpu.pipeline_mode<synchronous>, transform_indices = @transform_4, window_bounds = array<i64: 1, 256>}, {transform_indices = @transform_5, window_bounds = array<i64: 2000, 128>}, {transform_indices = @transform_6, window_bounds = array<i64: 2000, 256>}]} {
    %get3A = arith.constant 0 : index
    %get3A_0 = arith.constant 0 : index
    %get3A_1 = vector.load %arg1[%get3A, %get3A_0] : memref<2000x128xf32, #tpu.memory_space<vmem>>, vector<2000x128xf32>
    %get3A_2 = arith.constant 0 : index
    %get3A_3 = arith.constant 0 : index
    %get3A_4 = vector.load %arg2[%get3A_2, %get3A_3] : memref<128x128xf32, #tpu.memory_space<vmem>>, vector<128x128xf32>
    %dot_general3A = arith.constant dense<0.000000e+00> : vector<2000x128xf32>
    %dot_general3A_5 = tpu.matmul %get3A_1, %get3A_4, %dot_general3A {dimension_numbers = #tpu.dot_dimension_numbers<[1], [0], [0], [1], [0, 0, 1, 1], [], []>, transpose_lhs_hint = false} : vector<2000x128xf32>, vector<128x128xf32>, vector<2000x128xf32> -> vector<2000x128xf32>
    %get3A_6 = arith.constant 0 : index
    %get3A_7 = arith.constant 0 : index
    %get3A_8 = vector.load %arg3[%get3A_6, %get3A_7] : memref<1x128xf32, #tpu.memory_space<vmem>>, vector<1x128xf32>
    %add3A = vector.broadcast %get3A_8 : vector<1x128xf32> to vector<2000x128xf32>
    %add3A_9 = arith.addf %dot_general3A_5, %add3A : vector<2000x128xf32>
    %mul3A = arith.constant 2.500000e-01 : f32
    %mul3A_10 = vector.broadcast %mul3A : f32 to vector<2000x128xf32>
    %mul3A_11 = arith.mulf %add3A_9, %mul3A_10 : vector<2000x128xf32>
    %swap3A = arith.constant 0 : index
    %swap3A_12 = arith.constant 0 : index
    %swap3A_13 = vector.load %arg6[%swap3A, %swap3A_12] : memref<2000x128xf32, #tpu.memory_space<vmem>>, vector<2000x128xf32>
    tpu.vector_store %arg6[%swap3A, %swap3A_12], %mul3A_11 {strides = array<i32>} : memref<2000x128xf32, #tpu.memory_space<vmem>>, vector<2000x128xf32>,
    %get3A_14 = arith.constant 0 : index
    %get3A_15 = arith.constant 0 : index
    %get3A_16 = vector.load %arg4[%get3A_14, %get3A_15] : memref<128x256xf32, #tpu.memory_space<vmem>>, vector<128x256xf32>
    %dot_general3A_17 = arith.constant dense<0.000000e+00> : vector<2000x256xf32>
    %dot_general3A_18 = tpu.matmul %get3A_1, %get3A_16, %dot_general3A_17 {dimension_numbers = #tpu.dot_dimension_numbers<[1], [0], [0], [1], [0, 0, 1, 1], [], []>, transpose_lhs_hint = false} : vector<2000x128xf32>, vector<128x256xf32>, vector<2000x256xf32> -> vector<2000x256xf32>
    %get3A_19 = arith.constant 0 : index
    %get3A_20 = arith.constant 0 : index
    %get3A_21 = vector.load %arg5[%get3A_19, %get3A_20] : memref<1x256xf32, #tpu.memory_space<vmem>>, vector<1x256xf32>
    %add3A_22 = vector.broadcast %get3A_21 : vector<1x256xf32> to vector<2000x256xf32>
    %add3A_23 = arith.addf %dot_general3A_18, %add3A_22 : vector<2000x256xf32>
    %swap3A_24 = arith.constant 0 : index
    %swap3A_25 = arith.constant 0 : index
    %swap3A_26 = vector.load %arg7[%swap3A_24, %swap3A_25] : memref<2000x256xf32, #tpu.memory_space<vmem>>, vector<2000x256xf32>
    tpu.vector_store %arg7[%swap3A_24, %swap3A_25], %add3A_23 {strides = array<i32>} : memref<2000x256xf32, #tpu.memory_space<vmem>>, vector<2000x256xf32>,
    return
  }
  func.func @transform_0(%arg0: i32) -> (i32, i32) {
    %c0_i32 = arith.constant 0 : i32
    %c0_i32_0 = arith.constant 0 : i32
    return %arg0, %c0_i32 : i32, i32
  }
  func.func @transform_1(%arg0: i32) -> (i32, i32) {
    %c0_i32 = arith.constant 0 : i32
    %c0_i32_0 = arith.constant 0 : i32
    %c0_i32_1 = arith.constant 0 : i32
    return %c0_i32, %c0_i32_0 : i32, i32
  }
  func.func @transform_2(%arg0: i32) -> (i32, i32) {
    %c0_i32 = arith.constant 0 : i32
    %c0_i32_0 = arith.constant 0 : i32
    %c0_i32_1 = arith.constant 0 : i32
    return %c0_i32, %c0_i32_0 : i32, i32
  }
  func.func @transform_3(%arg0: i32) -> (i32, i32) {
    %c0_i32 = arith.constant 0 : i32
    %c0_i32_0 = arith.constant 0 : i32
    %c0_i32_1 = arith.constant 0 : i32
    return %c0_i32, %c0_i32_0 : i32, i32
  }
  func.func @transform_4(%arg0: i32) -> (i32, i32) {
    %c0_i32 = arith.constant 0 : i32
    %c0_i32_0 = arith.constant 0 : i32
    %c0_i32_1 = arith.constant 0 : i32
    return %c0_i32, %c0_i32_0 : i32, i32
  }
  func.func @transform_5(%arg0: i32) -> (i32, i32) {
    %c0_i32 = arith.constant 0 : i32
    %c0_i32_0 = arith.constant 0 : i32
    return %arg0, %c0_i32 : i32, i32
  }
  func.func @transform_6(%arg0: i32) -> (i32, i32) {
    %c0_i32 = arith.constant 0 : i32
    %c0_i32_0 = arith.constant 0 : i32
    return %arg0, %c0_i32 : i32, i32
  }
}

module attributes {stable_mosaic.version = 14 : i64} {
  func.func @_post_a_body(%arg0: i32, %arg1: memref<2x2000x128xf32, #tpu.memory_space<vmem>>, %arg2: memref<2x2000x8xf32, #tpu.memory_space<vmem>>, %arg3: memref<2000x128xf32, #tpu.memory_space<vmem>>, %arg4: memref<2000x128xf32, #tpu.memory_space<vmem>>, %arg5: memref<2x128xf32, #tpu.memory_space<vmem>>) attributes {dimension_semantics = [#tpu.dimension_semantics<arbitrary>], iteration_bounds = array<i64: 5>, scalar_prefetch = 0 : i64, scratch_operands = 0 : i64, tpu.core_type = #tpu.core_type<tc>, window_params = [{transform_indices = @transform_0, window_bounds = array<i64: 2, 2000, 128>}, {transform_indices = @transform_1, window_bounds = array<i64: 2, 2000, 8>}, {transform_indices = @transform_2, window_bounds = array<i64: 2000, 128>}, {transform_indices = @transform_3, window_bounds = array<i64: 2000, 128>}, {pipeline_mode = #tpu.pipeline_mode<synchronous>, transform_indices = @transform_4, window_bounds = array<i64: 2, 128>}]} {
    %get3A = arith.constant 0 : index
    %get3A_0 = arith.constant 0 : index
    %get3A_1 = arith.constant 0 : index
    %get3A_2 = vector.load %arg1[%get3A, %get3A_0, %get3A_1] : memref<2x2000x128xf32, #tpu.memory_space<vmem>>, vector<1x2000x128xf32>
    %get3A_3 = vector.shape_cast %get3A_2 : vector<1x2000x128xf32> to vector<2000x128xf32>
    %get3A_4 = arith.constant 1 : index
    %get3A_5 = arith.constant 0 : index
    %get3A_6 = arith.constant 0 : index
    %get3A_7 = vector.load %arg1[%get3A_4, %get3A_5, %get3A_6] : memref<2x2000x128xf32, #tpu.memory_space<vmem>>, vector<1x2000x128xf32>
    %get3A_8 = vector.shape_cast %get3A_7 : vector<1x2000x128xf32> to vector<2000x128xf32>
    %add3A = arith.addf %get3A_3, %get3A_8 : vector<2000x128xf32>
    %get3A_9 = arith.constant 0 : index
    %get3A_10 = arith.constant 0 : index
    %get3A_11 = arith.constant 0 : index
    %get3A_12 = vector.load %arg2[%get3A_9, %get3A_10, %get3A_11] : memref<2x2000x8xf32, #tpu.memory_space<vmem>>, vector<1x2000x8xf32>
    %get3A_13 = vector.shape_cast %get3A_12 : vector<1x2000x8xf32> to vector<2000x8xf32>
    %get3A_14 = arith.constant 1 : index
    %get3A_15 = arith.constant 0 : index
    %get3A_16 = arith.constant 0 : index
    %get3A_17 = vector.load %arg2[%get3A_14, %get3A_15, %get3A_16] : memref<2x2000x8xf32, #tpu.memory_space<vmem>>, vector<1x2000x8xf32>
    %get3A_18 = vector.shape_cast %get3A_17 : vector<1x2000x8xf32> to vector<2000x8xf32>
    %add3A_19 = arith.addf %get3A_13, %get3A_18 : vector<2000x8xf32>
    %gt3A = arith.constant 0.000000e+00 : f32
    %gt3A_20 = vector.broadcast %gt3A : f32 to vector<2000x8xf32>
    %gt3A_21 = arith.cmpf ogt, %add3A_19, %gt3A_20 : vector<2000x8xf32>
    %gt3A_22 = arith.constant 0.000000e+00 : f32
    %gt3A_23 = vector.broadcast %gt3A_22 : f32 to vector<2000x8xf32>
    %gt3A_24 = arith.cmpf ogt, %add3A_19, %gt3A_23 : vector<2000x8xf32>
    %jit3A = arith.constant 1.000000e+00 : f32
    %broadcast_in_dim3A = vector.broadcast %jit3A : f32 to vector<2000x8xf32>
    %select_n3A = arith.select %gt3A_24, %add3A_19, %broadcast_in_dim3A : vector<2000x8xi1>, vector<2000x8xf32>
    %div3A = arith.constant 1.000000e+00 : f32
    %div3A_25 = vector.broadcast %div3A : f32 to vector<2000x8xf32>
    %div3A_26 = arith.divf %div3A_25, %select_n3A : vector<2000x8xf32>
    %jit3A_27 = arith.constant 0.000000e+00 : f32
    %broadcast_in_dim3A_28 = vector.broadcast %jit3A_27 : f32 to vector<2000x8xf32>
    %select_n3A_29 = arith.select %gt3A_21, %div3A_26, %broadcast_in_dim3A_28 : vector<2000x8xi1>, vector<2000x8xf32>
    %iota3A = tpu.iota {dimensions = array<i32: 0>} : vector<8x128xi32>
    %iota3A_30 = tpu.iota {dimensions = array<i32: 1>} : vector<8x128xi32>
    %jit3A_31 = arith.constant 16 : i32
    %div3A_32 = vector.broadcast %jit3A_31 : i32 to vector<8x128xi32>
    %div3A_33 = arith.divsi %iota3A_30, %div3A_32 : vector<8x128xi32>
    %sign3A = arith.constant 0 : i32
    %sign3A_34 = vector.broadcast %sign3A : i32 to vector<8x128xi32>
    %sign3A_35 = arith.cmpi sgt, %iota3A_30, %sign3A_34 : vector<8x128xi32>
    %sign3A_36 = arith.extui %sign3A_35 : vector<8x128xi1> to vector<8x128xi32>
    %sign3A_37 = arith.constant 0 : i32
    %sign3A_38 = vector.broadcast %sign3A_37 : i32 to vector<8x128xi32>
    %sign3A_39 = arith.cmpi slt, %iota3A_30, %sign3A_38 : vector<8x128xi32>
    %sign3A_40 = arith.extui %sign3A_39 : vector<8x128xi1> to vector<8x128xi32>
    %sign3A_41 = arith.subi %sign3A_36, %sign3A_40 : vector<8x128xi32>
    %sign3A_42 = arith.constant 0 : i32
    %sign3A_43 = arith.cmpi sgt, %jit3A_31, %sign3A_42 : i32
    %sign3A_44 = arith.extui %sign3A_43 : i1 to i32
    %sign3A_45 = arith.constant 0 : i32
    %sign3A_46 = arith.cmpi slt, %jit3A_31, %sign3A_45 : i32
    %sign3A_47 = arith.extui %sign3A_46 : i1 to i32
    %sign3A_48 = arith.subi %sign3A_44, %sign3A_47 : i32
    %ne3A = vector.broadcast %sign3A_48 : i32 to vector<8x128xi32>
    %ne3A_49 = arith.cmpi ne, %sign3A_41, %ne3A : vector<8x128xi32>
    %rem3A = vector.broadcast %jit3A_31 : i32 to vector<8x128xi32>
    %rem3A_50 = arith.remsi %iota3A_30, %rem3A : vector<8x128xi32>
    %ne3A_51 = arith.constant 0 : i32
    %ne3A_52 = vector.broadcast %ne3A_51 : i32 to vector<8x128xi32>
    %ne3A_53 = arith.cmpi ne, %rem3A_50, %ne3A_52 : vector<8x128xi32>
    %and3A = arith.andi %ne3A_49, %ne3A_53 : vector<8x128xi1>
    %sub3A = arith.constant 1 : i32
    %sub3A_54 = vector.broadcast %sub3A : i32 to vector<8x128xi32>
    %sub3A_55 = arith.subi %div3A_33, %sub3A_54 : vector<8x128xi32>
    %select_n3A_56 = arith.select %and3A, %sub3A_55, %div3A_33 : vector<8x128xi1>, vector<8x128xi32>
    %eq3A = arith.cmpi eq, %select_n3A_56, %iota3A : vector<8x128xi32>
    %jit3A_57 = arith.constant 1.000000e+00 : f32
    %jit3A_58 = arith.constant 0.000000e+00 : f32
    %broadcast_in_dim3A_59 = vector.broadcast %jit3A_57 : f32 to vector<8x128xf32>
    %broadcast_in_dim3A_60 = vector.broadcast %jit3A_58 : f32 to vector<8x128xf32>
    %select_n3A_61 = arith.select %eq3A, %broadcast_in_dim3A_59, %broadcast_in_dim3A_60 : vector<8x128xi1>, vector<8x128xf32>
    %dot_general3A = arith.constant dense<0.000000e+00> : vector<2000x128xf32>
    %dot_general3A_62 = tpu.matmul %select_n3A_29, %select_n3A_61, %dot_general3A {dimension_numbers = #tpu.dot_dimension_numbers<[1], [0], [0], [1], [0, 0, 1, 1], [], []>, transpose_lhs_hint = false} : vector<2000x8xf32>, vector<8x128xf32>, vector<2000x128xf32> -> vector<2000x128xf32>
    %mul3A = arith.mulf %add3A, %dot_general3A_62 : vector<2000x128xf32>
    %get3A_63 = arith.constant 0 : index
    %get3A_64 = arith.constant 0 : index
    %get3A_65 = vector.load %arg3[%get3A_63, %get3A_64] : memref<2000x128xf32, #tpu.memory_space<vmem>>, vector<2000x128xf32>
    %add3A_66 = arith.addf %get3A_65, %mul3A : vector<2000x128xf32>
    %swap3A = arith.constant 0 : index
    %swap3A_67 = arith.constant 0 : index
    %swap3A_68 = vector.load %arg4[%swap3A, %swap3A_67] : memref<2000x128xf32, #tpu.memory_space<vmem>>, vector<2000x128xf32>
    tpu.vector_store %arg4[%swap3A, %swap3A_67], %add3A_66 {strides = array<i32>} : memref<2000x128xf32, #tpu.memory_space<vmem>>, vector<2000x128xf32>,
    %eq3A_69 = arith.constant 0 : i32
    %eq3A_70 = arith.cmpi eq, %arg0, %eq3A_69 : i32
    %convert_element_type3A = arith.extui %eq3A_70 : i1 to i32
    %cond3A = arith.constant 0 : i32
    %cond3A_71 = arith.cmpi ne, %convert_element_type3A, %cond3A : i32
    scf.if %cond3A_71 {
      %broadcast_in_dim3A_96 = arith.constant 0.000000e+00 : f32
      %broadcast_in_dim3A_97 = vector.broadcast %broadcast_in_dim3A_96 : f32 to vector<2x128xf32>
      %swap3A_98 = arith.constant 0 : index
      %swap3A_99 = arith.constant 0 : index
      %swap3A_100 = vector.load %arg5[%swap3A_98, %swap3A_99] : memref<2x128xf32, #tpu.memory_space<vmem>>, vector<2x128xf32>
      tpu.vector_store %arg5[%swap3A_98, %swap3A_99], %broadcast_in_dim3A_97 {strides = array<i32>} : memref<2x128xf32, #tpu.memory_space<vmem>>, vector<2x128xf32>,
    } else {
    }
    %get3A_72 = arith.constant 0 : index
    %get3A_73 = arith.constant 0 : index
    %get3A_74 = vector.load %arg5[%get3A_72, %get3A_73] : memref<2x128xf32, #tpu.memory_space<vmem>>, vector<1x128xf32>
    %get3A_75 = vector.shape_cast %get3A_74 : vector<1x128xf32> to vector<128xf32>
    %reduce_sum3A = arith.constant dense<0.000000e+00> : vector<128xf32>
    %reduce_sum3A_76 = vector.multi_reduction <add>, %add3A_66, %reduce_sum3A [0] : vector<2000x128xf32> to vector<128xf32>
    %add3A_77 = arith.addf %get3A_75, %reduce_sum3A_76 : vector<128xf32>
    %swap3A_78 = arith.constant 0 : index
    %swap3A_79 = arith.constant 0 : index
    %swap3A_80 = vector.load %arg5[%swap3A_78, %swap3A_79] : memref<2x128xf32, #tpu.memory_space<vmem>>, vector<1x128xf32>
    %swap3A_81 = vector.shape_cast %swap3A_80 : vector<1x128xf32> to vector<128xf32>
    %swap3A_82 = vector.shape_cast %add3A_77 : vector<128xf32> to vector<1x128xf32>
    tpu.vector_store %arg5[%swap3A_78, %swap3A_79], %swap3A_82 {strides = array<i32>} : memref<2x128xf32, #tpu.memory_space<vmem>>, vector<1x128xf32>,
    %get3A_83 = arith.constant 1 : index
    %get3A_84 = arith.constant 0 : index
    %get3A_85 = vector.load %arg5[%get3A_83, %get3A_84] : memref<2x128xf32, #tpu.memory_space<vmem>>, vector<1x128xf32>
    %get3A_86 = vector.shape_cast %get3A_85 : vector<1x128xf32> to vector<128xf32>
    %mul3A_87 = arith.mulf %add3A_66, %add3A_66 : vector<2000x128xf32>
    %reduce_sum3A_88 = arith.constant dense<0.000000e+00> : vector<128xf32>
    %reduce_sum3A_89 = vector.multi_reduction <add>, %mul3A_87, %reduce_sum3A_88 [0] : vector<2000x128xf32> to vector<128xf32>
    %add3A_90 = arith.addf %get3A_86, %reduce_sum3A_89 : vector<128xf32>
    %swap3A_91 = arith.constant 1 : index
    %swap3A_92 = arith.constant 0 : index
    %swap3A_93 = vector.load %arg5[%swap3A_91, %swap3A_92] : memref<2x128xf32, #tpu.memory_space<vmem>>, vector<1x128xf32>
    %swap3A_94 = vector.shape_cast %swap3A_93 : vector<1x128xf32> to vector<128xf32>
    %swap3A_95 = vector.shape_cast %add3A_90 : vector<128xf32> to vector<1x128xf32>
    tpu.vector_store %arg5[%swap3A_91, %swap3A_92], %swap3A_95 {strides = array<i32>} : memref<2x128xf32, #tpu.memory_space<vmem>>, vector<1x128xf32>,
    return
  }
  func.func @transform_0(%arg0: i32) -> (i32, i32, i32) {
    %c0_i32 = arith.constant 0 : i32
    %c0_i32_0 = arith.constant 0 : i32
    %c0_i32_1 = arith.constant 0 : i32
    return %c0_i32, %arg0, %c0_i32_0 : i32, i32, i32
  }
  func.func @transform_1(%arg0: i32) -> (i32, i32, i32) {
    %c0_i32 = arith.constant 0 : i32
    %c0_i32_0 = arith.constant 0 : i32
    %c0_i32_1 = arith.constant 0 : i32
    return %c0_i32, %arg0, %c0_i32_0 : i32, i32, i32
  }
  func.func @transform_2(%arg0: i32) -> (i32, i32) {
    %c0_i32 = arith.constant 0 : i32
    %c0_i32_0 = arith.constant 0 : i32
    return %arg0, %c0_i32 : i32, i32
  }
  func.func @transform_3(%arg0: i32) -> (i32, i32) {
    %c0_i32 = arith.constant 0 : i32
    %c0_i32_0 = arith.constant 0 : i32
    return %arg0, %c0_i32 : i32, i32
  }
  func.func @transform_4(%arg0: i32) -> (i32, i32) {
    %c0_i32 = arith.constant 0 : i32
    %c0_i32_0 = arith.constant 0 : i32
    %c0_i32_1 = arith.constant 0 : i32
    return %c0_i32, %c0_i32_0 : i32, i32
  }
}

module attributes {stable_mosaic.version = 14 : i64} {
  func.func @_post_c_body(%arg0: i32, %arg1: memref<2000x128xf32, #tpu.memory_space<vmem>>, %arg2: memref<2x128xf32, #tpu.memory_space<vmem>>, %arg3: memref<1x128xf32, #tpu.memory_space<vmem>>, %arg4: memref<1x128xf32, #tpu.memory_space<vmem>>, %arg5: memref<2000x128xf32, #tpu.memory_space<vmem>>) attributes {dimension_semantics = [#tpu.dimension_semantics<arbitrary>], iteration_bounds = array<i64: 5>, scalar_prefetch = 0 : i64, scratch_operands = 0 : i64, tpu.core_type = #tpu.core_type<tc>, window_params = [{transform_indices = @transform_0, window_bounds = array<i64: 2000, 128>}, {pipeline_mode = #tpu.pipeline_mode<synchronous>, transform_indices = @transform_1, window_bounds = array<i64: 2, 128>}, {pipeline_mode = #tpu.pipeline_mode<synchronous>, transform_indices = @transform_2, window_bounds = array<i64: 1, 128>}, {pipeline_mode = #tpu.pipeline_mode<synchronous>, transform_indices = @transform_3, window_bounds = array<i64: 1, 128>}, {transform_indices = @transform_4, window_bounds = array<i64: 2000, 128>}]} {
    %get3A = arith.constant 0 : index
    %get3A_0 = arith.constant 0 : index
    %get3A_1 = vector.load %arg2[%get3A, %get3A_0] : memref<2x128xf32, #tpu.memory_space<vmem>>, vector<1x128xf32>
    %get3A_2 = vector.shape_cast %get3A_1 : vector<1x128xf32> to vector<128xf32>
    %mul3A = arith.constant 9.99999974E-5 : f32
    %mul3A_3 = vector.broadcast %mul3A : f32 to vector<128xf32>
    %mul3A_4 = arith.mulf %get3A_2, %mul3A_3 : vector<128xf32>
    %get3A_5 = arith.constant 1 : index
    %get3A_6 = arith.constant 0 : index
    %get3A_7 = vector.load %arg2[%get3A_5, %get3A_6] : memref<2x128xf32, #tpu.memory_space<vmem>>, vector<1x128xf32>
    %get3A_8 = vector.shape_cast %get3A_7 : vector<1x128xf32> to vector<128xf32>
    %mul3A_9 = arith.constant 9.99999974E-5 : f32
    %mul3A_10 = vector.broadcast %mul3A_9 : f32 to vector<128xf32>
    %mul3A_11 = arith.mulf %get3A_8, %mul3A_10 : vector<128xf32>
    %mul3A_12 = arith.mulf %mul3A_4, %mul3A_4 : vector<128xf32>
    %sub3A = arith.subf %mul3A_11, %mul3A_12 : vector<128xf32>
    %add3A = arith.constant 9.99999974E-6 : f32
    %add3A_13 = vector.broadcast %add3A : f32 to vector<128xf32>
    %add3A_14 = arith.addf %sub3A, %add3A_13 : vector<128xf32>
    %rsqrt3A = math.rsqrt %add3A_14 : vector<128xf32>
    %get3A_15 = arith.constant 0 : index
    %get3A_16 = arith.constant 0 : index
    %get3A_17 = vector.load %arg3[%get3A_15, %get3A_16] : memref<1x128xf32, #tpu.memory_space<vmem>>, vector<1x128xf32>
    %get3A_18 = vector.shape_cast %get3A_17 : vector<1x128xf32> to vector<128xf32>
    %mul3A_19 = arith.mulf %rsqrt3A, %get3A_18 : vector<128xf32>
    %get3A_20 = arith.constant 0 : index
    %get3A_21 = arith.constant 0 : index
    %get3A_22 = vector.load %arg1[%get3A_20, %get3A_21] : memref<2000x128xf32, #tpu.memory_space<vmem>>, vector<2000x128xf32>
    %broadcast_in_dim3A = vector.shape_cast %mul3A_4 : vector<128xf32> to vector<1x128xf32>
    %sub3A_23 = vector.broadcast %broadcast_in_dim3A : vector<1x128xf32> to vector<2000x128xf32>
    %sub3A_24 = arith.subf %get3A_22, %sub3A_23 : vector<2000x128xf32>
    %broadcast_in_dim3A_25 = vector.shape_cast %mul3A_19 : vector<128xf32> to vector<1x128xf32>
    %mul3A_26 = vector.broadcast %broadcast_in_dim3A_25 : vector<1x128xf32> to vector<2000x128xf32>
    %mul3A_27 = arith.mulf %sub3A_24, %mul3A_26 : vector<2000x128xf32>
    %get3A_28 = arith.constant 0 : index
    %get3A_29 = arith.constant 0 : index
    %get3A_30 = vector.load %arg4[%get3A_28, %get3A_29] : memref<1x128xf32, #tpu.memory_space<vmem>>, vector<1x128xf32>
    %get3A_31 = vector.shape_cast %get3A_30 : vector<1x128xf32> to vector<128xf32>
    %broadcast_in_dim3A_32 = vector.shape_cast %get3A_31 : vector<128xf32> to vector<1x128xf32>
    %add3A_33 = vector.broadcast %broadcast_in_dim3A_32 : vector<1x128xf32> to vector<2000x128xf32>
    %add3A_34 = arith.addf %mul3A_27, %add3A_33 : vector<2000x128xf32>
    %swap3A = arith.constant 0 : index
    %swap3A_35 = arith.constant 0 : index
    %swap3A_36 = vector.load %arg5[%swap3A, %swap3A_35] : memref<2000x128xf32, #tpu.memory_space<vmem>>, vector<2000x128xf32>
    tpu.vector_store %arg5[%swap3A, %swap3A_35], %add3A_34 {strides = array<i32>} : memref<2000x128xf32, #tpu.memory_space<vmem>>, vector<2000x128xf32>,
    return
  }
  func.func @transform_0(%arg0: i32) -> (i32, i32) {
    %c0_i32 = arith.constant 0 : i32
    %c0_i32_0 = arith.constant 0 : i32
    return %arg0, %c0_i32 : i32, i32
  }
  func.func @transform_1(%arg0: i32) -> (i32, i32) {
    %c0_i32 = arith.constant 0 : i32
    %c0_i32_0 = arith.constant 0 : i32
    %c0_i32_1 = arith.constant 0 : i32
    return %c0_i32, %c0_i32_0 : i32, i32
  }
  func.func @transform_2(%arg0: i32) -> (i32, i32) {
    %c0_i32 = arith.constant 0 : i32
    %c0_i32_0 = arith.constant 0 : i32
    %c0_i32_1 = arith.constant 0 : i32
    return %c0_i32, %c0_i32_0 : i32, i32
  }
  func.func @transform_3(%arg0: i32) -> (i32, i32) {
    %c0_i32 = arith.constant 0 : i32
    %c0_i32_0 = arith.constant 0 : i32
    %c0_i32_1 = arith.constant 0 : i32
    return %c0_i32, %c0_i32_0 : i32, i32
  }
  func.func @transform_4(%arg0: i32) -> (i32, i32) {
    %c0_i32 = arith.constant 0 : i32
    %c0_i32_0 = arith.constant 0 : i32
    return %arg0, %c0_i32 : i32, i32
  }
}

module attributes {stable_mosaic.version = 14 : i64} {
  func.func @_post_b_body(%arg0: i32, %arg1: memref<2000x128xf32, #tpu.memory_space<vmem>>, %arg2: memref<2x128xf32, #tpu.memory_space<vmem>>, %arg3: memref<1x128xf32, #tpu.memory_space<vmem>>, %arg4: memref<1x128xf32, #tpu.memory_space<vmem>>, %arg5: memref<128x256xf32, #tpu.memory_space<vmem>>, %arg6: memref<1x256xf32, #tpu.memory_space<vmem>>, %arg7: memref<256x128xf32, #tpu.memory_space<vmem>>, %arg8: memref<1x128xf32, #tpu.memory_space<vmem>>, %arg9: memref<2000x128xf32, #tpu.memory_space<vmem>>, %arg10: memref<2x128xf32, #tpu.memory_space<vmem>>) attributes {dimension_semantics = [#tpu.dimension_semantics<arbitrary>], iteration_bounds = array<i64: 5>, scalar_prefetch = 0 : i64, scratch_operands = 0 : i64, tpu.core_type = #tpu.core_type<tc>, window_params = [{transform_indices = @transform_0, window_bounds = array<i64: 2000, 128>}, {pipeline_mode = #tpu.pipeline_mode<synchronous>, transform_indices = @transform_1, window_bounds = array<i64: 2, 128>}, {pipeline_mode = #tpu.pipeline_mode<synchronous>, transform_indices = @transform_2, window_bounds = array<i64: 1, 128>}, {pipeline_mode = #tpu.pipeline_mode<synchronous>, transform_indices = @transform_3, window_bounds = array<i64: 1, 128>}, {pipeline_mode = #tpu.pipeline_mode<synchronous>, transform_indices = @transform_4, window_bounds = array<i64: 128, 256>}, {pipeline_mode = #tpu.pipeline_mode<synchronous>, transform_indices = @transform_5, window_bounds = array<i64: 1, 256>}, {pipeline_mode = #tpu.pipeline_mode<synchronous>, transform_indices = @transform_6, window_bounds = array<i64: 256, 128>}, {pipeline_mode = #tpu.pipeline_mode<synchronous>, transform_indices = @transform_7, window_bounds = array<i64: 1, 128>}, {transform_indices = @transform_8, window_bounds = array<i64: 2000, 128>}, {pipeline_mode = #tpu.pipeline_mode<synchronous>, transform_indices = @transform_9, window_bounds = array<i64: 2, 128>}]} {
    %get3A = arith.constant 0 : index
    %get3A_0 = arith.constant 0 : index
    %get3A_1 = vector.load %arg2[%get3A, %get3A_0] : memref<2x128xf32, #tpu.memory_space<vmem>>, vector<1x128xf32>
    %get3A_2 = vector.shape_cast %get3A_1 : vector<1x128xf32> to vector<128xf32>
    %mul3A = arith.constant 9.99999974E-5 : f32
    %mul3A_3 = vector.broadcast %mul3A : f32 to vector<128xf32>
    %mul3A_4 = arith.mulf %get3A_2, %mul3A_3 : vector<128xf32>
    %get3A_5 = arith.constant 1 : index
    %get3A_6 = arith.constant 0 : index
    %get3A_7 = vector.load %arg2[%get3A_5, %get3A_6] : memref<2x128xf32, #tpu.memory_space<vmem>>, vector<1x128xf32>
    %get3A_8 = vector.shape_cast %get3A_7 : vector<1x128xf32> to vector<128xf32>
    %mul3A_9 = arith.constant 9.99999974E-5 : f32
    %mul3A_10 = vector.broadcast %mul3A_9 : f32 to vector<128xf32>
    %mul3A_11 = arith.mulf %get3A_8, %mul3A_10 : vector<128xf32>
    %mul3A_12 = arith.mulf %mul3A_4, %mul3A_4 : vector<128xf32>
    %sub3A = arith.subf %mul3A_11, %mul3A_12 : vector<128xf32>
    %add3A = arith.constant 9.99999974E-6 : f32
    %add3A_13 = vector.broadcast %add3A : f32 to vector<128xf32>
    %add3A_14 = arith.addf %sub3A, %add3A_13 : vector<128xf32>
    %rsqrt3A = math.rsqrt %add3A_14 : vector<128xf32>
    %get3A_15 = arith.constant 0 : index
    %get3A_16 = arith.constant 0 : index
    %get3A_17 = vector.load %arg3[%get3A_15, %get3A_16] : memref<1x128xf32, #tpu.memory_space<vmem>>, vector<1x128xf32>
    %get3A_18 = vector.shape_cast %get3A_17 : vector<1x128xf32> to vector<128xf32>
    %mul3A_19 = arith.mulf %rsqrt3A, %get3A_18 : vector<128xf32>
    %get3A_20 = arith.constant 0 : index
    %get3A_21 = arith.constant 0 : index
    %get3A_22 = vector.load %arg1[%get3A_20, %get3A_21] : memref<2000x128xf32, #tpu.memory_space<vmem>>, vector<2000x128xf32>
    %broadcast_in_dim3A = vector.shape_cast %mul3A_4 : vector<128xf32> to vector<1x128xf32>
    %sub3A_23 = vector.broadcast %broadcast_in_dim3A : vector<1x128xf32> to vector<2000x128xf32>
    %sub3A_24 = arith.subf %get3A_22, %sub3A_23 : vector<2000x128xf32>
    %broadcast_in_dim3A_25 = vector.shape_cast %mul3A_19 : vector<128xf32> to vector<1x128xf32>
    %mul3A_26 = vector.broadcast %broadcast_in_dim3A_25 : vector<1x128xf32> to vector<2000x128xf32>
    %mul3A_27 = arith.mulf %sub3A_24, %mul3A_26 : vector<2000x128xf32>
    %get3A_28 = arith.constant 0 : index
    %get3A_29 = arith.constant 0 : index
    %get3A_30 = vector.load %arg4[%get3A_28, %get3A_29] : memref<1x128xf32, #tpu.memory_space<vmem>>, vector<1x128xf32>
    %get3A_31 = vector.shape_cast %get3A_30 : vector<1x128xf32> to vector<128xf32>
    %broadcast_in_dim3A_32 = vector.shape_cast %get3A_31 : vector<128xf32> to vector<1x128xf32>
    %add3A_33 = vector.broadcast %broadcast_in_dim3A_32 : vector<1x128xf32> to vector<2000x128xf32>
    %add3A_34 = arith.addf %mul3A_27, %add3A_33 : vector<2000x128xf32>
    %get3A_35 = arith.constant 0 : index
    %get3A_36 = arith.constant 0 : index
    %get3A_37 = vector.load %arg5[%get3A_35, %get3A_36] : memref<128x256xf32, #tpu.memory_space<vmem>>, vector<128x256xf32>
    %dot_general3A = arith.constant dense<0.000000e+00> : vector<2000x256xf32>
    %dot_general3A_38 = tpu.matmul %add3A_34, %get3A_37, %dot_general3A {dimension_numbers = #tpu.dot_dimension_numbers<[1], [0], [0], [1], [0, 0, 1, 1], [], []>, transpose_lhs_hint = false} : vector<2000x128xf32>, vector<128x256xf32>, vector<2000x256xf32> -> vector<2000x256xf32>
    %get3A_39 = arith.constant 0 : index
    %get3A_40 = arith.constant 0 : index
    %get3A_41 = vector.load %arg6[%get3A_39, %get3A_40] : memref<1x256xf32, #tpu.memory_space<vmem>>, vector<1x256xf32>
    %add3A_42 = vector.broadcast %get3A_41 : vector<1x256xf32> to vector<2000x256xf32>
    %add3A_43 = arith.addf %dot_general3A_38, %add3A_42 : vector<2000x256xf32>
    %max3A = arith.constant 0.000000e+00 : f32
    %max3A_44 = vector.broadcast %max3A : f32 to vector<2000x256xf32>
    %max3A_45 = arith.maximumf %add3A_43, %max3A_44 : vector<2000x256xf32>
    %get3A_46 = arith.constant 0 : index
    %get3A_47 = arith.constant 0 : index
    %get3A_48 = vector.load %arg7[%get3A_46, %get3A_47] : memref<256x128xf32, #tpu.memory_space<vmem>>, vector<256x128xf32>
    %dot_general3A_49 = arith.constant dense<0.000000e+00> : vector<2000x128xf32>
    %dot_general3A_50 = tpu.matmul %max3A_45, %get3A_48, %dot_general3A_49 {dimension_numbers = #tpu.dot_dimension_numbers<[1], [0], [0], [1], [0, 0, 1, 1], [], []>, transpose_lhs_hint = false} : vector<2000x256xf32>, vector<256x128xf32>, vector<2000x128xf32> -> vector<2000x128xf32>
    %get3A_51 = arith.constant 0 : index
    %get3A_52 = arith.constant 0 : index
    %get3A_53 = vector.load %arg8[%get3A_51, %get3A_52] : memref<1x128xf32, #tpu.memory_space<vmem>>, vector<1x128xf32>
    %add3A_54 = vector.broadcast %get3A_53 : vector<1x128xf32> to vector<2000x128xf32>
    %add3A_55 = arith.addf %dot_general3A_50, %add3A_54 : vector<2000x128xf32>
    %add3A_56 = arith.addf %add3A_34, %add3A_55 : vector<2000x128xf32>
    %swap3A = arith.constant 0 : index
    %swap3A_57 = arith.constant 0 : index
    %swap3A_58 = vector.load %arg9[%swap3A, %swap3A_57] : memref<2000x128xf32, #tpu.memory_space<vmem>>, vector<2000x128xf32>
    tpu.vector_store %arg9[%swap3A, %swap3A_57], %add3A_56 {strides = array<i32>} : memref<2000x128xf32, #tpu.memory_space<vmem>>, vector<2000x128xf32>,
    %eq3A = arith.constant 0 : i32
    %eq3A_59 = arith.cmpi eq, %arg0, %eq3A : i32
    %convert_element_type3A = arith.extui %eq3A_59 : i1 to i32
    %cond3A = arith.constant 0 : i32
    %cond3A_60 = arith.cmpi ne, %convert_element_type3A, %cond3A : i32
    scf.if %cond3A_60 {
      %broadcast_in_dim3A_85 = arith.constant 0.000000e+00 : f32
      %broadcast_in_dim3A_86 = vector.broadcast %broadcast_in_dim3A_85 : f32 to vector<2x128xf32>
      %swap3A_87 = arith.constant 0 : index
      %swap3A_88 = arith.constant 0 : index
      %swap3A_89 = vector.load %arg10[%swap3A_87, %swap3A_88] : memref<2x128xf32, #tpu.memory_space<vmem>>, vector<2x128xf32>
      tpu.vector_store %arg10[%swap3A_87, %swap3A_88], %broadcast_in_dim3A_86 {strides = array<i32>} : memref<2x128xf32, #tpu.memory_space<vmem>>, vector<2x128xf32>,
    } else {
    }
    %get3A_61 = arith.constant 0 : index
    %get3A_62 = arith.constant 0 : index
    %get3A_63 = vector.load %arg10[%get3A_61, %get3A_62] : memref<2x128xf32, #tpu.memory_space<vmem>>, vector<1x128xf32>
    %get3A_64 = vector.shape_cast %get3A_63 : vector<1x128xf32> to vector<128xf32>
    %reduce_sum3A = arith.constant dense<0.000000e+00> : vector<128xf32>
    %reduce_sum3A_65 = vector.multi_reduction <add>, %add3A_56, %reduce_sum3A [0] : vector<2000x128xf32> to vector<128xf32>
    %add3A_66 = arith.addf %get3A_64, %reduce_sum3A_65 : vector<128xf32>
    %swap3A_67 = arith.constant 0 : index
    %swap3A_68 = arith.constant 0 : index
    %swap3A_69 = vector.load %arg10[%swap3A_67, %swap3A_68] : memref<2x128xf32, #tpu.memory_space<vmem>>, vector<1x128xf32>
    %swap3A_70 = vector.shape_cast %swap3A_69 : vector<1x128xf32> to vector<128xf32>
    %swap3A_71 = vector.shape_cast %add3A_66 : vector<128xf32> to vector<1x128xf32>
    tpu.vector_store %arg10[%swap3A_67, %swap3A_68], %swap3A_71 {strides = array<i32>} : memref<2x128xf32, #tpu.memory_space<vmem>>, vector<1x128xf32>,
    %get3A_72 = arith.constant 1 : index
    %get3A_73 = arith.constant 0 : index
    %get3A_74 = vector.load %arg10[%get3A_72, %get3A_73] : memref<2x128xf32, #tpu.memory_space<vmem>>, vector<1x128xf32>
    %get3A_75 = vector.shape_cast %get3A_74 : vector<1x128xf32> to vector<128xf32>
    %mul3A_76 = arith.mulf %add3A_56, %add3A_56 : vector<2000x128xf32>
    %reduce_sum3A_77 = arith.constant dense<0.000000e+00> : vector<128xf32>
    %reduce_sum3A_78 = vector.multi_reduction <add>, %mul3A_76, %reduce_sum3A_77 [0] : vector<2000x128xf32> to vector<128xf32>
    %add3A_79 = arith.addf %get3A_75, %reduce_sum3A_78 : vector<128xf32>
    %swap3A_80 = arith.constant 1 : index
    %swap3A_81 = arith.constant 0 : index
    %swap3A_82 = vector.load %arg10[%swap3A_80, %swap3A_81] : memref<2x128xf32, #tpu.memory_space<vmem>>, vector<1x128xf32>
    %swap3A_83 = vector.shape_cast %swap3A_82 : vector<1x128xf32> to vector<128xf32>
    %swap3A_84 = vector.shape_cast %add3A_79 : vector<128xf32> to vector<1x128xf32>
    tpu.vector_store %arg10[%swap3A_80, %swap3A_81], %swap3A_84 {strides = array<i32>} : memref<2x128xf32, #tpu.memory_space<vmem>>, vector<1x128xf32>,
    return
  }
  func.func @transform_0(%arg0: i32) -> (i32, i32) {
    %c0_i32 = arith.constant 0 : i32
    %c0_i32_0 = arith.constant 0 : i32
    return %arg0, %c0_i32 : i32, i32
  }
  func.func @transform_1(%arg0: i32) -> (i32, i32) {
    %c0_i32 = arith.constant 0 : i32
    %c0_i32_0 = arith.constant 0 : i32
    %c0_i32_1 = arith.constant 0 : i32
    return %c0_i32, %c0_i32_0 : i32, i32
  }
  func.func @transform_2(%arg0: i32) -> (i32, i32) {
    %c0_i32 = arith.constant 0 : i32
    %c0_i32_0 = arith.constant 0 : i32
    %c0_i32_1 = arith.constant 0 : i32
    return %c0_i32, %c0_i32_0 : i32, i32
  }
  func.func @transform_3(%arg0: i32) -> (i32, i32) {
    %c0_i32 = arith.constant 0 : i32
    %c0_i32_0 = arith.constant 0 : i32
    %c0_i32_1 = arith.constant 0 : i32
    return %c0_i32, %c0_i32_0 : i32, i32
  }
  func.func @transform_4(%arg0: i32) -> (i32, i32) {
    %c0_i32 = arith.constant 0 : i32
    %c0_i32_0 = arith.constant 0 : i32
    %c0_i32_1 = arith.constant 0 : i32
    return %c0_i32, %c0_i32_0 : i32, i32
  }
  func.func @transform_5(%arg0: i32) -> (i32, i32) {
    %c0_i32 = arith.constant 0 : i32
    %c0_i32_0 = arith.constant 0 : i32
    %c0_i32_1 = arith.constant 0 : i32
    return %c0_i32, %c0_i32_0 : i32, i32
  }
  func.func @transform_6(%arg0: i32) -> (i32, i32) {
    %c0_i32 = arith.constant 0 : i32
    %c0_i32_0 = arith.constant 0 : i32
    %c0_i32_1 = arith.constant 0 : i32
    return %c0_i32, %c0_i32_0 : i32, i32
  }
  func.func @transform_7(%arg0: i32) -> (i32, i32) {
    %c0_i32 = arith.constant 0 : i32
    %c0_i32_0 = arith.constant 0 : i32
    %c0_i32_1 = arith.constant 0 : i32
    return %c0_i32, %c0_i32_0 : i32, i32
  }
  func.func @transform_8(%arg0: i32) -> (i32, i32) {
    %c0_i32 = arith.constant 0 : i32
    %c0_i32_0 = arith.constant 0 : i32
    return %arg0, %c0_i32 : i32, i32
  }
  func.func @transform_9(%arg0: i32) -> (i32, i32) {
    %c0_i32 = arith.constant 0 : i32
    %c0_i32_0 = arith.constant 0 : i32
    %c0_i32_1 = arith.constant 0 : i32
    return %c0_i32, %c0_i32_0 : i32, i32
  }
}

</mosaic_0001>

<sc_bundles>
// kernel: kernel.7.cloned.1.call-start
scs
__scs_entry_jumppad:
0x0: {  	(pc) =	sbr.rel $0x88, $3  }
0x1: {  	(tag) =	ssettag $0x0;
	lr =	simm.s32 $0x1  }
0x2: {  	[smem:$0x3F91] =	sst lr;
	_ =	strace $0xD0000000  }
0x3: {  	_ = 	snop  }
0x4: {  	_ = 	snop  }
0x5: {  	_ = 	snop  }
0x6: {  	_ = 	snop  }
0x7: {  	_ = 	snop  }
__scs_overlays_trampoline_lowered:
0x8: {  	[smem:$0x3FA0] =	sst s0  }
0x9: {  	[smem:$0x3FA1] =	sst s1  }
0xa: {  	[smem:$0x3FA2] =	sst s2  }
0xb: {  	[smem:$0x3FA3] =	sst s3  }
0xc: {  	[smem:$0x3FA4] =	sst s4  }
0xd: {  	[smem:$0x3FA5] =	sst s5  }
0xe: {  	[smem:$0x3FA6] =	sst s6  }
0xf: {  	[smem:$0x3FA7] =	sst s7  }
0x10: {  	[smem:$0x3FA8] =	sst s8  }
0x11: {  	[smem:$0x3FA9] =	sst s9;
	s0 =	simm.s32 @!p0 $0x0  }
0x12: {  	s1 =	sld [smem:$0x3F8F];
	s0 =	simm.s32 @p0 $0x1  }
0x13: {  	[smem:$0x3FAA] =	sst s0;
	s0 =	simm.s32 @!p1 $0x0  }
0x14: {  	s2 =	sld [smem:$0x3F8E];
	s0 =	simm.s32 @p1 $0x1  }
0x15: {  	[smem:$0x3FAB] =	sst s0;
	s0 =	simm.s32 @!p2 $0x0  }
0x16: {  	s3 =	sld [smem:$0x3FDB];
	s0 =	simm.s32 @p2 $0x1  }
0x17: {  	s4 =	simm.s32 $0x1BF5;
	[smem:$0x3FAD] =	sst s0  }
0x18: {  	s0 =	sld [smem:$0x3F90];
	_ =	swait.ge [sflag:s4], $0x0  }
0x19: {  	s7 =	sld [smem:$0x3F91]  }
0x1a: {  	s8 =	sadd.s32 $0xFFFFE003, lr  }
0x1b: {  	s9 =	sadd.s32 $0xFFFFFEF7, lr;
	s5 =	simm.s32 $0xFFFFFFFF;
	p2 =	slt.u32 s8, $0xFFFFF086  }
0x1c: {  	p1 =	slt.u32 s9, $0xF7A;
	s5 =	simm.s32 @!p2 $0x0  }
0x1d: {  	s5 =	simm.s32 @p1 $0x1;
	p0 =	seq.s32 s7, s2  }
0x1e: {  	s7 =	smul.u32 @!p0 $0xF7A, s2;
	p2 =	seq.s32 @!p0 s5, $0x0  }
0x1f: {  	s9 =	smul.u32 $0xF7A, s1;
	s8 =	simm.s32 @!p0 $0x1BF5;
	p2 =	por !p2, p0  }
0x20: {  	[sflag:s8] =	ssyncset.s32 @!p0 $0xFFFFF086;
	s6 =	sadd.s32 @!p0 s3, s7;
	s7 =	simm.s32 @!p0 $0x108  }
0x21: {  	s3 =	sadd.s32 s3, s9;
	s6 =	sadd.s32 @!p0 $0x88, s6;
	s7 =	simm.s32 @p2 $0x1082  }
0x22: {  	[simem:s7], [sflag:s8] =	dma.local @!p0 [hbm:s6], $0xF7A  }
0x23: {  	s9 =	sor.u32 $0xD0000000, s2;
	s6 =	simm.s32 $0x108;
	_ =	swait.ge @!p0 [sflag:s8], $0x0  }
0x24: {  	s3 =	sadd.s32 $0x88, s3;
	s6 =	simm.s32 @!p1 $0x1082;
	[sflag:s4] =	ssyncset.s32 $0xFFFFF086  }
0x25: {  	[simem:s6], [sflag:s4] =	dma.local [hbm:s3], $0xF7A  }
0x26: {  	[smem:$0x3F91] =	sst s1;
	(tag) =	ssettag s2;
	_ =	strace s9  }
0x27: {  	s1 =	sld [smem:$0x3FA1]  }
0x28: {  	s2 =	sld [smem:$0x3FA2]  }
0x29: {  	s4 =	sld [smem:$0x3FA4]  }
0x2a: {  	p0 =	seq.s32 s5, $0x0;
	s5 =	sld [smem:$0x3FA5]  }
0x2b: {  	s6 =	sld [smem:$0x3FA6]  }
0x2c: {  	s7 =	sld [smem:$0x3FA7]  }
0x2d: {  	s3 =	simm.s32 $0x108;
	s8 =	sld [smem:$0x3FA8]  }
0x2e: {  	s3 =	simm.s32 @!p0 $0x1082;
	s9 =	sld [smem:$0x3FA9]  }
0x2f: {  	lr =	sadd.s32 s0, s3;
	s0 =	sld [smem:$0x3FA0]  }
0x30: {  	s3 =	sld [smem:$0x3FA3]  }
0x31: {  	[smem:$0x3FAC] =	sst s10  }
0x32: {  	s10 =	sld [smem:$0x3FAA];
	_ =	sdelay $0x3  }
0x33: {  	p0 =	seq.s32 s10, $0x1;
	s10 =	sld [smem:$0x3FAC];
	_ =	sdelay $0x3  }
0x34: {  	[smem:$0x3FAC] =	sst s10  }
0x35: {  	s10 =	sld [smem:$0x3FAB];
	_ =	sdelay $0x3  }
0x36: {  	p1 =	seq.s32 s10, $0x1;
	s10 =	sld [smem:$0x3FAC];
	_ =	sdelay $0x3  }
0x37: {  	[smem:$0x3FAC] =	sst s10  }
0x38: {  	s10 =	sld [smem:$0x3FAD]  }
0x39: {  	_ = 	snop;
	(pc) =	sbr.ind lr, $3  }
0x3a: {  	_ = 	snop  }
0x3b: {  	_ = 	snop  }
0x3c: {  	p2 =	seq.s32 s10, $0x1;
	s10 =	sld [smem:$0x3FAC]  }
0x3d: {  	_ =	shalt  }
0x3e: {  	_ =	shalt  }
0x3f: {  	_ =	shalt  }
0x40: {  	_ =	shalt  }
0x41: {  	_ =	shalt  }
0x42: {  	_ =	shalt  }
0x43: {  	_ =	shalt  }
0x44: {  	_ =	shalt  }
0x45: {  	_ =	shalt  }
0x46: {  	_ =	shalt  }
0x47: {  	_ =	shalt  }
0x48: {  	_ =	shalt  }
0x49: {  	_ =	shalt  }
0x4a: {  	_ =	shalt  }
0x4b: {  	_ =	shalt  }
0x4c: {  	_ =	shalt  }
0x4d: {  	_ =	shalt  }
0x4e: {  	_ =	shalt  }
0x4f: {  	_ =	shalt  }
0x50: {  	_ =	shalt  }
0x51: {  	_ =	shalt  }
0x52: {  	_ =	shalt  }
0x53: {  	_ =	shalt  }
0x54: {  	_ =	shalt  }
0x55: {  	_ =	shalt  }
0x56: {  	_ =	shalt  }
0x57: {  	_ =	shalt  }
0x58: {  	_ =	shalt  }
0x59: {  	_ =	shalt  }
0x5a: {  	_ =	shalt  }
0x5b: {  	_ =	shalt  }
0x5c: {  	_ =	shalt  }
0x5d: {  	_ =	shalt  }
0x5e: {  	_ =	shalt  }
0x5f: {  	_ =	shalt  }
0x60: {  	_ =	shalt  }
0x61: {  	_ =	shalt  }
0x62: {  	_ =	shalt  }
0x63: {  	_ =	shalt  }
0x64: {  	_ =	shalt  }
0x65: {  	_ =	shalt  }
0x66: {  	_ =	shalt  }
0x67: {  	_ =	shalt  }
0x68: {  	_ =	shalt  }
0x69: {  	_ =	shalt  }
0x6a: {  	_ =	shalt  }
0x6b: {  	_ =	shalt  }
0x6c: {  	_ =	shalt  }
0x6d: {  	_ =	shalt  }
0x6e: {  	_ =	shalt  }
0x6f: {  	_ =	shalt  }
0x70: {  	_ =	shalt  }
0x71: {  	_ =	shalt  }
0x72: {  	_ =	shalt  }
0x73: {  	_ =	shalt  }
0x74: {  	_ =	shalt  }
0x75: {  	_ =	shalt  }
0x76: {  	_ =	shalt  }
0x77: {  	_ =	shalt  }
0x78: {  	_ =	shalt  }
0x79: {  	_ =	shalt  }
0x7a: {  	_ =	shalt  }
0x7b: {  	_ =	shalt  }
0x7c: {  	_ =	shalt  }
0x7d: {  	_ =	shalt  }
0x7e: {  	_ =	shalt  }
0x7f: {  	_ =	shalt  }
0x80: {  	_ =	shalt  }
0x81: {  	_ =	shalt  }
0x82: {  	_ =	shalt  }
0x83: {  	_ =	shalt  }
0x84: {  	_ =	shalt  }
0x85: {  	_ =	shalt  }
0x86: {  	_ =	shalt  }
0x87: {  	_ =	shalt  }
.Lfunc_end0:
.L_simem_size_0:
called_computation_lowered:
.L_overlay_start_0:
0x88: {  	s2 =	sld [smem:$0x3FD9]  }
0x89: {  	s3 =	sld [smem:$0x3FFE];
	_ =	sdelay $0x1  }
0x8a: {  	s1 =	srdreg.scid  }
0x8b: {  	s0 =	sand.u32 $0x1, s1  }
0x8c: {  	s17 =	sshll.u32 s0, $0xA;
	s2 =	sadd.s32 s3, s2  }
0x8d: {  	s2 =	sadd.s32 s2, s17  }
0x8e: {  	[smem:$0x3FB8] =	sst s2  }
0x8f: {  	_ = 	snop  }
0x90: {  	s2 =	sld [smem:$0x3FD0];
	(tm) =	ssettm $0x1  }
0x91: {  	s18 =	sld [smem:$0x3FFB];
	_ =	sdelay $0x3  }
0x92: {  	_ =	strace s18  }
0x93: {  	s3 =	sld [smem:$0x3FFC];
	_ =	sdelay $0x3  }
0x94: {  	_ =	strace s3  }
0x95: {  	s3 =	sld [smem:$0x3FFD];
	_ =	sdelay $0x3  }
0x96: {  	_ =	strace s3  }
0x97: {  	_ =	strace $0x8FFFFFFF  }
0x98: {  	s19 =	sld [smem:$0x3FDB];
	_ =	sdelay $0x1  }
0x99: {  	s4 =	simm.s32 $_scs_section_size  }
0x9a: {  	s5 =	simm.s32 $_size__tile_overlayer_lowered;
	s6 =	simm.s32 $_tile_overlayer_lowered  }
0x9b: {  	s22 =	simm.s32 $0x1BFF;
	s21 =	sshll.u32 s6, $0x1;
	s3 =	sadd.s32 s4, s19  }
0x9c: {  	s7 =	simm.s32 $0x0;
	s20 =	sshll.u32 s5, $0x1;
	s5 =	sadd.s32 s21, s3  }
0x9d: {  	[timem:s7], [sflag:s22] =	dma.local [hbm:s5], s20  }
0x9e: {  	_ =	swait.ge [sflag:s22], s20  }
0x9f: {  	s4 =	ssub.s32 $0x0, s20;
	[sflag:s22] =	ssyncset.done $0x0  }
0xa0: {  	[sflag:s22] =	ssyncadd.s32 s4;
	_ =	sdelay $0x1  }
0xa1: {  	s23 =	simm.s32 $0x1B8B  }
0xa2: {  	_ =	swait.ge [sflag:s23], $0x1  }
0xa3: {  	[sflag:s23] =	ssyncset.done $0x0  }
0xa4: {  	s25 =	simm.s32 $0x1B8E;
	s24 =	sld [smem:$0x3FFE];
	[sflag:s23] =	ssyncadd.s32 $0xFFFFFFFF  }
0xa5: {  	s26 =	simm.s32 $execute0_lowered;
	[smem:$0x3FD2] =	sst s25  }
0xa6: {  	s5 =	sshll.u32 s26, $0x1;
	_ =	strace $0x80000046;
	[dreg:$0x1] =	wrdreg $0xFFFFFFFF  }
0xa7: {  	s28 =	simm.s32 $_size_execute0_lowered;
	s3 =	sadd.s32 s3, s5;
	[dreg:$0x0] =	wrdreg $0x0  }
0xa8: {  	s5 =	sshll.u32 s28, $0x1;
	[dreg:$0x2] =	wrdreg s3  }
0xa9: {  	[dreg:$0x3] =	wrdreg s5  }
0xaa: {  	[dreg:$0x4] =	wrdreg $0xC0  }
0xab: {  	_ =	task [dreg:s7], $0x5FFFF  }
0xac: {  	[dreg:$0x1] =	wrdreg $0xFFFFFFFF  }
0xad: {  	[dreg:$0x0] =	wrdreg $0x60  }
0xae: {  	[dreg:$0x2] =	wrdreg s24  }
0xaf: {  	[dreg:$0x3] =	wrdreg s2  }
0xb0: {  	[dreg:$0x4] =	wrdreg $0xA9100  }
0xb1: {  	[dreg:$0x5] =	wrdreg $0x9  }
0xb2: {  	_ =	task.clear_ibuf [dreg:s7], $0x6FFFF;
	_ =	strace $0x90000046  }
0xb3: {  	s29 =	simm.s32 $0x9;
	_ =	strace $0x80000048  }
0xb4: {  	_ =	swait.ge [sflag:s29], $0x1  }
0xb5: {  	[sflag:s29] =	ssyncadd.s32 $0xFFFFFFFF  }
0xb6: {  	_ =	strace $0x90000048  }
0xb7: {  	_ =	sfence  }
0xb8: {  	s30 =	sld [smem:$0x0];
	_ =	sdelay $0x2  }
0xb9: {  	s31 =	sshll.u32 s1, $0xD;
	s1 =	sshrl.u32 s1, $0x2  }
0xba: {  	s3 =	sand.u32 $0x4000, s31;
	s1 =	sadd.s32 s1, s30  }
0xbb: {  	s0 =	sor.u32 s3, s0;
	s1 =	sshll.u32 s1, $0x11  }
0xbc: {  	s0 =	sor.u32 s1, s0  }
0xbd: {  	s0 =	sadd.s32 $0x8F2B, s0  }
0xbe: {  	[sflag:s0] =	ssyncadd.remote.s32 $0x1  }
0xbf: {  	_ =	sfence.sel $0xFFFF  }
0xc0: {  	[dreg:$0x0] =	wrdreg $0xFFFFFFFF;
	(pc) =	sbr.abs _section_cstart, $3  }
0xc1: {  	[dreg:$0x1] =	wrdreg $0xFFFFFFFF  }
0xc2: {  	_ =	task.clear_ibuf [dreg:s7], $0x2FFFF;
	_ =	strace $0x9FFFFFFF  }
0xc3: {  	(tm) =	ssettm $0x7FFFFFFF  }
tec
execute0_lowered:
.L_overlay_start_1:
0x0: {  	(tag) =	ssettag $0x1  }
0x1: {  	s0 =	rddreg [dreg:$0x0]  }
0x2: {  	s2 =	rddreg [dreg:$0x1];
	s1 =	srdreg.scid  }
0x3: {  	s3 =	rddreg [dreg:$0x2];
	s11 =	stileid.u32;
	s5 =	simm.s32 $0x0  }
0x4: {  	s15 =	simm.s32 $0x7;
	s18 =	simm.s32 $0x28;
	s28 =	simm.s32 $0x6  }
0x5: {  	s29 =	simm.s32 $0x1;
	s31 =	simm.s32 $0x11;
	s7 =	smul.u32 $0x14000, s11  }
0x6: {  	s17 =	simm.s32 $0x3;
	s30 =	simm.s32 $0x0;
	s9 =	smul.u32 $0x1400, s11  }
0x7: {  	s1 =	sand.u32 $0x1, s1;
	[smem:$0x7FF] =	sst s5;
	s21 =	smul.u32 $0x55000, s11  }
0x8: {  	s5 =	sadd.s32 $0x16A00, s0;
	s6 =	sadd.s32 $0x3000, s0;
	s4 =	smul.u32 $0x140000, s1  }
0x9: {  	s10 =	sadd.s32 $0x64C00, s0;
	s24 =	sshll.u32 s11, $0x6;
	s8 =	smul.u32 $0x14000, s1  }
0xa: {  	_ =	strace $0x80000047;
	s20 =	sshll.u32 s1, $0x4;
	s1 =	ssub.s32 $0x2, s1  }
0xb: {  	[dreg:$0x4] =	wrdreg s10;
	s22 =	sshrl.u32 s1, $0x1;
	s23 =	sshrl.u32 s21, $0x2  }
0xc: {  	s21 =	simm.s32 $0x2;
	s4 =	sadd.s32 s7, s4;
	s19 =	sadd.s32 s9, s8  }
0xd: {  	s8 =	sor.u32 s11, s20;
	s1 =	ssub.s32 s1, s22;
	s9 =	sor.u32 $0x1C07, s24  }
0xe: {  	s22 =	simm.s32 $0x4;
	s24 =	simm.s32 $0x5;
	s20 =	simm.s32 $0x640  }
0xf: {  	s4 =	sshrl.u32 s4, $0x3;
	s7 =	sshrl.u32 s19, $0x3;
	s8 =	smul.u32 $0x2710, s8  }
0x10: {  	s1 =	smax.u32 s1, $0x1;
	s19 =	simm.s32 $0x7E90;
	s4 =	sadd.s32 s4, s0  }
0x11: {  	s0 =	sadd.s32 s7, s0;
	s7 =	sadd.s32 s23, s3;
	[dreg:$0x8] =	wrdreg s1  }
.Ltmp0:
0x12: {  	s23 =	simm.s32 $0x93D0;
	s1 =	simm.s32 $0x6A90;
	(pc) =	sbr.rel .LBB2_1-.Ltmp0, $4  }
0x13: {  	vm0 =	vmmov $0x1;
	s25 =	sshrl.u32 s8, $0x3;
	s4 =	sadd.s32 $0x6C800, s4;
	s0 =	sadd.s32 $0x67800, s0  }
0x14: {  	vm1 =	vcmask $0x320;
	vm2 =	vcmask $0x720;
	vm3 =	vcmask $0xB20;
	s26 =	sadd.s32 $0x80, s7;
	s14 =	sshrl.u32 s7, $0x3;
	[dreg:$0x6] =	wrdreg s4  }
0x15: {  	vm4 =	vcmask $0xF20;
	vm5 =	vcmask $0x1320;
	v0 =	vlaneseq.u32;
	s10 =	sadd.s32 s6, s25;
	[dreg:$0x7] =	wrdreg s0;
	s25 =	sshrl.u32 s26, $0x3  }
0x16: {  	vm6 =	vcmask $0x1720;
	vm7 =	vcmask $0x1B20;
	v0 =	vor.u32 $0x80, v0;
	s26 =	simm.s32 $0x668;
	s0 =	simm.s32 $0x2E90;
	[dreg:$0x5] =	wrdreg s10  }
.LBB2_12:
0x17: {  	_ =	swait.ge [sflag:s28], $0x1540  }
0x18: {  	[sflag:s28] =	ssyncset.done $0x0  }
0x19: {  	[sflag:s28] =	ssyncadd.s32 $0xFFFFEAC0  }
0x1a: {  	[bflag:$0x0] =	sbarrier.arrive $0xFFFF  }
0x1b: {  	s7 =	simm.s32 $0x10;
	s4 =	rddreg [dreg:$0x6]  }
0x1c: {  	[hbm:s4@s7], [sflag:s9] =	dma.strided [spmem:s14@s31], $0x2800, s29, $0x10   }
0x1d: {  	_ =	swait.ge [sflag:s15], $0x2800  }
0x1e: {  	[sflag:s15] =	ssyncset.done $0x0  }
0x1f: {  	s13 =	rddreg [dreg:$0x7];
	[sflag:s15] =	ssyncadd.s32 $0xFFFFD800  }
0x20: {  	[hbm:s13@s29], [sflag:s9] =	dma.strided [spmem:s25@s31], $0x280, s29, $0x1   }
0x21: {  	_ =	swait.ge [sflag:s15], $0x280  }
0x22: {  	s30 =	sadd.s32 $0x1, s30;
	s16 =	rddreg [dreg:$0x8]  }
0x23: {  	p0 =	sne.s32 s30, s16  }
.Ltmp1:
0x24: {  	_ = 	snop;
	(pc) =	sbr.rel @!p0 .LBB2_13-.Ltmp1, $3  }
0x25: {  	_ =	sdelay $0x1  }
0x26: {  	[sflag:s15] =	ssyncset.done $0x0  }
0x27: {  	[sflag:s15] =	ssyncadd.s32 $0xFFFFFD80  }
.LBB2_1:
0x28: {  	s4 =	rddreg [dreg:$0x4]  }
0x29: {  	[spmem:s14], [sflag:s9] =	dma.local [hbm:s4], $0x2A80  }
0x2a: {  	_ =	swait.ge [sflag:s15], $0x2A80  }
0x2b: {  	[sflag:s15] =	ssyncset.done $0x0  }
0x2c: {  	[sflag:s15] =	ssyncadd.s32 $0xFFFFD580  }
0x2d: {  	s12 =	simm.s32 $0x0;
	[bflag:$0x0] =	sbarrier.arrive $0xFFFF  }
0x2e: {  	s10 =	simm.s32 $0x190;
	s11 =	simm.s32 $0x4E200;
	s7 =	rddreg [dreg:$0x5]  }
0x2f: {  	[tilespmem:s12], [sflag:$0x7] =	stream.strided.gather [hbm4b:s7+s10], $0x320, s11, s10, $0x38;
	[tilespmem:$0x1FD10] =	vst v63  }
0x30: {  	_ =	swait.ge [sflag:s15], $0x320  }
.Ltmp2:
0x31: {  	[sflag:s15] =	ssyncset.done $0x0;
	(pc) =	sbr.rel .LBB2_2-.Ltmp2, $4  }
0x32: {  	s13 =	simm.s32 $0x690;
	[sflag:s15] =	ssyncadd.s32 $0xFFFFFCE0  }
0x33: {  	[tilespmem:s13], [sflag:$0x1] =	stream.indirect.gather [hbm4b:s5+s18], $0x100, s12, s18, $0xb8;
	[tilespmem:$0x1FD10] =	vst v63  }
0x34: {  	s16 =	simm.s32 $0x5690;
	s4 =	simm.s32 $0x0  }
0x35: {  	[tilespmem:s16], [sflag:$0x3] =	stream.indirect.gather [hbm4b:s2+s18], $0x80, s10, s18, $0xb8;
	[tilespmem:$0x1FD10] =	vst v63  }
.LBB2_6:
0x36: {  	[spmem:s3] =	stream.indirect.scatter.add.f32 [tilespmem:s19], [sflag:$0x5], $0x88, s20, s18, $0xb8;
	[tilespmem:$0x1FD10] =	vst v63  }
.LBB2_11:
0x37: {  	s4 =	sadd.s32 $0x1, s4  }
0x38: {  	p0 =	sne.s32 s4, $0xFA  }
.Ltmp3:
0x39: {  	_ = 	snop;
	(pc) =	sbr.rel @!p0 .LBB2_12-.Ltmp3, $1  }
0x3a: {  	_ =	sdelay $0x3  }
.LBB2_2:
0x3b: {  	s7 =	sand.u32 $0x1, s4  }
0x3c: {  	p0 =	seq.s32 s7, $0x1  }
.Ltmp4:
0x3d: {  	_ = 	snop;
	(pc) =	sbr.rel @p0 .LBB2_8-.Ltmp4, $1  }
0x3e: {  	_ =	sdelay $0x3  }
0x3f: {  	s10 =	sor.u32 $0x1, s4  }
0x40: {  	s11 =	sand.u32 $0xFF, s10  }
0x41: {  	s11 =	smul.u32 $0xCD, s11;
	_ =	sdelay $0x1  }
0x42: {  	s12 =	smul.u32 $0xCD, s4;
	s11 =	sshrl.u32 s11, $0xB  }
0x43: {  	s11 =	smul.u32 $0xA, s11  }
0x44: {  	s12 =	sshrl.u32 s12, $0xB  }
0x45: {  	s10 =	ssub.s32 s10, s11;
	s11 =	sand.u32 $0x1, s12  }
0x46: {  	s10 =	sand.u32 $0xFF, s10;
	s13 =	smul.u32 $0xC80, s11  }
0x47: {  	s10 =	smul.u32 $0xA0, s10;
	_ =	sdelay $0x1  }
0x48: {  	s13 =	sshrl.u32 s13, $0x2;
	s10 =	sshrl.u32 s10, $0x2  }
0x49: {  	s12 =	sand.u32 $0x1F, s12;
	s10 =	sadd.s32 s10, s13  }
0x4a: {  	[tilespmem:s0], [sflag:$0x2] =	stream.indirect.gather [hbm4b:s5+s18], $0x100, s10, s18, $0xb8;
	[tilespmem:$0x1FD10] =	vst v63  }
0x4b: {  	s12 =	smul.u32 $0xA, s12;
	s10 =	sadd.s32 $0x190, s10  }
0x4c: {  	[tilespmem:s1], [sflag:$0x4] =	stream.indirect.gather [hbm4b:s2+s18], $0x80, s10, s18, $0xb8;
	[tilespmem:$0x1FD10] =	vst v63  }
0x4d: {  	s16 =	ssub.s32 s4, s12;
	_ =	swait.ge [sflag:s29], $0x2800  }
0x4e: {  	s10 =	sand.u32 $0xFF, s16;
	[sflag:s29] =	ssyncset.done $0x0  }
0x4f: {  	s10 =	smul.u32 $0xA0, s10;
	[sflag:s29] =	ssyncadd.s32 $0xFFFFD800  }
0x50: {  	p0 =	seq.s32 s11, $0x1;
	s11 =	simm.s32 $0x4B0;
	_ =	swait.ge [sflag:s17], $0x1400  }
0x51: {  	s11 =	simm.s32 @!p0 $0x190;
	s10 =	sshrl.u32 s10, $0x2;
	[sflag:s17] =	ssyncset.done $0x0  }
0x52: {  	s10 =	sadd.s32 s10, s11;
	[sflag:s17] =	ssyncadd.s32 $0xFFFFEC00  }
0x53: {  	v1 =	vld [tilespmem:s10+$0x0];
	_ =	sdelay $0x4  }
0x54: {  	[tilespmem:$0x640] =	vst v1  }
0x55: {  	v1 =	vld [tilespmem:s10+$0x10];
	_ =	sdelay $0x4  }
0x56: {  	[tilespmem:$0x650] =	vst v1  }
0x57: {  	v1 =	vld [tilespmem:s10+$0x18];
	_ =	sdelay $0x4  }
0x58: {  	s10 =	simm.s32 $0x56D0;
	[tilespmem:$0x658] =	vst v1  }
0x59: {  	s12 =	simm.s32 $0x710;
	v1 =	vld [tilespmem:s10+$0xFFFFFFC0]  }
0x5a: {  	v2 =	vld [tilespmem:s12+$0xFFFFFF80];
	_ =	sdelay $0x4  }
0x5b: {  	v1 =	vmul.f32 v1, v2;
	_ =	sdelay $0x1  }
0x5c: {  	v2 =	vld [tilespmem:s12+$0xFFFFFF90];
	(xrf2) =	vadd.scan.msk.f32 $0xffff, v1  }
0x5d: {  	v1 =	vld [tilespmem:s10+$0xFFFFFFD0];
	_ =	sdelay $0x4  }
0x5e: {  	v1 =	vmul.f32 v1, v2  }
0x5f: {  	v3 =	vld [tilespmem:s10+$0xFFFFFFE0]  }
0x60: {  	v2 =	vld [tilespmem:s12+$0xFFFFFFA0]  }
0x61: {  	(xrf2) =	vadd.scan.msk.f32 $0xffff, v1  }
0x62: {  	v1, _, _ =	vpop (xrf2)  }
0x63: {  	v1 =	vmax.f32 v1, $-5.000000000e+00  }
0x64: {  	v1 =	vmin.f32 v1, $5.000000000e+00  }
0x65: {  	v2 =	vmul.f32 v3, v2;
	v1 =	vmul.f32 $1.442695020e+00, v1;
	_ =	sdelay $0x1  }
0x66: {  	(xrf2) =	vadd.scan.msk.f32 $0xffff, v2;
	v1 =	vbroadcast v1, $0xF  }
0x67: {  	v3 =	vld [tilespmem:s12+$0xFFFFFFB0]  }
0x68: {  	v2 =	vld [tilespmem:s10+$0xFFFFFFF0];
	(erf) = vpow2.f32 v1;
	_ =	sdelay $0x1  }
0x69: {  	v1, _, _ =	vpop (xrf2)  }
0x6a: {  	v1 =	vmax.f32 v1, $-5.000000000e+00  }
0x6b: {  	v4 =	vld [tilespmem:s12+$0xFFFFFFD0];
	v1 =	vmin.f32 v1, $5.000000000e+00  }
0x6c: {  	v2 =	vmul.f32 v2, v3;
	v3 =	vld [tilespmem:s12+$0x0];
	v1 =	vmul.f32 $1.442695020e+00, v1  }
0x6d: {  	v5 =	vld [tilespmem:s12+$0xFFFFFFC0]  }
0x6e: {  	v6 =	vld [tilespmem:s10+$0x30];
	(xrf2) =	vadd.scan.msk.f32 $0xffff, v2;
	v1 =	vbroadcast v1, $0xF  }
0x6f: {  	v2 =	vld [tilespmem:s10+$0x0];
	v7, _, _ =	vpop (xrf2)  }
0x70: {  	v9 =	vld [tilespmem:s10+$0x20];
	(erf) = vpow2.f32 v1;
	v8 =	vpop (erf)  }
0x71: {  	v10 =	vld [tilespmem:s12+$0xFFFFFFE0];
	v7 =	vmax.f32 v7, $-5.000000000e+00;
	v3 =	vmul.f32 v3, v8  }
0x72: {  	s16 =	simm.s32 $0x7ED0;
	v11 =	vld [tilespmem:s10+$0x10];
	v7 =	vmin.f32 v7, $5.000000000e+00  }
0x73: {  	v1 =	vld [tilespmem:s12+$0xFFFFFFF0];
	[tilespmem:s16+$0xFFFFFFC0] =	vst v3;
	v3 =	vmul.f32 $1.442695020e+00, v7  }
0x74: {  	v2 =	vmul.f32 v2, v5  }
0x75: {  	v48 =	vld [tilespmem:s12+$0x10];
	v3 =	vbroadcast v3, $0xF  }
0x76: {  	(xrf2) =	vadd.scan.msk.f32 $0xffff, v2;
	_ =	sdelay $0x1  }
0x77: {  	v2, _, _ =	vpop (xrf2);
	(erf) = vpow2.f32 v3  }
0x78: {  	v2 =	vmax.f32 v2, $-5.000000000e+00;
	v3 =	vpop (erf)  }
0x79: {  	v2 =	vmin.f32 v2, $5.000000000e+00;
	v5 =	vmul.f32 v48, v3  }
0x7a: {  	v2 =	vmul.f32 $1.442695020e+00, v2  }
0x7b: {  	v4 =	vmul.f32 v11, v4;
	[tilespmem:s16+$0xFFFFFFD0] =	vst v5  }
0x7c: {  	v2 =	vbroadcast v2, $0xF;
	v5 =	vld [tilespmem:s12+$0x20]  }
0x7d: {  	(xrf2) =	vadd.scan.msk.f32 $0xffff, v4;
	_ =	sdelay $0x1  }
0x7e: {  	v49, _, _ =	vpop (xrf2);
	(erf) = vpow2.f32 v2  }
0x7f: {  	v2 =	vpop (erf)  }
0x80: {  	v4 =	vmax.f32 v49, $-5.000000000e+00;
	v5 =	vmul.f32 v5, v2  }
0x81: {  	v4 =	vmin.f32 v4, $5.000000000e+00  }
0x82: {  	v50 =	vmul.f32 v9, v10;
	v4 =	vmul.f32 $1.442695020e+00, v4;
	[tilespmem:s16+$0xFFFFFFE0] =	vst v5  }
0x83: {  	v5 =	vld [tilespmem:s12+$0x30]  }
0x84: {  	(xrf2) =	vadd.scan.msk.f32 $0xffff, v50;
	v4 =	vbroadcast v4, $0xF;
	_ =	sdelay $0x1  }
0x85: {  	v51, _, _ =	vpop (xrf2);
	(erf) = vpow2.f32 v4  }
0x86: {  	v52 =	vpop (erf)  }
0x87: {  	v7 =	vmax.f32 v51, $-5.000000000e+00;
	v5 =	vmul.f32 v5, v52  }
0x88: {  	v7 =	vmin.f32 v7, $5.000000000e+00  }
0x89: {  	v1 =	vmul.f32 v6, v1;
	v53 =	vmul.f32 $1.442695020e+00, v7;
	[tilespmem:s16+$0xFFFFFFF0] =	vst v5  }
0x8a: {  	v54 =	vld [tilespmem:s12+$0x40]  }
0x8b: {  	(xrf2) =	vadd.scan.msk.f32 $0xffff, v1;
	v5 =	vbroadcast v53, $0xF;
	_ =	sdelay $0x1  }
0x8c: {  	v1, _, _ =	vpop (xrf2);
	(erf) = vpow2.f32 v5  }
0x8d: {  	v1 =	vmax.f32 v1, $-5.000000000e+00;
	v55 =	vpop (erf)  }
0x8e: {  	v1 =	vmin.f32 v1, $5.000000000e+00;
	v6 =	vmul.f32 v54, v55  }
0x8f: {  	v1 =	vmul.f32 $1.442695020e+00, v1  }
0x90: {  	[tilespmem:s16+$0x0] =	vst v6  }
0x91: {  	v1 =	vbroadcast v1, $0xF;
	v6 =	vld [tilespmem:s12+$0x50];
	_ =	sdelay $0x2  }
0x92: {  	v56, _, _ =	vpop (xrf2);
	(erf) = vpow2.f32 v1  }
0x93: {  	v1 =	vpop (erf)  }
0x94: {  	v7 =	vmax.f32 v56, $-5.000000000e+00;
	v6 =	vmul.f32 v6, v1  }
0x95: {  	v7 =	vmin.f32 v7, $5.000000000e+00  }
0x96: {  	v57 =	vmul.f32 $1.442695020e+00, v7;
	[tilespmem:s16+$0x10] =	vst v6  }
0x97: {  	v58 =	vld [tilespmem:s12+$0x60]  }
0x98: {  	v6 =	vbroadcast v57, $0xF;
	_ =	sdelay $0x1  }
0x99: {  	(erf) = vpow2.f32 v6  }
0x9a: {  	v59 =	vpop (erf)  }
0x9b: {  	s13 =	simm.s32 $0x0;
	v7 =	vmul.f32 v58, v59  }
0x9c: {  	v60 =	vmov s13  }
0x9d: {  	v61 =	vmul.u32 $0x88, v60;
	[tilespmem:s16+$0x20] =	vst v7  }
0x9e: {  	v8 =	vnsel vm0, $0x0, v8;
	v62 =	vld [tilespmem:s12+$0x70]  }
0x9f: {  	v3 =	vsel vm1, v8, v3;
	v7 =	vbroadcast v61, $0x0  }
0xa0: {  	v2 =	vsel vm2, v3, v2  }
0xa1: {  	v2 =	vsel vm3, v2, v52;
	v3 =	vadd.s32 v0, v7  }
0xa2: {  	v2 =	vsel vm4, v2, v55;
	v63 =	vpop (erf)  }
0xa3: {  	v1 =	vsel vm5, v2, v1;
	v2 =	vmul.f32 v62, v63  }
0xa4: {  	v1 =	vsel vm6, v1, v59  }
0xa5: {  	v1 =	vsel vm7, v1, v63;
	[tilespmem:s16+$0x30] =	vst v2  }
0xa6: {  	s12 =	simm.s32 $0x5750;
	[tilespmem:v3+s19+$0x0] =	vst.idx.msk $0xff, v1  }
0xa7: {  	s10 =	simm.s32 $0x810;
	v1 =	vld [tilespmem:s12+$0xFFFFFFC0]  }
0xa8: {  	v2 =	vld [tilespmem:s10+$0xFFFFFF80]  }
0xa9: {  	s13 =	simm.s32 $0x2;
	s11 =	simm.s32 $0x1  }
.LBB2_4:
0xaa: {  	p0 =	sne.s32 s13, $0x27;
	_ =	sdelay $0x2  }
0xab: {  	v1 =	vmul.f32 v1, v2;
	_ =	sdelay $0x1  }
0xac: {  	v2 =	vld [tilespmem:s10+$0xFFFFFF90];
	(xrf2) =	vadd.scan.msk.f32 $0xffff, v1  }
0xad: {  	v1 =	vld [tilespmem:s12+$0xFFFFFFD0];
	_ =	sdelay $0x4  }
0xae: {  	v1 =	vmul.f32 v1, v2  }
0xaf: {  	v2 =	vld [tilespmem:s10+$0xFFFFFFA0]  }
0xb0: {  	v3 =	vld [tilespmem:s12+$0xFFFFFFE0];
	(xrf2) =	vadd.scan.msk.f32 $0xffff, v1;
	_ =	sdelay $0x1  }
0xb1: {  	v1, _, _ =	vpop (xrf2)  }
0xb2: {  	v1 =	vmax.f32 v1, $-5.000000000e+00  }
0xb3: {  	v1 =	vmin.f32 v1, $5.000000000e+00  }
0xb4: {  	v2 =	vmul.f32 v3, v2;
	v1 =	vmul.f32 $1.442695020e+00, v1;
	_ =	sdelay $0x1  }
0xb5: {  	v3 =	vld [tilespmem:s10+$0xFFFFFFB0];
	v4 =	vbroadcast v1, $0xF;
	(xrf2) =	vadd.scan.msk.f32 $0xffff, v2  }
0xb6: {  	v2 =	vld [tilespmem:s12+$0xFFFFFFF0]  }
0xb7: {  	(erf) = vpow2.f32 v4  }
0xb8: {  	v1, _, _ =	vpop (xrf2)  }
0xb9: {  	v1 =	vmax.f32 v1, $-5.000000000e+00  }
0xba: {  	v1 =	vmin.f32 v1, $5.000000000e+00  }
0xbb: {  	v2 =	vmul.f32 v2, v3;
	v3 =	vld [tilespmem:s10+$0xFFFFFFD0];
	v1 =	vmul.f32 $1.442695020e+00, v1  }
0xbc: {  	v4 =	vld [tilespmem:s10+$0x0]  }
0xbd: {  	v5 =	vld [tilespmem:s10+$0xFFFFFFC0];
	v1 =	vbroadcast v1, $0xF;
	(xrf2) =	vadd.scan.msk.f32 $0xffff, v2  }
0xbe: {  	v2 =	vld [tilespmem:s12+$0x0]  }
0xbf: {  	v6 =	vld [tilespmem:s12+$0x30];
	v7, _, _ =	vpop (xrf2);
	(erf) = vpow2.f32 v1  }
0xc0: {  	v1 =	vld [tilespmem:s10+$0xFFFFFFF0];
	v8 =	vpop (erf)  }
0xc1: {  	v7 =	vmax.f32 v7, $-5.000000000e+00;
	v9 =	vld [tilespmem:s12+$0x20];
	v4 =	vmul.f32 v4, v8;
	v8 =	vnsel vm0, $0x0, v8  }
0xc2: {  	s16 =	sadd.s32 $0x88, s16;
	v7 =	vmin.f32 v7, $5.000000000e+00;
	v10 =	vld [tilespmem:s10+$0xFFFFFFE0]  }
0xc3: {  	v2 =	vmul.f32 v2, v5;
	v5 =	vld [tilespmem:s12+$0x10];
	[tilespmem:s16+$0xFFFFFFC0] =	vst v4;
	v4 =	vmul.f32 $1.442695020e+00, v7  }
0xc4: {  	v7 =	vld [tilespmem:s10+$0x10]  }
0xc5: {  	v1 =	vmul.f32 v6, v1;
	v11 =	vbroadcast v4, $0xF;
	(xrf2) =	vadd.scan.msk.f32 $0xffff, v2;
	_ =	sdelay $0x1  }
0xc6: {  	v2 =	vmul.f32 v9, v10;
	v6, _, _ =	vpop (xrf2);
	(erf) = vpow2.f32 v11  }
0xc7: {  	v3 =	vmul.f32 v5, v3;
	v4 =	vpop (erf)  }
0xc8: {  	v6 =	vmax.f32 v6, $-5.000000000e+00;
	v5 =	vmul.f32 v7, v4  }
0xc9: {  	v6 =	vmin.f32 v6, $5.000000000e+00  }
0xca: {  	[tilespmem:s16+$0xFFFFFFD0] =	vst v5;
	v5 =	vmul.f32 $1.442695020e+00, v6  }
0xcb: {  	v6 =	vld [tilespmem:s10+$0x20]  }
0xcc: {  	v7 =	vbroadcast v5, $0xF;
	(xrf2) =	vadd.scan.msk.f32 $0xffff, v3;
	_ =	sdelay $0x1  }
0xcd: {  	v3, _, _ =	vpop (xrf2);
	(erf) = vpow2.f32 v7  }
0xce: {  	v5 =	vpop (erf)  }
0xcf: {  	v3 =	vmax.f32 v3, $-5.000000000e+00;
	v6 =	vmul.f32 v6, v5  }
0xd0: {  	v3 =	vmin.f32 v3, $5.000000000e+00  }
0xd1: {  	v3 =	vmul.f32 $1.442695020e+00, v3;
	[tilespmem:s16+$0xFFFFFFE0] =	vst v6  }
0xd2: {  	v6 =	vld [tilespmem:s10+$0x30]  }
0xd3: {  	v7 =	vbroadcast v3, $0xF;
	(xrf2) =	vadd.scan.msk.f32 $0xffff, v2;
	_ =	sdelay $0x1  }
0xd4: {  	v2, _, _ =	vpop (xrf2);
	(erf) = vpow2.f32 v7  }
0xd5: {  	v3 =	vpop (erf)  }
0xd6: {  	v2 =	vmax.f32 v2, $-5.000000000e+00;
	v6 =	vmul.f32 v6, v3  }
0xd7: {  	v2 =	vmin.f32 v2, $5.000000000e+00  }
0xd8: {  	v2 =	vmul.f32 $1.442695020e+00, v2;
	[tilespmem:s16+$0xFFFFFFF0] =	vst v6  }
0xd9: {  	v6 =	vld [tilespmem:s10+$0x40]  }
0xda: {  	v7 =	vbroadcast v2, $0xF;
	(xrf2) =	vadd.scan.msk.f32 $0xffff, v1;
	_ =	sdelay $0x1  }
0xdb: {  	v1, _, _ =	vpop (xrf2);
	(erf) = vpow2.f32 v7  }
0xdc: {  	v2 =	vpop (erf)  }
0xdd: {  	v1 =	vmax.f32 v1, $-5.000000000e+00;
	v6 =	vmul.f32 v6, v2  }
0xde: {  	v1 =	vmin.f32 v1, $5.000000000e+00  }
0xdf: {  	v1 =	vmul.f32 $1.442695020e+00, v1;
	[tilespmem:s16+$0x0] =	vst v6  }
0xe0: {  	v6 =	vld [tilespmem:s10+$0x50]  }
0xe1: {  	v9 =	vbroadcast v1, $0xF;
	_ =	sdelay $0x1  }
0xe2: {  	v7, _, _ =	vpop (xrf2);
	(erf) = vpow2.f32 v9  }
0xe3: {  	v1 =	vpop (erf)  }
0xe4: {  	v7 =	vmax.f32 v7, $-5.000000000e+00;
	v6 =	vmul.f32 v6, v1  }
0xe5: {  	v7 =	vmin.f32 v7, $5.000000000e+00  }
0xe6: {  	[tilespmem:s16+$0x10] =	vst v6;
	v6 =	vmul.f32 $1.442695020e+00, v7  }
0xe7: {  	v7 =	vld [tilespmem:s10+$0x60]  }
0xe8: {  	v9 =	vbroadcast v6, $0xF;
	_ =	sdelay $0x1  }
0xe9: {  	(erf) = vpow2.f32 v9  }
0xea: {  	v6 =	vpop (erf)  }
0xeb: {  	v7 =	vmul.f32 v7, v6  }
0xec: {  	v9 =	vmov s11;
	s11 =	smov.u32 s13  }
0xed: {  	[tilespmem:s16+$0x20] =	vst v7;
	v7 =	vmul.u32 $0x88, v9  }
0xee: {  	v9 =	vld [tilespmem:s10+$0x70]  }
0xef: {  	v4 =	vsel vm1, v8, v4;
	v7 =	vbroadcast v7, $0x0  }
0xf0: {  	v4 =	vsel vm2, v4, v5  }
0xf1: {  	v5 =	vsel vm3, v4, v3;
	v4 =	vadd.s32 v0, v7  }
0xf2: {  	v2 =	vsel vm4, v5, v2;
	v3 =	vpop (erf)  }
0xf3: {  	v1 =	vsel vm5, v2, v1;
	v2 =	vmul.f32 v9, v3  }
0xf4: {  	v1 =	vsel vm6, v1, v6  }
.Ltmp5:
0xf5: {  	v1 =	vsel vm7, v1, v3;
	[tilespmem:s16+$0x30] =	vst v2;
	(pc) =	sbr.rel @p0 .LBB2_4-.Ltmp5, $4  }
0xf6: {  	s12 =	sadd.s32 $0x80, s12;
	[tilespmem:v4+s19+$0x0] =	vst.idx.msk $0xff, v1  }
0xf7: {  	s10 =	sadd.s32 $0x100, s10;
	v1 =	vld [tilespmem:s12+$0xFFFFFFC0]  }
0xf8: {  	v2 =	vld [tilespmem:s10+$0xFFFFFF80]  }
0xf9: {  	s13 =	sadd.s32 $0x1, s13  }
0xfa: {  	_ =	sdelay $0x2  }
0xfb: {  	v1 =	vmul.f32 v1, v2;
	_ =	sdelay $0x1  }
0xfc: {  	v2 =	vld [tilespmem:s10+$0xFFFFFF90];
	(xrf2) =	vadd.scan.msk.f32 $0xffff, v1  }
0xfd: {  	v1 =	vld [tilespmem:s12+$0xFFFFFFD0];
	_ =	sdelay $0x4  }
0xfe: {  	v1 =	vmul.f32 v1, v2  }
0xff: {  	v3 =	vld [tilespmem:s12+$0xFFFFFFE0]  }
0x100: {  	v2 =	vld [tilespmem:s10+$0xFFFFFFA0]  }
0x101: {  	(xrf2) =	vadd.scan.msk.f32 $0xffff, v1  }
0x102: {  	v1, _, _ =	vpop (xrf2)  }
0x103: {  	v1 =	vmax.f32 v1, $-5.000000000e+00  }
0x104: {  	v1 =	vmin.f32 v1, $5.000000000e+00  }
0x105: {  	v2 =	vmul.f32 v3, v2;
	v1 =	vmul.f32 $1.442695020e+00, v1;
	_ =	sdelay $0x1  }
0x106: {  	(xrf2) =	vadd.scan.msk.f32 $0xffff, v2;
	v1 =	vbroadcast v1, $0xF  }
0x107: {  	v3 =	vld [tilespmem:s10+$0xFFFFFFB0]  }
0x108: {  	v2 =	vld [tilespmem:s12+$0xFFFFFFF0];
	(erf) = vpow2.f32 v1;
	_ =	sdelay $0x1  }
0x109: {  	v1, _, _ =	vpop (xrf2)  }
0x10a: {  	v1 =	vmax.f32 v1, $-5.000000000e+00  }
0x10b: {  	v4 =	vld [tilespmem:s10+$0xFFFFFFD0];
	v1 =	vmin.f32 v1, $5.000000000e+00  }
0x10c: {  	v2 =	vmul.f32 v2, v3;
	v3 =	vld [tilespmem:s10+$0x0];
	v1 =	vmul.f32 $1.442695020e+00, v1  }
0x10d: {  	v5 =	vld [tilespmem:s10+$0xFFFFFFC0]  }
0x10e: {  	v6 =	vld [tilespmem:s12+$0x30];
	(xrf2) =	vadd.scan.msk.f32 $0xffff, v2;
	v1 =	vbroadcast v1, $0xF  }
0x10f: {  	v2 =	vld [tilespmem:s12+$0x0];
	v7, _, _ =	vpop (xrf2)  }
0x110: {  	v9 =	vld [tilespmem:s12+$0x20];
	(erf) = vpow2.f32 v1;
	v8 =	vpop (erf)  }
0x111: {  	v10 =	vld [tilespmem:s10+$0xFFFFFFE0];
	v7 =	vmax.f32 v7, $-5.000000000e+00;
	v3 =	vmul.f32 v3, v8  }
0x112: {  	s13 =	sadd.s32 $0x88, s16;
	v11 =	vld [tilespmem:s12+$0x10];
	v7 =	vmin.f32 v7, $5.000000000e+00  }
0x113: {  	v1 =	vld [tilespmem:s10+$0xFFFFFFF0];
	[tilespmem:s13+$0xFFFFFFC0] =	vst v3;
	v3 =	vmul.f32 $1.442695020e+00, v7  }
0x114: {  	v2 =	vmul.f32 v2, v5  }
0x115: {  	v48 =	vld [tilespmem:s10+$0x10];
	v3 =	vbroadcast v3, $0xF  }
0x116: {  	(xrf2) =	vadd.scan.msk.f32 $0xffff, v2;
	_ =	sdelay $0x1  }
0x117: {  	v2, _, _ =	vpop (xrf2);
	(erf) = vpow2.f32 v3  }
0x118: {  	v2 =	vmax.f32 v2, $-5.000000000e+00;
	v3 =	vpop (erf)  }
0x119: {  	v2 =	vmin.f32 v2, $5.000000000e+00;
	v5 =	vmul.f32 v48, v3  }
0x11a: {  	v2 =	vmul.f32 $1.442695020e+00, v2  }
0x11b: {  	v4 =	vmul.f32 v11, v4;
	[tilespmem:s13+$0xFFFFFFD0] =	vst v5  }
0x11c: {  	v2 =	vbroadcast v2, $0xF;
	v5 =	vld [tilespmem:s10+$0x20]  }
0x11d: {  	(xrf2) =	vadd.scan.msk.f32 $0xffff, v4;
	_ =	sdelay $0x1  }
0x11e: {  	v49, _, _ =	vpop (xrf2);
	(erf) = vpow2.f32 v2  }
0x11f: {  	v2 =	vpop (erf)  }
0x120: {  	v4 =	vmax.f32 v49, $-5.000000000e+00;
	v5 =	vmul.f32 v5, v2  }
0x121: {  	v4 =	vmin.f32 v4, $5.000000000e+00  }
0x122: {  	v50 =	vmul.f32 v9, v10;
	v4 =	vmul.f32 $1.442695020e+00, v4;
	[tilespmem:s13+$0xFFFFFFE0] =	vst v5  }
0x123: {  	v5 =	vld [tilespmem:s10+$0x30]  }
0x124: {  	(xrf2) =	vadd.scan.msk.f32 $0xffff, v50;
	v4 =	vbroadcast v4, $0xF;
	_ =	sdelay $0x1  }
0x125: {  	v51, _, _ =	vpop (xrf2);
	(erf) = vpow2.f32 v4  }
0x126: {  	v52 =	vpop (erf)  }
0x127: {  	v7 =	vmax.f32 v51, $-5.000000000e+00;
	v5 =	vmul.f32 v5, v52  }
0x128: {  	v7 =	vmin.f32 v7, $5.000000000e+00  }
0x129: {  	v1 =	vmul.f32 v6, v1;
	v53 =	vmul.f32 $1.442695020e+00, v7;
	[tilespmem:s13+$0xFFFFFFF0] =	vst v5  }
0x12a: {  	v54 =	vld [tilespmem:s10+$0x40]  }
0x12b: {  	(xrf2) =	vadd.scan.msk.f32 $0xffff, v1;
	v5 =	vbroadcast v53, $0xF;
	_ =	sdelay $0x1  }
0x12c: {  	v1, _, _ =	vpop (xrf2);
	(erf) = vpow2.f32 v5  }
0x12d: {  	v1 =	vmax.f32 v1, $-5.000000000e+00;
	v55 =	vpop (erf)  }
0x12e: {  	v1 =	vmin.f32 v1, $5.000000000e+00;
	v6 =	vmul.f32 v54, v55  }
0x12f: {  	v1 =	vmul.f32 $1.442695020e+00, v1  }
0x130: {  	[tilespmem:s13+$0x0] =	vst v6  }
0x131: {  	v1 =	vbroadcast v1, $0xF;
	v6 =	vld [tilespmem:s10+$0x50];
	_ =	sdelay $0x2  }
0x132: {  	v56, _, _ =	vpop (xrf2);
	(erf) = vpow2.f32 v1  }
0x133: {  	v1 =	vpop (erf)  }
0x134: {  	v7 =	vmax.f32 v56, $-5.000000000e+00;
	v6 =	vmul.f32 v6, v1  }
0x135: {  	v7 =	vmin.f32 v7, $5.000000000e+00  }
0x136: {  	v57 =	vmul.f32 $1.442695020e+00, v7;
	[tilespmem:s13+$0x10] =	vst v6  }
0x137: {  	v58 =	vld [tilespmem:s10+$0x60]  }
0x138: {  	v6 =	vbroadcast v57, $0xF;
	_ =	sdelay $0x1  }
0x139: {  	(erf) = vpow2.f32 v6  }
0x13a: {  	v59 =	vpop (erf)  }
0x13b: {  	v7 =	vmul.f32 v58, v59  }
0x13c: {  	v60 =	vmov s11  }
0x13d: {  	v61 =	vmul.u32 $0x88, v60;
	[tilespmem:s13+$0x20] =	vst v7  }
0x13e: {  	v8 =	vnsel vm0, $0x0, v8;
	v62 =	vld [tilespmem:s10+$0x70]  }
0x13f: {  	v3 =	vsel vm1, v8, v3;
	v7 =	vbroadcast v61, $0x0  }
0x140: {  	v2 =	vsel vm2, v3, v2  }
0x141: {  	p0 =	sne.s32 s4, $0x0;
	v2 =	vsel vm3, v2, v52;
	v3 =	vadd.s32 v0, v7  }
.Ltmp6:
0x142: {  	v2 =	vsel vm4, v2, v55;
	v63 =	vpop (erf);
	(pc) =	sbr.rel @!p0 .LBB2_6-.Ltmp6, $4  }
0x143: {  	v1 =	vsel vm5, v2, v1;
	v2 =	vmul.f32 v62, v63  }
0x144: {  	v1 =	vsel vm6, v1, v59  }
0x145: {  	v1 =	vsel vm7, v1, v63;
	[tilespmem:s13+$0x30] =	vst v2  }
0x146: {  	[tilespmem:v3+s19+$0x0] =	vst.idx.msk $0xff, v1  }
0x147: {  	p0 =	seq.s32 s7, $0x0  }
.Ltmp7:
0x148: {  	_ = 	snop;
	(pc) =	sbr.rel @p0 .LBB2_11-.Ltmp7, $4  }
0x149: {  	_ =	swait.ge [sflag:s28], $0x1540  }
0x14a: {  	[sflag:s28] =	ssyncset.done $0x0  }
0x14b: {  	[sflag:s28] =	ssyncadd.s32 $0xFFFFEAC0  }
0x14c: {  	[spmem:s3] =	stream.indirect.scatter.add.f32 [tilespmem:s19], [sflag:$0x5], $0x88, s20, s18, $0xb8;
	[tilespmem:$0x1FD10] =	vst v63  }
.LBB2_8:
0x14d: {  	p0 =	seq.s32 s4, $0xF9  }
0x14e: {  	s7 =	sadd.s32 @!p0 $0x1, s4  }
0x14f: {  	s10 =	smulhi.u32 @!p0 $0xCCCCCCCD, s7;
	_ =	sdelay $0x1  }
0x150: {  	s10 =	sshrl.u32 @!p0 s10, $0x3  }
0x151: {  	s11 =	smul.u32 @!p0 $0xA, s10;
	_ =	sdelay $0x1  }
0x152: {  	s7 =	ssub.s32 @!p0 s7, s11  }
0x153: {  	p1 =	sne.s32 @!p0 s7, $0x0  }
0x154: {  	p1 =	por p1, p0  }
0x155: {  	s11 =	sand.u32 @!p0 $0x1, s10;
	s10 =	smul.u32 @!p1 $0x190, s10  }
0x156: {  	p2 =	seq.s32 @!p0 s11, $0x1  }
0x157: {  	s11 =	simm.s32 @!p0 $0xC80;
	p2 =	por !p2, p0;
	s10 =	sadd.s32 @!p1 s8, s10  }
0x158: {  	s11 =	simm.s32 @p2 $0x0;
	s13 =	simm.s32 @!p1 $0x190;
	s10 =	sshrl.u32 @!p1 s10, $0x3  }
0x159: {  	s16 =	simm.s32 @!p1 $0x4E200;
	s12 =	sshrl.u32 @!p1 s11, $0x2;
	s10 =	sadd.s32 @!p1 s6, s10  }
0x15a: {  	[tilespmem:s12], [sflag:$0x7] =	stream.strided.gather @!p1 [hbm4b:s10+s13], $0x320, s16, s13, $0x38;
	[tilespmem:$0x1FD10] =	vst v63  }
0x15b: {  	s7 =	smul.u32 @!p0 $0xA0, s7;
	s10 =	simm.s32 @!p1 $0x7  }
0x15c: {  	_ =	swait.ge @!p1 [sflag:s10], $0x320  }
0x15d: {  	s7 =	sshra.s32 @!p0 s7, $0x2;
	[sflag:s10] =	ssyncset.done @!p1 $0x0  }
0x15e: {  	s13 =	smulhi.u32 $0xCCCCCCCD, s4;
	[sflag:s10] =	ssyncadd.s32 @!p1 $0xFFFFFCE0;
	s10 =	sshrl.u32 @!p0 s11, $0x2  }
0x15f: {  	s11 =	simm.s32 @!p0 $0x690;
	s7 =	sadd.s32 @!p0 s7, s10;
	s10 =	simm.s32 @!p0 $0x28  }
0x160: {  	[tilespmem:s11], [sflag:$0x1] =	stream.indirect.gather @!p0 [hbm4b:s5+s10], $0x100, s7, s10, $0xb8;
	[tilespmem:$0x1FD10] =	vst v63  }
0x161: {  	s16 =	sshrl.u32 s13, $0x3;
	s7 =	sadd.s32 @!p0 $0x190, s7;
	s11 =	simm.s32 @!p0 $0x5690  }
0x162: {  	[tilespmem:s11], [sflag:$0x3] =	stream.indirect.gather @!p0 [hbm4b:s2+s10], $0x80, s7, s10, $0xb8;
	[tilespmem:$0x1FD10] =	vst v63  }
0x163: {  	s11 =	smul.u32 $0xA, s16  }
0x164: {  	_ =	swait.ge [sflag:s21], $0x2800  }
0x165: {  	s10 =	ssub.s32 s4, s11;
	[sflag:s21] =	ssyncset.done $0x0  }
0x166: {  	s7 =	sand.u32 $0x1, s16;
	[sflag:s21] =	ssyncadd.s32 $0xFFFFD800;
	s10 =	smul.u32 $0xA0, s10  }
0x167: {  	p0 =	seq.s32 s7, $0x1;
	s7 =	simm.s32 $0x4B0;
	_ =	swait.ge [sflag:s22], $0x1400  }
0x168: {  	s7 =	simm.s32 @!p0 $0x190;
	[sflag:s22] =	ssyncset.done $0x0;
	s10 =	sshrl.u32 s10, $0x2  }
0x169: {  	[sflag:s22] =	ssyncadd.s32 $0xFFFFEC00;
	s7 =	sadd.s32 s10, s7  }
0x16a: {  	v1 =	vld [tilespmem:s7+$0x0];
	_ =	sdelay $0x4  }
0x16b: {  	[tilespmem:$0x668] =	vst v1  }
0x16c: {  	v1 =	vld [tilespmem:s7+$0x10];
	_ =	sdelay $0x4  }
0x16d: {  	[tilespmem:$0x678] =	vst v1  }
0x16e: {  	v1 =	vld [tilespmem:s7+$0x18];
	_ =	sdelay $0x4  }
0x16f: {  	s12 =	simm.s32 $0x6B00;
	[tilespmem:$0x680] =	vst v1  }
0x170: {  	s13 =	simm.s32 $0x2F80;
	v1 =	vld [tilespmem:s12+$0xFFFFFF90]  }
0x171: {  	v2 =	vld [tilespmem:s13+$0xFFFFFF10];
	_ =	sdelay $0x4  }
0x172: {  	v1 =	vmul.f32 v1, v2;
	_ =	sdelay $0x1  }
0x173: {  	v2 =	vld [tilespmem:s13+$0xFFFFFF20];
	(xrf2) =	vadd.scan.msk.f32 $0xffff, v1  }
0x174: {  	v1 =	vld [tilespmem:s12+$0xFFFFFFA0];
	_ =	sdelay $0x4  }
0x175: {  	v1 =	vmul.f32 v1, v2  }
0x176: {  	v3 =	vld [tilespmem:s12+$0xFFFFFFB0]  }
0x177: {  	v2 =	vld [tilespmem:s13+$0xFFFFFF30]  }
0x178: {  	(xrf2) =	vadd.scan.msk.f32 $0xffff, v1  }
0x179: {  	v1, _, _ =	vpop (xrf2)  }
0x17a: {  	v1 =	vmax.f32 v1, $-5.000000000e+00  }
0x17b: {  	v1 =	vmin.f32 v1, $5.000000000e+00  }
0x17c: {  	v2 =	vmul.f32 v3, v2;
	v1 =	vmul.f32 $1.442695020e+00, v1;
	_ =	sdelay $0x1  }
0x17d: {  	(xrf2) =	vadd.scan.msk.f32 $0xffff, v2;
	v1 =	vbroadcast v1, $0xF  }
0x17e: {  	v3 =	vld [tilespmem:s13+$0xFFFFFF40]  }
0x17f: {  	v2 =	vld [tilespmem:s12+$0xFFFFFFC0];
	(erf) = vpow2.f32 v1;
	_ =	sdelay $0x1  }
0x180: {  	v1, _, _ =	vpop (xrf2)  }
0x181: {  	v1 =	vmax.f32 v1, $-5.000000000e+00  }
0x182: {  	v4 =	vld [tilespmem:s13+$0xFFFFFF60];
	v1 =	vmin.f32 v1, $5.000000000e+00  }
0x183: {  	v2 =	vmul.f32 v2, v3;
	v3 =	vld [tilespmem:s13+$0xFFFFFF90];
	v1 =	vmul.f32 $1.442695020e+00, v1  }
0x184: {  	v5 =	vld [tilespmem:s13+$0xFFFFFF50]  }
0x185: {  	v6 =	vld [tilespmem:s12+$0x0];
	(xrf2) =	vadd.scan.msk.f32 $0xffff, v2;
	v1 =	vbroadcast v1, $0xF  }
0x186: {  	v2 =	vld [tilespmem:s12+$0xFFFFFFD0];
	v7, _, _ =	vpop (xrf2)  }
0x187: {  	v9 =	vld [tilespmem:s12+$0xFFFFFFF0];
	(erf) = vpow2.f32 v1;
	v8 =	vpop (erf)  }
0x188: {  	v10 =	vld [tilespmem:s13+$0xFFFFFF70];
	v7 =	vmax.f32 v7, $-5.000000000e+00;
	v3 =	vmul.f32 v3, v8  }
0x189: {  	s7 =	simm.s32 $0x9440;
	v11 =	vld [tilespmem:s12+$0xFFFFFFE0];
	v7 =	vmin.f32 v7, $5.000000000e+00  }
0x18a: {  	v1 =	vld [tilespmem:s13+$0xFFFFFF80];
	[tilespmem:s7+$0xFFFFFF90] =	vst v3;
	v3 =	vmul.f32 $1.442695020e+00, v7  }
0x18b: {  	v2 =	vmul.f32 v2, v5  }
0x18c: {  	v48 =	vld [tilespmem:s13+$0xFFFFFFA0];
	v3 =	vbroadcast v3, $0xF  }
0x18d: {  	(xrf2) =	vadd.scan.msk.f32 $0xffff, v2;
	_ =	sdelay $0x1  }
0x18e: {  	v2, _, _ =	vpop (xrf2);
	(erf) = vpow2.f32 v3  }
0x18f: {  	v2 =	vmax.f32 v2, $-5.000000000e+00;
	v3 =	vpop (erf)  }
0x190: {  	v2 =	vmin.f32 v2, $5.000000000e+00;
	v5 =	vmul.f32 v48, v3  }
0x191: {  	v2 =	vmul.f32 $1.442695020e+00, v2  }
0x192: {  	v4 =	vmul.f32 v11, v4;
	[tilespmem:s7+$0xFFFFFFA0] =	vst v5  }
0x193: {  	v2 =	vbroadcast v2, $0xF;
	v5 =	vld [tilespmem:s13+$0xFFFFFFB0]  }
0x194: {  	(xrf2) =	vadd.scan.msk.f32 $0xffff, v4;
	_ =	sdelay $0x1  }
0x195: {  	v49, _, _ =	vpop (xrf2);
	(erf) = vpow2.f32 v2  }
0x196: {  	v2 =	vpop (erf)  }
0x197: {  	v4 =	vmax.f32 v49, $-5.000000000e+00;
	v5 =	vmul.f32 v5, v2  }
0x198: {  	v4 =	vmin.f32 v4, $5.000000000e+00  }
0x199: {  	v50 =	vmul.f32 v9, v10;
	v4 =	vmul.f32 $1.442695020e+00, v4;
	[tilespmem:s7+$0xFFFFFFB0] =	vst v5  }
0x19a: {  	v5 =	vld [tilespmem:s13+$0xFFFFFFC0]  }
0x19b: {  	(xrf2) =	vadd.scan.msk.f32 $0xffff, v50;
	v4 =	vbroadcast v4, $0xF;
	_ =	sdelay $0x1  }
0x19c: {  	v51, _, _ =	vpop (xrf2);
	(erf) = vpow2.f32 v4  }
0x19d: {  	v52 =	vpop (erf)  }
0x19e: {  	v7 =	vmax.f32 v51, $-5.000000000e+00;
	v5 =	vmul.f32 v5, v52  }
0x19f: {  	v7 =	vmin.f32 v7, $5.000000000e+00  }
0x1a0: {  	v1 =	vmul.f32 v6, v1;
	v53 =	vmul.f32 $1.442695020e+00, v7;
	[tilespmem:s7+$0xFFFFFFC0] =	vst v5  }
0x1a1: {  	v54 =	vld [tilespmem:s13+$0xFFFFFFD0]  }
0x1a2: {  	(xrf2) =	vadd.scan.msk.f32 $0xffff, v1;
	v5 =	vbroadcast v53, $0xF;
	_ =	sdelay $0x1  }
0x1a3: {  	v1, _, _ =	vpop (xrf2);
	(erf) = vpow2.f32 v5  }
0x1a4: {  	v1 =	vmax.f32 v1, $-5.000000000e+00;
	v55 =	vpop (erf)  }
0x1a5: {  	v1 =	vmin.f32 v1, $5.000000000e+00;
	v6 =	vmul.f32 v54, v55  }
0x1a6: {  	v1 =	vmul.f32 $1.442695020e+00, v1  }
0x1a7: {  	[tilespmem:s7+$0xFFFFFFD0] =	vst v6  }
0x1a8: {  	v1 =	vbroadcast v1, $0xF;
	v6 =	vld [tilespmem:s13+$0xFFFFFFE0];
	_ =	sdelay $0x2  }
0x1a9: {  	v56, _, _ =	vpop (xrf2);
	(erf) = vpow2.f32 v1  }
0x1aa: {  	v1 =	vpop (erf)  }
0x1ab: {  	v7 =	vmax.f32 v56, $-5.000000000e+00;
	v6 =	vmul.f32 v6, v1  }
0x1ac: {  	v7 =	vmin.f32 v7, $5.000000000e+00  }
0x1ad: {  	v57 =	vmul.f32 $1.442695020e+00, v7;
	[tilespmem:s7+$0xFFFFFFE0] =	vst v6  }
0x1ae: {  	v58 =	vld [tilespmem:s13+$0xFFFFFFF0]  }
0x1af: {  	v6 =	vbroadcast v57, $0xF;
	_ =	sdelay $0x1  }
0x1b0: {  	(erf) = vpow2.f32 v6  }
0x1b1: {  	v59 =	vpop (erf)  }
0x1b2: {  	s16 =	simm.s32 $0x0;
	v7 =	vmul.f32 v58, v59  }
0x1b3: {  	v60 =	vmov s16  }
0x1b4: {  	v61 =	vmul.u32 $0x88, v60;
	[tilespmem:s7+$0xFFFFFFF0] =	vst v7  }
0x1b5: {  	v8 =	vnsel vm0, $0x0, v8;
	v62 =	vld [tilespmem:s13+$0x0]  }
0x1b6: {  	v3 =	vsel vm1, v8, v3;
	v7 =	vbroadcast v61, $0x0  }
0x1b7: {  	v2 =	vsel vm2, v3, v2  }
0x1b8: {  	v2 =	vsel vm3, v2, v52;
	v3 =	vadd.s32 v0, v7  }
0x1b9: {  	v2 =	vsel vm4, v2, v55;
	v63 =	vpop (erf)  }
0x1ba: {  	v1 =	vsel vm5, v2, v1;
	v2 =	vmul.f32 v62, v63  }
0x1bb: {  	v1 =	vsel vm6, v1, v59  }
0x1bc: {  	v1 =	vsel vm7, v1, v63;
	[tilespmem:s7+$0x0] =	vst v2  }
0x1bd: {  	s12 =	simm.s32 $0x6B80;
	[tilespmem:v3+s23+$0x0] =	vst.idx.msk $0xff, v1  }
0x1be: {  	s10 =	simm.s32 $0x3080;
	v1 =	vld [tilespmem:s12+$0xFFFFFF90]  }
0x1bf: {  	v2 =	vld [tilespmem:s10+$0xFFFFFF10]  }
0x1c0: {  	s11 =	simm.s32 $0x1;
	s13 =	simm.s32 $0x2  }
.LBB2_9:
0x1c1: {  	p0 =	sne.s32 s13, $0x27;
	_ =	sdelay $0x2  }
0x1c2: {  	v1 =	vmul.f32 v1, v2;
	_ =	sdelay $0x1  }
0x1c3: {  	v2 =	vld [tilespmem:s10+$0xFFFFFF20];
	(xrf2) =	vadd.scan.msk.f32 $0xffff, v1  }
0x1c4: {  	v1 =	vld [tilespmem:s12+$0xFFFFFFA0];
	_ =	sdelay $0x4  }
0x1c5: {  	v1 =	vmul.f32 v1, v2  }
0x1c6: {  	v2 =	vld [tilespmem:s10+$0xFFFFFF30]  }
0x1c7: {  	v3 =	vld [tilespmem:s12+$0xFFFFFFB0];
	(xrf2) =	vadd.scan.msk.f32 $0xffff, v1;
	_ =	sdelay $0x1  }
0x1c8: {  	v1, _, _ =	vpop (xrf2)  }
0x1c9: {  	v1 =	vmax.f32 v1, $-5.000000000e+00  }
0x1ca: {  	v1 =	vmin.f32 v1, $5.000000000e+00  }
0x1cb: {  	v2 =	vmul.f32 v3, v2;
	v1 =	vmul.f32 $1.442695020e+00, v1;
	_ =	sdelay $0x1  }
0x1cc: {  	v3 =	vld [tilespmem:s10+$0xFFFFFF40];
	v4 =	vbroadcast v1, $0xF;
	(xrf2) =	vadd.scan.msk.f32 $0xffff, v2  }
0x1cd: {  	v2 =	vld [tilespmem:s12+$0xFFFFFFC0]  }
0x1ce: {  	(erf) = vpow2.f32 v4  }
0x1cf: {  	v1, _, _ =	vpop (xrf2)  }
0x1d0: {  	v1 =	vmax.f32 v1, $-5.000000000e+00  }
0x1d1: {  	v1 =	vmin.f32 v1, $5.000000000e+00  }
0x1d2: {  	v2 =	vmul.f32 v2, v3;
	v3 =	vld [tilespmem:s10+$0xFFFFFF60];
	v1 =	vmul.f32 $1.442695020e+00, v1  }
0x1d3: {  	v4 =	vld [tilespmem:s10+$0xFFFFFF90]  }
0x1d4: {  	v5 =	vld [tilespmem:s10+$0xFFFFFF50];
	v1 =	vbroadcast v1, $0xF;
	(xrf2) =	vadd.scan.msk.f32 $0xffff, v2  }
0x1d5: {  	v2 =	vld [tilespmem:s12+$0xFFFFFFD0]  }
0x1d6: {  	v6 =	vld [tilespmem:s12+$0x0];
	v7, _, _ =	vpop (xrf2);
	(erf) = vpow2.f32 v1  }
0x1d7: {  	v1 =	vld [tilespmem:s10+$0xFFFFFF80];
	v8 =	vpop (erf)  }
0x1d8: {  	v7 =	vmax.f32 v7, $-5.000000000e+00;
	v9 =	vld [tilespmem:s12+$0xFFFFFFF0];
	v4 =	vmul.f32 v4, v8;
	v8 =	vnsel vm0, $0x0, v8  }
0x1d9: {  	s7 =	sadd.s32 $0x88, s7;
	v7 =	vmin.f32 v7, $5.000000000e+00;
	v10 =	vld [tilespmem:s10+$0xFFFFFF70]  }
0x1da: {  	v2 =	vmul.f32 v2, v5;
	v5 =	vld [tilespmem:s12+$0xFFFFFFE0];
	[tilespmem:s7+$0xFFFFFF90] =	vst v4;
	v4 =	vmul.f32 $1.442695020e+00, v7  }
0x1db: {  	v7 =	vld [tilespmem:s10+$0xFFFFFFA0]  }
0x1dc: {  	v1 =	vmul.f32 v6, v1;
	v11 =	vbroadcast v4, $0xF;
	(xrf2) =	vadd.scan.msk.f32 $0xffff, v2;
	_ =	sdelay $0x1  }
0x1dd: {  	v2 =	vmul.f32 v9, v10;
	v6, _, _ =	vpop (xrf2);
	(erf) = vpow2.f32 v11  }
0x1de: {  	v3 =	vmul.f32 v5, v3;
	v4 =	vpop (erf)  }
0x1df: {  	v6 =	vmax.f32 v6, $-5.000000000e+00;
	v5 =	vmul.f32 v7, v4  }
0x1e0: {  	v6 =	vmin.f32 v6, $5.000000000e+00  }
0x1e1: {  	[tilespmem:s7+$0xFFFFFFA0] =	vst v5;
	v5 =	vmul.f32 $1.442695020e+00, v6  }
0x1e2: {  	v6 =	vld [tilespmem:s10+$0xFFFFFFB0]  }
0x1e3: {  	v7 =	vbroadcast v5, $0xF;
	(xrf2) =	vadd.scan.msk.f32 $0xffff, v3;
	_ =	sdelay $0x1  }
0x1e4: {  	v3, _, _ =	vpop (xrf2);
	(erf) = vpow2.f32 v7  }
0x1e5: {  	v5 =	vpop (erf)  }
0x1e6: {  	v3 =	vmax.f32 v3, $-5.000000000e+00;
	v6 =	vmul.f32 v6, v5  }
0x1e7: {  	v3 =	vmin.f32 v3, $5.000000000e+00  }
0x1e8: {  	v3 =	vmul.f32 $1.442695020e+00, v3;
	[tilespmem:s7+$0xFFFFFFB0] =	vst v6  }
0x1e9: {  	v6 =	vld [tilespmem:s10+$0xFFFFFFC0]  }
0x1ea: {  	v7 =	vbroadcast v3, $0xF;
	(xrf2) =	vadd.scan.msk.f32 $0xffff, v2;
	_ =	sdelay $0x1  }
0x1eb: {  	v2, _, _ =	vpop (xrf2);
	(erf) = vpow2.f32 v7  }
0x1ec: {  	v3 =	vpop (erf)  }
0x1ed: {  	v2 =	vmax.f32 v2, $-5.000000000e+00;
	v6 =	vmul.f32 v6, v3  }
0x1ee: {  	v2 =	vmin.f32 v2, $5.000000000e+00  }
0x1ef: {  	v2 =	vmul.f32 $1.442695020e+00, v2;
	[tilespmem:s7+$0xFFFFFFC0] =	vst v6  }
0x1f0: {  	v6 =	vld [tilespmem:s10+$0xFFFFFFD0]  }
0x1f1: {  	v7 =	vbroadcast v2, $0xF;
	(xrf2) =	vadd.scan.msk.f32 $0xffff, v1;
	_ =	sdelay $0x1  }
0x1f2: {  	v1, _, _ =	vpop (xrf2);
	(erf) = vpow2.f32 v7  }
0x1f3: {  	v2 =	vpop (erf)  }
0x1f4: {  	v1 =	vmax.f32 v1, $-5.000000000e+00;
	v6 =	vmul.f32 v6, v2  }
0x1f5: {  	v1 =	vmin.f32 v1, $5.000000000e+00  }
0x1f6: {  	v1 =	vmul.f32 $1.442695020e+00, v1;
	[tilespmem:s7+$0xFFFFFFD0] =	vst v6  }
0x1f7: {  	v6 =	vld [tilespmem:s10+$0xFFFFFFE0]  }
0x1f8: {  	v9 =	vbroadcast v1, $0xF;
	_ =	sdelay $0x1  }
0x1f9: {  	v7, _, _ =	vpop (xrf2);
	(erf) = vpow2.f32 v9  }
0x1fa: {  	v1 =	vpop (erf)  }
0x1fb: {  	v7 =	vmax.f32 v7, $-5.000000000e+00;
	v6 =	vmul.f32 v6, v1  }
0x1fc: {  	v7 =	vmin.f32 v7, $5.000000000e+00  }
0x1fd: {  	[tilespmem:s7+$0xFFFFFFE0] =	vst v6;
	v6 =	vmul.f32 $1.442695020e+00, v7  }
0x1fe: {  	v7 =	vld [tilespmem:s10+$0xFFFFFFF0]  }
0x1ff: {  	v9 =	vbroadcast v6, $0xF;
	_ =	sdelay $0x1  }
0x200: {  	(erf) = vpow2.f32 v9  }
0x201: {  	v6 =	vpop (erf)  }
0x202: {  	v7 =	vmul.f32 v7, v6  }
0x203: {  	v9 =	vmov s11;
	s11 =	smov.u32 s13  }
0x204: {  	[tilespmem:s7+$0xFFFFFFF0] =	vst v7;
	v7 =	vmul.u32 $0x88, v9  }
0x205: {  	v9 =	vld [tilespmem:s10+$0x0]  }
0x206: {  	v4 =	vsel vm1, v8, v4;
	v7 =	vbroadcast v7, $0x0  }
0x207: {  	v4 =	vsel vm2, v4, v5  }
0x208: {  	v5 =	vsel vm3, v4, v3;
	v4 =	vadd.s32 v0, v7  }
0x209: {  	v2 =	vsel vm4, v5, v2;
	v3 =	vpop (erf)  }
0x20a: {  	v1 =	vsel vm5, v2, v1;
	v2 =	vmul.f32 v9, v3  }
0x20b: {  	v1 =	vsel vm6, v1, v6  }
.Ltmp8:
0x20c: {  	v1 =	vsel vm7, v1, v3;
	[tilespmem:s7+$0x0] =	vst v2;
	(pc) =	sbr.rel @p0 .LBB2_9-.Ltmp8, $4  }
0x20d: {  	s12 =	sadd.s32 $0x80, s12;
	[tilespmem:v4+s23+$0x0] =	vst.idx.msk $0xff, v1  }
0x20e: {  	s10 =	sadd.s32 $0x100, s10;
	v1 =	vld [tilespmem:s12+$0xFFFFFF90]  }
0x20f: {  	v2 =	vld [tilespmem:s10+$0xFFFFFF10]  }
0x210: {  	s13 =	sadd.s32 $0x1, s13  }
0x211: {  	_ =	sdelay $0x2  }
0x212: {  	v1 =	vmul.f32 v1, v2;
	_ =	sdelay $0x1  }
0x213: {  	v2 =	vld [tilespmem:s10+$0xFFFFFF20];
	(xrf2) =	vadd.scan.msk.f32 $0xffff, v1  }
0x214: {  	v1 =	vld [tilespmem:s12+$0xFFFFFFA0];
	_ =	sdelay $0x4  }
0x215: {  	v1 =	vmul.f32 v1, v2  }
0x216: {  	v3 =	vld [tilespmem:s12+$0xFFFFFFB0]  }
0x217: {  	v2 =	vld [tilespmem:s10+$0xFFFFFF30]  }
0x218: {  	(xrf2) =	vadd.scan.msk.f32 $0xffff, v1  }
0x219: {  	v1, _, _ =	vpop (xrf2)  }
0x21a: {  	v1 =	vmax.f32 v1, $-5.000000000e+00  }
0x21b: {  	v1 =	vmin.f32 v1, $5.000000000e+00  }
0x21c: {  	v2 =	vmul.f32 v3, v2;
	v1 =	vmul.f32 $1.442695020e+00, v1;
	_ =	sdelay $0x1  }
0x21d: {  	(xrf2) =	vadd.scan.msk.f32 $0xffff, v2;
	v1 =	vbroadcast v1, $0xF  }
0x21e: {  	v3 =	vld [tilespmem:s10+$0xFFFFFF40]  }
0x21f: {  	v2 =	vld [tilespmem:s12+$0xFFFFFFC0];
	(erf) = vpow2.f32 v1;
	_ =	sdelay $0x1  }
0x220: {  	v1, _, _ =	vpop (xrf2)  }
0x221: {  	v1 =	vmax.f32 v1, $-5.000000000e+00  }
0x222: {  	v4 =	vld [tilespmem:s10+$0xFFFFFF60];
	v1 =	vmin.f32 v1, $5.000000000e+00  }
0x223: {  	v2 =	vmul.f32 v2, v3;
	v3 =	vld [tilespmem:s10+$0xFFFFFF90];
	v1 =	vmul.f32 $1.442695020e+00, v1  }
0x224: {  	v5 =	vld [tilespmem:s10+$0xFFFFFF50]  }
0x225: {  	v6 =	vld [tilespmem:s12+$0x0];
	(xrf2) =	vadd.scan.msk.f32 $0xffff, v2;
	v1 =	vbroadcast v1, $0xF  }
0x226: {  	v2 =	vld [tilespmem:s12+$0xFFFFFFD0];
	v7, _, _ =	vpop (xrf2)  }
0x227: {  	v9 =	vld [tilespmem:s12+$0xFFFFFFF0];
	(erf) = vpow2.f32 v1;
	v8 =	vpop (erf)  }
0x228: {  	v10 =	vld [tilespmem:s10+$0xFFFFFF70];
	v7 =	vmax.f32 v7, $-5.000000000e+00;
	v3 =	vmul.f32 v3, v8  }
0x229: {  	s7 =	sadd.s32 $0x88, s7;
	v11 =	vld [tilespmem:s12+$0xFFFFFFE0];
	v7 =	vmin.f32 v7, $5.000000000e+00  }
0x22a: {  	v1 =	vld [tilespmem:s10+$0xFFFFFF80];
	[tilespmem:s7+$0xFFFFFF90] =	vst v3;
	v3 =	vmul.f32 $1.442695020e+00, v7  }
0x22b: {  	v2 =	vmul.f32 v2, v5  }
0x22c: {  	v48 =	vld [tilespmem:s10+$0xFFFFFFA0];
	v3 =	vbroadcast v3, $0xF  }
0x22d: {  	(xrf2) =	vadd.scan.msk.f32 $0xffff, v2;
	_ =	sdelay $0x1  }
0x22e: {  	v2, _, _ =	vpop (xrf2);
	(erf) = vpow2.f32 v3  }
0x22f: {  	v2 =	vmax.f32 v2, $-5.000000000e+00;
	v3 =	vpop (erf)  }
0x230: {  	v2 =	vmin.f32 v2, $5.000000000e+00;
	v5 =	vmul.f32 v48, v3  }
0x231: {  	v2 =	vmul.f32 $1.442695020e+00, v2  }
0x232: {  	v4 =	vmul.f32 v11, v4;
	[tilespmem:s7+$0xFFFFFFA0] =	vst v5  }
0x233: {  	v2 =	vbroadcast v2, $0xF;
	v5 =	vld [tilespmem:s10+$0xFFFFFFB0]  }
0x234: {  	(xrf2) =	vadd.scan.msk.f32 $0xffff, v4;
	_ =	sdelay $0x1  }
0x235: {  	v49, _, _ =	vpop (xrf2);
	(erf) = vpow2.f32 v2  }
0x236: {  	v2 =	vpop (erf)  }
0x237: {  	v4 =	vmax.f32 v49, $-5.000000000e+00;
	v5 =	vmul.f32 v5, v2  }
0x238: {  	v4 =	vmin.f32 v4, $5.000000000e+00  }
0x239: {  	v50 =	vmul.f32 v9, v10;
	v4 =	vmul.f32 $1.442695020e+00, v4;
	[tilespmem:s7+$0xFFFFFFB0] =	vst v5  }
0x23a: {  	v5 =	vld [tilespmem:s10+$0xFFFFFFC0]  }
0x23b: {  	(xrf2) =	vadd.scan.msk.f32 $0xffff, v50;
	v4 =	vbroadcast v4, $0xF;
	_ =	sdelay $0x1  }
0x23c: {  	v51, _, _ =	vpop (xrf2);
	(erf) = vpow2.f32 v4  }
0x23d: {  	v52 =	vpop (erf)  }
0x23e: {  	v7 =	vmax.f32 v51, $-5.000000000e+00;
	v5 =	vmul.f32 v5, v52  }
0x23f: {  	v7 =	vmin.f32 v7, $5.000000000e+00  }
0x240: {  	v1 =	vmul.f32 v6, v1;
	v53 =	vmul.f32 $1.442695020e+00, v7;
	[tilespmem:s7+$0xFFFFFFC0] =	vst v5  }
0x241: {  	v54 =	vld [tilespmem:s10+$0xFFFFFFD0]  }
0x242: {  	(xrf2) =	vadd.scan.msk.f32 $0xffff, v1;
	v5 =	vbroadcast v53, $0xF;
	_ =	sdelay $0x1  }
0x243: {  	v1, _, _ =	vpop (xrf2);
	(erf) = vpow2.f32 v5  }
0x244: {  	v1 =	vmax.f32 v1, $-5.000000000e+00;
	v55 =	vpop (erf)  }
0x245: {  	v1 =	vmin.f32 v1, $5.000000000e+00;
	v6 =	vmul.f32 v54, v55  }
0x246: {  	v1 =	vmul.f32 $1.442695020e+00, v1  }
0x247: {  	[tilespmem:s7+$0xFFFFFFD0] =	vst v6  }
0x248: {  	v1 =	vbroadcast v1, $0xF;
	v6 =	vld [tilespmem:s10+$0xFFFFFFE0];
	_ =	sdelay $0x2  }
0x249: {  	v56, _, _ =	vpop (xrf2);
	(erf) = vpow2.f32 v1  }
0x24a: {  	v1 =	vpop (erf)  }
0x24b: {  	v7 =	vmax.f32 v56, $-5.000000000e+00;
	v6 =	vmul.f32 v6, v1  }
0x24c: {  	v7 =	vmin.f32 v7, $5.000000000e+00  }
0x24d: {  	v57 =	vmul.f32 $1.442695020e+00, v7;
	[tilespmem:s7+$0xFFFFFFE0] =	vst v6  }
0x24e: {  	v58 =	vld [tilespmem:s10+$0xFFFFFFF0]  }
0x24f: {  	v6 =	vbroadcast v57, $0xF;
	_ =	sdelay $0x1  }
0x250: {  	(erf) = vpow2.f32 v6  }
0x251: {  	v59 =	vpop (erf)  }
0x252: {  	v7 =	vmul.f32 v58, v59  }
0x253: {  	v60 =	vmov s11  }
0x254: {  	v61 =	vmul.u32 $0x88, v60;
	[tilespmem:s7+$0xFFFFFFF0] =	vst v7  }
0x255: {  	v8 =	vnsel vm0, $0x0, v8;
	v62 =	vld [tilespmem:s10+$0x0]  }
0x256: {  	v3 =	vsel vm1, v8, v3;
	v7 =	vbroadcast v61, $0x0  }
0x257: {  	v2 =	vsel vm2, v3, v2  }
0x258: {  	v2 =	vsel vm3, v2, v52;
	v3 =	vadd.s32 v0, v7  }
0x259: {  	v2 =	vsel vm4, v2, v55;
	v63 =	vpop (erf)  }
0x25a: {  	v1 =	vsel vm5, v2, v1;
	v2 =	vmul.f32 v62, v63  }
0x25b: {  	v1 =	vsel vm6, v1, v59  }
0x25c: {  	v1 =	vsel vm7, v1, v63;
	[tilespmem:s7+$0x0] =	vst v2  }
.Ltmp9:
0x25d: {  	[tilespmem:v3+s23+$0x0] =	vst.idx.msk $0xff, v1;
	(pc) =	sbr.rel .LBB2_11-.Ltmp9, $4  }
0x25e: {  	_ =	swait.ge [sflag:s24], $0x1540  }
0x25f: {  	[sflag:s24] =	ssyncset.done $0x0  }
0x260: {  	[sflag:s24] =	ssyncadd.s32 $0xFFFFEAC0  }
0x261: {  	[spmem:s3] =	stream.indirect.scatter.add.f32 [tilespmem:s23], [sflag:$0x6], $0x88, s26, s18, $0xb8;
	[tilespmem:$0x1FD10] =	vst v63  }
.LBB2_13:
0x262: {  	_ =	sfence.sel $0x180000  }
0x263: {  	[bflag:$0x0] =	sbarrier.arrive $0xFFFF  }
0x264: {  	_ =	strace $0x90000047  }
0x265: {  	s0 =	stileid.u32;
	[bflag:$0x2] =	sbarrier.arrive $0xFFFF  }
0x266: {  	p0 =	sne.s32 s0, $0x0;
	s0 =	rddreg [dreg:$0x3]  }
0x267: {  	s0 =	sadd.s32 @!p0 $0x100000, s0  }
0x268: {  	[sflag:s0] =	ssyncadd.tile.s32 @!p0 $0x1;
	_ =	shalt  }
.Lfunc_end2:
_tile_overlayer_lowered:
.L_overlay_start_2:
0x269: {  	(tag) =	ssettag $0x2  }
0x26a: {  	s0 =	rddreg [dreg:$0x0];
	s2 =	stileid.u32  }
0x26b: {  	s1 =	rddreg [dreg:$0x1];
	p0 =	sne.s32 s2, $0x0  }
0x26c: {  	s3 =	rddreg [dreg:$0x2];
	[bflag:$0x3] =	sbarrier.arrive $0xFFFF;
	s2 =	simm.s32 @!p0 $0x1C07  }
0x26d: {  	[timem:s3], [sflag:s2] =	dma.local @!p0 [hbm:s0], s1  }
0x26e: {  	s0 =	simm.s32 @!p0 $0x7  }
0x26f: {  	_ =	swait.ge @!p0 [sflag:s0], s1  }
0x270: {  	s1 =	ssub.s32 @!p0 $0x0, s1;
	[sflag:s0] =	ssyncset.done @!p0 $0x0  }
0x271: {  	[sflag:s0] =	ssyncadd.s32 @!p0 s1  }
0x272: {  	[bflag:$0x3] =	sbarrier.arrive $0xFFFF  }
0x273: {  	_ =	shalt  }

</sc_bundles>
